<compile_context>
chip_gen: v7x
topology: tpu7x:2x2x1
jax: 0.10.2.dev20260603
libtpu: 0.0.44.dev20260713+nightly
codegen_flags: <defaults>
</compile_context>

<pallas_src>
import functools

import jax
import jax.numpy as jnp
import numpy as np
from jax import lax
from jax.experimental import pallas as pl
from jax.experimental.pallas import tpu as pltpu
from jax.experimental.pallas import tpu_sc as plsc

N = 10000
E = 160000
WIDTH = 16
DEPTH = 4

NW = 32
EPW = E // NW
CH = 125
NCH = EPW // CH
AGG_N = 10240
RPS = AGG_N // 16



@functools.cache
def _sc_kernels():
    mesh = plsc.VectorSubcoreMesh(core_axis_name="c", subcore_axis_name="s")
    cparams = pltpu.CompilerParams(use_tc_tiling_on_sc=False)

    @functools.partial(
        pl.kernel,
        out_type=jax.ShapeDtypeStruct((E, WIDTH), jnp.float32),
        mesh=mesh,
        compiler_params=cparams,
        scratch_types=[
            pltpu.VMEM((NCH, CH), jnp.int32),
            pltpu.VMEM((EPW, WIDTH), jnp.float32),
            pltpu.VMEM_SHARED((AGG_N, WIDTH), jnp.float32),
            pltpu.SemaphoreType.DMA,
        ],
    )
    def sc_gather(h_hbm, src_hbm, out_hbm, idx_v, rows_v, h_sh, sem):
        c = lax.axis_index("c")
        s = lax.axis_index("s")
        wid = s * 2 + c

        @pl.when(s == 0)
        def _():
            pltpu.sync_copy(h_hbm, h_sh)

        pltpu.sync_copy(src_hbm.at[wid], idx_v)
        plsc.subcore_barrier()

        def fire(j, carry):
            pltpu.async_copy(h_sh.at[idx_v.at[j]],
                             rows_v.at[pl.ds(j * CH, CH)], sem)
            return carry

        lax.fori_loop(0, NCH, fire, 0)
        pltpu.make_async_copy(out_hbm.at[pl.ds(wid * EPW, EPW)], rows_v,
                              sem).wait()
        pltpu.sync_copy(rows_v, out_hbm.at[pl.ds(wid * EPW, EPW)])

    @functools.partial(
        pl.kernel,
        out_type=jax.ShapeDtypeStruct((2, AGG_N, WIDTH), jnp.float32),
        mesh=mesh,
        compiler_params=cparams,
        scratch_types=[
            pltpu.VMEM((NCH, CH), jnp.int32),
            pltpu.VMEM((EPW, WIDTH), jnp.float32),
            pltpu.VMEM_SHARED((AGG_N, WIDTH), jnp.float32),
        ],
    )
    def sc_scatter(msg_hbm, dst_hbm, zeros_hbm, out_hbm, idx_v, msg_v, agg_sh):
        c = lax.axis_index("c")
        s = lax.axis_index("s")
        wid = s * 2 + c

        @pl.when(s == 0)
        def _():
            pltpu.sync_copy(zeros_hbm, agg_sh)

        pltpu.sync_copy(dst_hbm.at[wid], idx_v)
        pltpu.sync_copy(msg_hbm.at[pl.ds(wid * EPW, EPW)], msg_v)
        plsc.subcore_barrier()

        def body(j, carry):
            pltpu.sync_copy(msg_v.at[pl.ds(j * CH, CH)],
                            agg_sh.at[idx_v.at[j]], add=True)
            return carry

        lax.fori_loop(0, NCH, body, 0)
        plsc.subcore_barrier()
        pltpu.sync_copy(agg_sh.at[pl.ds(s * RPS, RPS)],
                        out_hbm.at[c, pl.ds(s * RPS, RPS)])

    @functools.partial(
        pl.kernel,
        out_type=jax.ShapeDtypeStruct((2, AGG_N, WIDTH), jnp.float32),
        mesh=mesh,
        compiler_params=cparams,
        scratch_types=[
            pltpu.VMEM((NCH, CH), jnp.int32),
            pltpu.VMEM((CH, WIDTH), jnp.float32),
            pltpu.VMEM_SHARED((AGG_N, WIDTH), jnp.float32),
        ],
    )
    def sc_count(dst_hbm, zeros_hbm, ones_hbm, out_hbm, idx_v, ones_v, cnt_sh):
        c = lax.axis_index("c")
        s = lax.axis_index("s")
        wid = s * 2 + c

        @pl.when(s == 0)
        def _():
            pltpu.sync_copy(zeros_hbm, cnt_sh)

        pltpu.sync_copy(dst_hbm.at[wid], idx_v)
        pltpu.sync_copy(ones_hbm, ones_v)
        plsc.subcore_barrier()

        def body(j, carry):
            pltpu.sync_copy(ones_v, cnt_sh.at[idx_v.at[j]], add=True)
            return carry

        lax.fori_loop(0, NCH, body, 0)
        plsc.subcore_barrier()
        pltpu.sync_copy(cnt_sh.at[pl.ds(s * RPS, RPS)],
                        out_hbm.at[c, pl.ds(s * RPS, RPS)])

    return sc_gather, sc_scatter, sc_count



def _dot(a, b):
    return jax.lax.dot_general(a, b, (((1,), (0,)), ((), ())),
                               preferred_element_type=jnp.float32)


def _lift_body(x_ref, wf1, bf1, wf2, bf2, wc1, bc1, o_ref):
    x = x_ref[...]
    h = jnp.sin(_dot(x, wf1[...]) + bf1[...])
    o_ref[...] = _dot(h, wf2[...]) + bf2[...] + _dot(x, wc1[...]) + bc1[...]


def _bdot(a, b, out=jnp.float32):
    return jax.lax.dot_general(a.astype(jnp.bfloat16), b.astype(jnp.bfloat16),
                               (((1,), (0,)), ((), ())),
                               preferred_element_type=out)


def _edge_mlp_body(ea_ref, w1, b1, w2, b2, o_ref):
    e = jnp.maximum(_dot(ea_ref[...], w1[...]) + b1[...], 0.0)
    e = jnp.maximum(_dot(e, w2[...]) + b2[...], 0.0)
    o_ref[...] = e.astype(jnp.bfloat16)


def _msg_body(e3_ref, hsp_ref, wk3, bk3, r2, s, o_ref):
    w = _bdot(e3_ref[...], wk3[...]) + bk3[...]
    hsp = hsp_ref[...]
    br = hsp.shape[0]
    cols = []
    for a in range(8):
        hsx_a = _bdot(hsp[:, 16 * a:16 * (a + 1)], r2[...])
        t_a = w[a * br:(a + 1) * br, :] * hsx_a
        cols.append(_bdot(t_a, s[...]))
    o_ref[...] = jnp.concatenate(cols, axis=1)


def _inv_body(c0_ref, c1_ref, o_ref):
    o_ref[...] = 1.0 / jnp.maximum(c0_ref[...] + c1_ref[...], 1.0)


def _update_body(a0_ref, a1_ref, inv_ref, h_ref, rootbd, cb8, o_ref, *, relu):
    agg = (a0_ref[...] + a1_ref[...]) * inv_ref[...]
    h = agg + _dot(h_ref[...], rootbd[...]) + cb8[...]
    if relu:
        h = jnp.maximum(h, 0.0)
    o_ref[...] = h


def _final_body(a0_ref, a1_ref, inv_ref, h_ref, rootbd, cb8, wfc2bd, bfc2,
                o_ref):
    agg = (a0_ref[...] + a1_ref[...]) * inv_ref[...]
    h = agg + _dot(h_ref[...], rootbd[...]) + cb8[...]
    o_ref[...] = _dot(h, wfc2bd[...]) + bfc2[...]


def _full(x):
    return pl.BlockSpec(x.shape, lambda *_: tuple(0 for _ in x.shape))


def _expansion_mats():
    r2 = np.zeros((WIDTH, WIDTH * WIDTH), np.float32)
    s = np.zeros((WIDTH * WIDTH, WIDTH), np.float32)
    for i in range(WIDTH):
        for o in range(WIDTH):
            r2[i, WIDTH * i + o] = 1.0
            s[WIDTH * i + o, o] = 1.0
    return jnp.asarray(r2), jnp.asarray(s)



def kernel(x, edge_index, edge_attr, Wff1, bff1, Wff2, bff2, Wfc1, bfc1,
           Wk1, bk1, Wk2, bk2, Wk3, bk3, root, conv_bias, Wfc2, bfc2):
    f32 = jnp.float32
    sc_gather, sc_scatter, sc_count = _sc_kernels()

    src3 = edge_index[0].astype(jnp.int32).reshape(NW, NCH, CH)
    dst3 = edge_index[1].astype(jnp.int32).reshape(NW, NCH, CH)
    zeros_agg = jnp.zeros((AGG_N, WIDTH), f32)
    NPK = AGG_N // 8
    rootbd = jnp.kron(jnp.eye(8, dtype=f32), root)
    cb8 = jnp.tile(conv_bias, 8).reshape(1, 128)
    wfc2bd = jnp.kron(jnp.eye(8, dtype=f32), Wfc2)
    ones_ch = jnp.ones((CH, WIDTH), f32)
    r2, smat = _expansion_mats()

    cntp = sc_count(dst3, zeros_agg, ones_ch).reshape(2, NPK, 128)
    inv_p = pl.pallas_call(
        _inv_body,
        out_shape=jax.ShapeDtypeStruct((NPK, 128), f32),
    )(cntp[0], cntp[1])

    BN = 2000
    h = pl.pallas_call(
        _lift_body,
        grid=(N // BN,),
        in_specs=[pl.BlockSpec((BN, x.shape[1]), lambda i: (i, 0)),
                  _full(Wff1), _full(bff1.reshape(1, -1)),
                  _full(Wff2), _full(bff2.reshape(1, -1)),
                  _full(Wfc1), _full(bfc1.reshape(1, -1))],
        out_specs=pl.BlockSpec((BN, WIDTH), lambda i: (i, 0)),
        out_shape=jax.ShapeDtypeStruct((N, WIDTH), f32),
    )(x, Wff1, bff1.reshape(1, -1), Wff2, bff2.reshape(1, -1),
      Wfc1, bfc1.reshape(1, -1))
    h_p = jnp.zeros((AGG_N, WIDTH), f32).at[:N].set(h).reshape(NPK, 128)

    b1_2d = bk1.reshape(1, -1)
    b2_2d = bk2.reshape(1, -1)
    bk3_2d = bk3.reshape(1, -1)
    cb_2d = conv_bias.reshape(1, -1)
    bfc2_2d = bfc2.reshape(1, -1)

    BE = 3200
    BR = BE // 8
    perm = np.arange(E).reshape(E // BE, BR, 8).transpose(0, 2, 1).reshape(E)
    ea_perm = edge_attr[jnp.asarray(perm)]
    KDIM = Wk2.shape[1]
    e3p = pl.pallas_call(
        _edge_mlp_body,
        grid=(E // BE,),
        in_specs=[pl.BlockSpec((BE, ea_perm.shape[1]), lambda i: (i, 0)),
                  _full(Wk1), _full(b1_2d), _full(Wk2), _full(b2_2d)],
        out_specs=pl.BlockSpec((BE, KDIM), lambda i: (i, 0)),
        out_shape=jax.ShapeDtypeStruct((E, KDIM), jnp.bfloat16),
    )(ea_perm, Wk1, b1_2d, Wk2, b2_2d)
    for k in range(DEPTH):
        hs = sc_gather(h_p.reshape(AGG_N, WIDTH), src3)
        hs_p = hs.reshape(E // 8, 128)
        msg_p = pl.pallas_call(
            _msg_body,
            grid=(E // BE,),
            in_specs=[pl.BlockSpec((BE, KDIM), lambda i: (i, 0)),
                      pl.BlockSpec((BR, 128), lambda i: (i, 0)),
                      _full(Wk3), _full(bk3_2d), _full(r2), _full(smat)],
            out_specs=pl.BlockSpec((BR, 128), lambda i: (i, 0)),
            out_shape=jax.ShapeDtypeStruct((E // 8, 128), f32),
        )(e3p, hs_p, Wk3, bk3_2d, r2, smat)
        aggp = sc_scatter(msg_p.reshape(E, WIDTH), dst3,
                          zeros_agg).reshape(2, NPK, 128)
        if k != DEPTH - 1:
            h_p = pl.pallas_call(
                functools.partial(_update_body, relu=True),
                out_shape=jax.ShapeDtypeStruct((NPK, 128), f32),
            )(aggp[0], aggp[1], inv_p, h_p, rootbd, cb8)
        else:
            out_p = pl.pallas_call(
                _final_body,
                out_shape=jax.ShapeDtypeStruct((NPK, 8), f32),
            )(aggp[0], aggp[1], inv_p, h_p, rootbd, cb8, wfc2bd, bfc2_2d)
    return out_p.reshape(AGG_N, 1)[:N]

# --- scband reference (transcript-rebuilt; emitter-appended) ---
"""Pipeline reference for scband-kernel-nn-ff-21062519619856 (READ-ONLY COPY).

The authoritative reference and input builder live on the scoring server;
editing this copy changes nothing except your own understanding.
"""

import jax, jax.numpy as jnp
import numpy as np

N = 10000
E = 160000
IN_W = 128
WIDTH = 16
WK = 64
KER_IN = 4
DEPTH = 4


def _lin(k, fi, fo):
    k1, k2 = jax.random.split(k)
    s = 1.0 / np.sqrt(fi)
    W = jax.random.uniform(k1, (fi, fo), minval=-s, maxval=s, dtype=jnp.float32)
    b = jax.random.uniform(k2, (fo,), minval=-s, maxval=s, dtype=jnp.float32)
    return W, b


def setup_inputs(seed: int = 0):
    key = jax.random.key(seed)
    ks = jax.random.split(key, 12)
    x = jax.random.normal(ks[0], (N, IN_W), dtype=jnp.float32)
    edge_index = jax.random.randint(ks[1], (2, E), 0, N)
    edge_attr = jax.random.uniform(ks[2], (E, KER_IN), dtype=jnp.float32)
    Wff1, bff1 = _lin(ks[3], IN_W, WIDTH)
    Wff2, bff2 = _lin(ks[4], WIDTH, WIDTH)
    Wfc1, bfc1 = _lin(ks[5], IN_W, WIDTH)
    Wk1, bk1 = _lin(ks[6], KER_IN, WK // 2)
    Wk2, bk2 = _lin(ks[7], WK // 2, WK)
    Wk3, bk3 = _lin(ks[8], WK, WIDTH * WIDTH)
    root = _lin(ks[9], WIDTH, WIDTH)[0]
    conv_bias = jnp.zeros((WIDTH,), dtype=jnp.float32)
    Wfc2, bfc2 = _lin(ks[10], WIDTH, 1)
    return dict(x=x, edge_index=edge_index, edge_attr=edge_attr,
                Wff1=Wff1, bff1=bff1, Wff2=Wff2, bff2=bff2,
                Wfc1=Wfc1, bfc1=bfc1, Wk1=Wk1, bk1=bk1, Wk2=Wk2, bk2=bk2,
                Wk3=Wk3, bk3=bk3, root=root, conv_bias=conv_bias,
                Wfc2=Wfc2, bfc2=bfc2)


def reference(x, edge_index, edge_attr, Wff1, bff1, Wff2, bff2, Wfc1, bfc1,
              Wk1, bk1, Wk2, bk2, Wk3, bk3, root, conv_bias, Wfc2, bfc2):
    src = edge_index[0]
    dst = edge_index[1]
    cnt = jax.ops.segment_sum(jnp.ones((E,), jnp.float32), dst, num_segments=N)
    cnt = jnp.maximum(cnt, 1.0)
    # feed-forward lift: sin activation branch + linear skip branch
    h = jnp.sin(x @ Wff1 + bff1)
    h = (h @ Wff2 + bff2) + (x @ Wfc1 + bfc1)
    for k in range(DEPTH):
        # DenseNet kernel: ker_in -> wk/2 -> wk -> width^2 with ReLU between layers
        e = jax.nn.relu(edge_attr @ Wk1 + bk1)
        e = jax.nn.relu(e @ Wk2 + bk2)
        w = (e @ Wk3 + bk3).reshape(E, WIDTH, WIDTH)
        # NNConv message: x_j (source) times per-edge weight matrix
        msg = jnp.einsum('ei,eio->eo', h[src], w)
        # mean aggregation at destination nodes
        agg = jax.ops.segment_sum(msg, dst, num_segments=N) / cnt[:, None]
        # root weight (no bias) + conv bias
        h = agg + h @ root + conv_bias
        if k != DEPTH - 1:
            h = jax.nn.relu(h)
    return h @ Wfc2 + bfc2

if __name__ == "__main__":
    import jax
    _d = setup_inputs()
    print(jax.jit(kernel)(*tuple(_d.values())))

</pallas_src>

<mosaic_0001>
#map = affine_map<(d0, d1) -> (0, 0)>
#map1 = affine_map<(d0, d1) -> (0, 0, 0)>
module attributes {stable_mosaic.version = 14 : i64} {
  func.func @sc_scatter(%arg0: i32, %arg1: i32, %arg2: memref<160000x16xf32, #tpu.memory_space<hbm>>, %arg3: memref<32x40x125xi32, #tpu.memory_space<hbm>>, %arg4: memref<10240x16xf32, #tpu.memory_space<hbm>>, %arg5: memref<2x10240x16xf32, #tpu.memory_space<hbm>>, %arg6: memref<40x125xi32, #tpu.memory_space<vmem>>, %arg7: memref<5000x16xf32, #tpu.memory_space<vmem>>, %arg8: memref<10240x16xf32, #tpu.memory_space<vmem_shared>>) attributes {dimension_semantics = [#tpu.dimension_semantics<core_parallel>, #tpu.dimension_semantics<subcore_parallel>], iteration_bounds = array<i64: 2, 16>, scalar_prefetch = 0 : i64, scratch_operands = 3 : i64, tpu.core_type = #tpu.core_type<sc_vector_subcore>, window_params = [{transform_indices = #map}, {transform_indices = #map1}, {transform_indices = #map}, {transform_indices = #map1}]} {
    %mul3A = arith.constant 2 : i32
    %mul3A_0 = arith.muli %arg1, %mul3A : i32
    %add3A = arith.addi %mul3A_0, %arg0 : i32
    %eq3A = arith.constant 0 : i32
    %eq3A_1 = arith.cmpi eq, %arg1, %eq3A : i32
    %convert_element_type3A = arith.extui %eq3A_1 : i1 to i32
    %cond3A = arith.constant 0 : i32
    %cond3A_2 = arith.cmpi ne, %convert_element_type3A, %cond3A : i32
    scf.if %cond3A_2 {
      "tpu.region"() ({
        %run_scoped3A = tpu.sem_alloc : memref<!tpu.dma_semaphore, #tpu.memory_space<semaphore_mem>>
        tpu.enqueue_dma source(%arg4 : memref<10240x16xf32, #tpu.memory_space<hbm>>) target(%arg8 : memref<10240x16xf32, #tpu.memory_space<vmem_shared>>) target_semaphore(%run_scoped3A : memref<!tpu.dma_semaphore, #tpu.memory_space<semaphore_mem>>)
        tpu.wait_dma2 semaphore(%run_scoped3A : memref<!tpu.dma_semaphore, #tpu.memory_space<semaphore_mem>>) src(%arg4 : memref<10240x16xf32, #tpu.memory_space<hbm>>) dst(%arg8 : memref<10240x16xf32, #tpu.memory_space<vmem_shared>>)
        tpu.yield
      }) : () -> ()
    } else {
    }
    "tpu.region"() ({
      %run_scoped3A = tpu.sem_alloc : memref<!tpu.dma_semaphore, #tpu.memory_space<semaphore_mem>>
      %dma_start3A = arith.constant 0 : i32
      %dma_start3A_15 = arith.constant 0 : i32
      %dma_start3A_16 = tpu.memref_slice %arg3[%add3A, %dma_start3A, %dma_start3A_15] : memref<32x40x125xi32, #tpu.memory_space<hbm>> -> memref<1x40x125xi32, #tpu.memory_space<hbm>>
      %dma_start3A_17 = tpu.memref_squeeze %dma_start3A_16 : memref<1x40x125xi32, #tpu.memory_space<hbm>> -> memref<40x125xi32, #tpu.memory_space<hbm>>
      %dma_start3A_18 = arith.constant 0 : i32
      %dma_start3A_19 = arith.constant 0 : i32
      %dma_start3A_20 = tpu.memref_slice %arg3[%add3A, %dma_start3A_18, %dma_start3A_19] : memref<32x40x125xi32, #tpu.memory_space<hbm>> -> memref<1x40x125xi32, #tpu.memory_space<hbm>>
      %dma_start3A_21 = tpu.memref_squeeze %dma_start3A_20 : memref<1x40x125xi32, #tpu.memory_space<hbm>> -> memref<40x125xi32, #tpu.memory_space<hbm>>
      tpu.enqueue_dma source(%dma_start3A_21 : memref<40x125xi32, #tpu.memory_space<hbm>>) target(%arg6 : memref<40x125xi32, #tpu.memory_space<vmem>>) target_semaphore(%run_scoped3A : memref<!tpu.dma_semaphore, #tpu.memory_space<semaphore_mem>>)
      %dma_wait3A = arith.constant 0 : i32
      %dma_wait3A_22 = arith.constant 0 : i32
      %dma_wait3A_23 = tpu.memref_slice %arg3[%add3A, %dma_wait3A, %dma_wait3A_22] : memref<32x40x125xi32, #tpu.memory_space<hbm>> -> memref<1x40x125xi32, #tpu.memory_space<hbm>>
      %dma_wait3A_24 = tpu.memref_squeeze %dma_wait3A_23 : memref<1x40x125xi32, #tpu.memory_space<hbm>> -> memref<40x125xi32, #tpu.memory_space<hbm>>
      %dma_wait3A_25 = arith.constant 0 : i32
      %dma_wait3A_26 = arith.constant 0 : i32
      %dma_wait3A_27 = tpu.memref_slice %arg3[%add3A, %dma_wait3A_25, %dma_wait3A_26] : memref<32x40x125xi32, #tpu.memory_space<hbm>> -> memref<1x40x125xi32, #tpu.memory_space<hbm>>
      %dma_wait3A_28 = tpu.memref_squeeze %dma_wait3A_27 : memref<1x40x125xi32, #tpu.memory_space<hbm>> -> memref<40x125xi32, #tpu.memory_space<hbm>>
      tpu.wait_dma2 semaphore(%run_scoped3A : memref<!tpu.dma_semaphore, #tpu.memory_space<semaphore_mem>>) src(%dma_wait3A_28 : memref<40x125xi32, #tpu.memory_space<hbm>>) dst(%arg6 : memref<40x125xi32, #tpu.memory_space<vmem>>)
      tpu.yield
    }) : () -> ()
    %mul3A_3 = arith.constant 5000 : i32
    %mul3A_4 = arith.muli %add3A, %mul3A_3 : i32
    "tpu.region"() ({
      %run_scoped3A = tpu.sem_alloc : memref<!tpu.dma_semaphore, #tpu.memory_space<semaphore_mem>>
      %dma_start3A = arith.constant 0 : i32
      %dma_start3A_15 = tpu.memref_slice %arg2[%mul3A_4, %dma_start3A] : memref<160000x16xf32, #tpu.memory_space<hbm>> -> memref<5000x16xf32, #tpu.memory_space<hbm>>
      %dma_start3A_16 = arith.constant 0 : i32
      %dma_start3A_17 = tpu.memref_slice %arg2[%mul3A_4, %dma_start3A_16] : memref<160000x16xf32, #tpu.memory_space<hbm>> -> memref<5000x16xf32, #tpu.memory_space<hbm>>
      tpu.enqueue_dma source(%dma_start3A_17 : memref<5000x16xf32, #tpu.memory_space<hbm>>) target(%arg7 : memref<5000x16xf32, #tpu.memory_space<vmem>>) target_semaphore(%run_scoped3A : memref<!tpu.dma_semaphore, #tpu.memory_space<semaphore_mem>>)
      %dma_wait3A = arith.constant 0 : i32
      %dma_wait3A_18 = tpu.memref_slice %arg2[%mul3A_4, %dma_wait3A] : memref<160000x16xf32, #tpu.memory_space<hbm>> -> memref<5000x16xf32, #tpu.memory_space<hbm>>
      %dma_wait3A_19 = arith.constant 0 : i32
      %dma_wait3A_20 = tpu.memref_slice %arg2[%mul3A_4, %dma_wait3A_19] : memref<160000x16xf32, #tpu.memory_space<hbm>> -> memref<5000x16xf32, #tpu.memory_space<hbm>>
      tpu.wait_dma2 semaphore(%run_scoped3A : memref<!tpu.dma_semaphore, #tpu.memory_space<semaphore_mem>>) src(%dma_wait3A_20 : memref<5000x16xf32, #tpu.memory_space<hbm>>) dst(%arg7 : memref<5000x16xf32, #tpu.memory_space<vmem>>)
      tpu.yield
    }) : () -> ()
    %barrier3A = arith.constant 0 : index
    tpu.barrier barrier_id(%barrier3A)
    %scan3A = arith.constant 0 : i32
    %scan3A_5 = arith.constant 0 : i32
    %scan3A_6 = arith.constant 40 : i32
    %scan3A_7 = arith.addi %scan3A_5, %scan3A_6 : i32
    %scan3A_8 = arith.constant 1 : i32
    scf.for %scan3A_15 = %scan3A_5 to %scan3A_7 step %scan3A_8  : i32 {
      %mul3A_16 = arith.constant 125 : i32
      %mul3A_17 = arith.muli %scan3A_15, %mul3A_16 : i32
      "tpu.region"() ({
        %run_scoped3A = tpu.sem_alloc : memref<!tpu.dma_semaphore, #tpu.memory_space<semaphore_mem>>
        %dma_start3A = arith.constant 0 : i32
        %dma_start3A_18 = tpu.memref_slice %arg7[%mul3A_17, %dma_start3A] : memref<5000x16xf32, #tpu.memory_space<vmem>> -> memref<125x16xf32, #tpu.memory_space<vmem>>
        %dma_start3A_19 = arith.constant 0 : i32
        %dma_start3A_20 = tpu.memref_slice %arg6[%scan3A_15, %dma_start3A_19] : memref<40x125xi32, #tpu.memory_space<vmem>> -> memref<1x125xi32, #tpu.memory_space<vmem>>
        %dma_start3A_21 = tpu.memref_squeeze %dma_start3A_20 : memref<1x125xi32, #tpu.memory_space<vmem>> -> memref<125xi32, #tpu.memory_space<vmem>>
        %dma_start3A_22 = arith.constant 0 : i32
        %dma_start3A_23 = arith.constant 0 : i32
        %dma_start3A_24 = tpu.memref_slice %arg8[%dma_start3A_22, %dma_start3A_23] : memref<10240x16xf32, #tpu.memory_space<vmem_shared>> -> memref<10240x16xf32, #tpu.memory_space<vmem_shared>>
        tpu.enqueue_indirect_dma source(%dma_start3A_18 : memref<125x16xf32, #tpu.memory_space<vmem>>) target(%dma_start3A_24 : memref<10240x16xf32, #tpu.memory_space<vmem_shared>>) offsets(%dma_start3A_21 : memref<125xi32, #tpu.memory_space<vmem>>) semaphore(%run_scoped3A : memref<!tpu.dma_semaphore, #tpu.memory_space<semaphore_mem>>) {add = true}
        %dma_wait3A = arith.constant 0 : i32
        %dma_wait3A_25 = tpu.memref_slice %arg7[%mul3A_17, %dma_wait3A] : memref<5000x16xf32, #tpu.memory_space<vmem>> -> memref<125x16xf32, #tpu.memory_space<vmem>>
        %dma_wait3A_26 = arith.constant 0 : i32
        %dma_wait3A_27 = tpu.memref_slice %arg6[%scan3A_15, %dma_wait3A_26] : memref<40x125xi32, #tpu.memory_space<vmem>> -> memref<1x125xi32, #tpu.memory_space<vmem>>
        %dma_wait3A_28 = tpu.memref_squeeze %dma_wait3A_27 : memref<1x125xi32, #tpu.memory_space<vmem>> -> memref<125xi32, #tpu.memory_space<vmem>>
        %dma_wait3A_29 = arith.constant 0 : i32
        %dma_wait3A_30 = arith.constant 0 : i32
        %dma_wait3A_31 = tpu.memref_slice %arg8[%dma_wait3A_29, %dma_wait3A_30] : memref<10240x16xf32, #tpu.memory_space<vmem_shared>> -> memref<10240x16xf32, #tpu.memory_space<vmem_shared>>
        tpu.wait_indirect_dma semaphore(%run_scoped3A : memref<!tpu.dma_semaphore, #tpu.memory_space<semaphore_mem>>) src(%dma_wait3A_25 : memref<125x16xf32, #tpu.memory_space<vmem>>) dst(%dma_wait3A_31 : memref<10240x16xf32, #tpu.memory_space<vmem_shared>>)
        tpu.yield
      }) : () -> ()
    }
    %scan3A_9 = arith.constant 40 : i32
    %barrier3A_10 = arith.constant 0 : index
    tpu.barrier barrier_id(%barrier3A_10)
    %mul3A_11 = arith.constant 640 : i32
    %mul3A_12 = arith.muli %arg1, %mul3A_11 : i32
    %mul3A_13 = arith.constant 640 : i32
    %mul3A_14 = arith.muli %arg1, %mul3A_13 : i32
    "tpu.region"() ({
      %run_scoped3A = tpu.sem_alloc : memref<!tpu.dma_semaphore, #tpu.memory_space<semaphore_mem>>
      %dma_start3A = arith.constant 0 : i32
      %dma_start3A_15 = tpu.memref_slice %arg5[%arg0, %mul3A_14, %dma_start3A] : memref<2x10240x16xf32, #tpu.memory_space<hbm>> -> memref<1x640x16xf32, #tpu.memory_space<hbm>>
      %dma_start3A_16 = tpu.memref_squeeze %dma_start3A_15 : memref<1x640x16xf32, #tpu.memory_space<hbm>> -> memref<640x16xf32, #tpu.memory_space<hbm>>
      %dma_start3A_17 = arith.constant 0 : i32
      %dma_start3A_18 = tpu.memref_slice %arg8[%mul3A_12, %dma_start3A_17] : memref<10240x16xf32, #tpu.memory_space<vmem_shared>> -> memref<640x16xf32, #tpu.memory_space<vmem_shared>>
      tpu.enqueue_dma source(%dma_start3A_18 : memref<640x16xf32, #tpu.memory_space<vmem_shared>>) target(%dma_start3A_16 : memref<640x16xf32, #tpu.memory_space<hbm>>) target_semaphore(%run_scoped3A : memref<!tpu.dma_semaphore, #tpu.memory_space<semaphore_mem>>)
      %dma_wait3A = arith.constant 0 : i32
      %dma_wait3A_19 = tpu.memref_slice %arg5[%arg0, %mul3A_14, %dma_wait3A] : memref<2x10240x16xf32, #tpu.memory_space<hbm>> -> memref<1x640x16xf32, #tpu.memory_space<hbm>>
      %dma_wait3A_20 = tpu.memref_squeeze %dma_wait3A_19 : memref<1x640x16xf32, #tpu.memory_space<hbm>> -> memref<640x16xf32, #tpu.memory_space<hbm>>
      %dma_wait3A_21 = arith.constant 0 : i32
      %dma_wait3A_22 = tpu.memref_slice %arg8[%mul3A_12, %dma_wait3A_21] : memref<10240x16xf32, #tpu.memory_space<vmem_shared>> -> memref<640x16xf32, #tpu.memory_space<vmem_shared>>
      tpu.wait_dma2 semaphore(%run_scoped3A : memref<!tpu.dma_semaphore, #tpu.memory_space<semaphore_mem>>) src(%dma_wait3A_22 : memref<640x16xf32, #tpu.memory_space<vmem_shared>>) dst(%dma_wait3A_20 : memref<640x16xf32, #tpu.memory_space<hbm>>)
      tpu.yield
    }) : () -> ()
    return
  }
}

#map = affine_map<(d0, d1) -> (0, 0, 0)>
#map1 = affine_map<(d0, d1) -> (0, 0)>
module attributes {stable_mosaic.version = 14 : i64} {
  func.func @sc_count(%arg0: i32, %arg1: i32, %arg2: memref<32x40x125xi32, #tpu.memory_space<hbm>>, %arg3: memref<10240x16xf32, #tpu.memory_space<hbm>>, %arg4: memref<125x16xf32, #tpu.memory_space<hbm>>, %arg5: memref<2x10240x16xf32, #tpu.memory_space<hbm>>, %arg6: memref<40x125xi32, #tpu.memory_space<vmem>>, %arg7: memref<125x16xf32, #tpu.memory_space<vmem>>, %arg8: memref<10240x16xf32, #tpu.memory_space<vmem_shared>>) attributes {dimension_semantics = [#tpu.dimension_semantics<core_parallel>, #tpu.dimension_semantics<subcore_parallel>], iteration_bounds = array<i64: 2, 16>, scalar_prefetch = 0 : i64, scratch_operands = 3 : i64, tpu.core_type = #tpu.core_type<sc_vector_subcore>, window_params = [{transform_indices = #map}, {transform_indices = #map1}, {transform_indices = #map1}, {transform_indices = #map}]} {
    %mul3A = arith.constant 2 : i32
    %mul3A_0 = arith.muli %arg1, %mul3A : i32
    %add3A = arith.addi %mul3A_0, %arg0 : i32
    %eq3A = arith.constant 0 : i32
    %eq3A_1 = arith.cmpi eq, %arg1, %eq3A : i32
    %convert_element_type3A = arith.extui %eq3A_1 : i1 to i32
    %cond3A = arith.constant 0 : i32
    %cond3A_2 = arith.cmpi ne, %convert_element_type3A, %cond3A : i32
    scf.if %cond3A_2 {
      "tpu.region"() ({
        %run_scoped3A = tpu.sem_alloc : memref<!tpu.dma_semaphore, #tpu.memory_space<semaphore_mem>>
        tpu.enqueue_dma source(%arg3 : memref<10240x16xf32, #tpu.memory_space<hbm>>) target(%arg8 : memref<10240x16xf32, #tpu.memory_space<vmem_shared>>) target_semaphore(%run_scoped3A : memref<!tpu.dma_semaphore, #tpu.memory_space<semaphore_mem>>)
        tpu.wait_dma2 semaphore(%run_scoped3A : memref<!tpu.dma_semaphore, #tpu.memory_space<semaphore_mem>>) src(%arg3 : memref<10240x16xf32, #tpu.memory_space<hbm>>) dst(%arg8 : memref<10240x16xf32, #tpu.memory_space<vmem_shared>>)
        tpu.yield
      }) : () -> ()
    } else {
    }
    "tpu.region"() ({
      %run_scoped3A = tpu.sem_alloc : memref<!tpu.dma_semaphore, #tpu.memory_space<semaphore_mem>>
      %dma_start3A = arith.constant 0 : i32
      %dma_start3A_13 = arith.constant 0 : i32
      %dma_start3A_14 = tpu.memref_slice %arg2[%add3A, %dma_start3A, %dma_start3A_13] : memref<32x40x125xi32, #tpu.memory_space<hbm>> -> memref<1x40x125xi32, #tpu.memory_space<hbm>>
      %dma_start3A_15 = tpu.memref_squeeze %dma_start3A_14 : memref<1x40x125xi32, #tpu.memory_space<hbm>> -> memref<40x125xi32, #tpu.memory_space<hbm>>
      %dma_start3A_16 = arith.constant 0 : i32
      %dma_start3A_17 = arith.constant 0 : i32
      %dma_start3A_18 = tpu.memref_slice %arg2[%add3A, %dma_start3A_16, %dma_start3A_17] : memref<32x40x125xi32, #tpu.memory_space<hbm>> -> memref<1x40x125xi32, #tpu.memory_space<hbm>>
      %dma_start3A_19 = tpu.memref_squeeze %dma_start3A_18 : memref<1x40x125xi32, #tpu.memory_space<hbm>> -> memref<40x125xi32, #tpu.memory_space<hbm>>
      tpu.enqueue_dma source(%dma_start3A_19 : memref<40x125xi32, #tpu.memory_space<hbm>>) target(%arg6 : memref<40x125xi32, #tpu.memory_space<vmem>>) target_semaphore(%run_scoped3A : memref<!tpu.dma_semaphore, #tpu.memory_space<semaphore_mem>>)
      %dma_wait3A = arith.constant 0 : i32
      %dma_wait3A_20 = arith.constant 0 : i32
      %dma_wait3A_21 = tpu.memref_slice %arg2[%add3A, %dma_wait3A, %dma_wait3A_20] : memref<32x40x125xi32, #tpu.memory_space<hbm>> -> memref<1x40x125xi32, #tpu.memory_space<hbm>>
      %dma_wait3A_22 = tpu.memref_squeeze %dma_wait3A_21 : memref<1x40x125xi32, #tpu.memory_space<hbm>> -> memref<40x125xi32, #tpu.memory_space<hbm>>
      %dma_wait3A_23 = arith.constant 0 : i32
      %dma_wait3A_24 = arith.constant 0 : i32
      %dma_wait3A_25 = tpu.memref_slice %arg2[%add3A, %dma_wait3A_23, %dma_wait3A_24] : memref<32x40x125xi32, #tpu.memory_space<hbm>> -> memref<1x40x125xi32, #tpu.memory_space<hbm>>
      %dma_wait3A_26 = tpu.memref_squeeze %dma_wait3A_25 : memref<1x40x125xi32, #tpu.memory_space<hbm>> -> memref<40x125xi32, #tpu.memory_space<hbm>>
      tpu.wait_dma2 semaphore(%run_scoped3A : memref<!tpu.dma_semaphore, #tpu.memory_space<semaphore_mem>>) src(%dma_wait3A_26 : memref<40x125xi32, #tpu.memory_space<hbm>>) dst(%arg6 : memref<40x125xi32, #tpu.memory_space<vmem>>)
      tpu.yield
    }) : () -> ()
    "tpu.region"() ({
      %run_scoped3A = tpu.sem_alloc : memref<!tpu.dma_semaphore, #tpu.memory_space<semaphore_mem>>
      tpu.enqueue_dma source(%arg4 : memref<125x16xf32, #tpu.memory_space<hbm>>) target(%arg7 : memref<125x16xf32, #tpu.memory_space<vmem>>) target_semaphore(%run_scoped3A : memref<!tpu.dma_semaphore, #tpu.memory_space<semaphore_mem>>)
      tpu.wait_dma2 semaphore(%run_scoped3A : memref<!tpu.dma_semaphore, #tpu.memory_space<semaphore_mem>>) src(%arg4 : memref<125x16xf32, #tpu.memory_space<hbm>>) dst(%arg7 : memref<125x16xf32, #tpu.memory_space<vmem>>)
      tpu.yield
    }) : () -> ()
    %barrier3A = arith.constant 0 : index
    tpu.barrier barrier_id(%barrier3A)
    %scan3A = arith.constant 0 : i32
    %scan3A_3 = arith.constant 0 : i32
    %scan3A_4 = arith.constant 40 : i32
    %scan3A_5 = arith.addi %scan3A_3, %scan3A_4 : i32
    %scan3A_6 = arith.constant 1 : i32
    scf.for %scan3A_13 = %scan3A_3 to %scan3A_5 step %scan3A_6  : i32 {
      "tpu.region"() ({
        %run_scoped3A = tpu.sem_alloc : memref<!tpu.dma_semaphore, #tpu.memory_space<semaphore_mem>>
        %dma_start3A = arith.constant 0 : i32
        %dma_start3A_14 = tpu.memref_slice %arg6[%scan3A_13, %dma_start3A] : memref<40x125xi32, #tpu.memory_space<vmem>> -> memref<1x125xi32, #tpu.memory_space<vmem>>
        %dma_start3A_15 = tpu.memref_squeeze %dma_start3A_14 : memref<1x125xi32, #tpu.memory_space<vmem>> -> memref<125xi32, #tpu.memory_space<vmem>>
        %dma_start3A_16 = arith.constant 0 : i32
        %dma_start3A_17 = arith.constant 0 : i32
        %dma_start3A_18 = tpu.memref_slice %arg8[%dma_start3A_16, %dma_start3A_17] : memref<10240x16xf32, #tpu.memory_space<vmem_shared>> -> memref<10240x16xf32, #tpu.memory_space<vmem_shared>>
        tpu.enqueue_indirect_dma source(%arg7 : memref<125x16xf32, #tpu.memory_space<vmem>>) target(%dma_start3A_18 : memref<10240x16xf32, #tpu.memory_space<vmem_shared>>) offsets(%dma_start3A_15 : memref<125xi32, #tpu.memory_space<vmem>>) semaphore(%run_scoped3A : memref<!tpu.dma_semaphore, #tpu.memory_space<semaphore_mem>>) {add = true}
        %dma_wait3A = arith.constant 0 : i32
        %dma_wait3A_19 = tpu.memref_slice %arg6[%scan3A_13, %dma_wait3A] : memref<40x125xi32, #tpu.memory_space<vmem>> -> memref<1x125xi32, #tpu.memory_space<vmem>>
        %dma_wait3A_20 = tpu.memref_squeeze %dma_wait3A_19 : memref<1x125xi32, #tpu.memory_space<vmem>> -> memref<125xi32, #tpu.memory_space<vmem>>
        %dma_wait3A_21 = arith.constant 0 : i32
        %dma_wait3A_22 = arith.constant 0 : i32
        %dma_wait3A_23 = tpu.memref_slice %arg8[%dma_wait3A_21, %dma_wait3A_22] : memref<10240x16xf32, #tpu.memory_space<vmem_shared>> -> memref<10240x16xf32, #tpu.memory_space<vmem_shared>>
        tpu.wait_indirect_dma semaphore(%run_scoped3A : memref<!tpu.dma_semaphore, #tpu.memory_space<semaphore_mem>>) src(%arg7 : memref<125x16xf32, #tpu.memory_space<vmem>>) dst(%dma_wait3A_23 : memref<10240x16xf32, #tpu.memory_space<vmem_shared>>)
        tpu.yield
      }) : () -> ()
    }
    %scan3A_7 = arith.constant 40 : i32
    %barrier3A_8 = arith.constant 0 : index
    tpu.barrier barrier_id(%barrier3A_8)
    %mul3A_9 = arith.constant 640 : i32
    %mul3A_10 = arith.muli %arg1, %mul3A_9 : i32
    %mul3A_11 = arith.constant 640 : i32
    %mul3A_12 = arith.muli %arg1, %mul3A_11 : i32
    "tpu.region"() ({
      %run_scoped3A = tpu.sem_alloc : memref<!tpu.dma_semaphore, #tpu.memory_space<semaphore_mem>>
      %dma_start3A = arith.constant 0 : i32
      %dma_start3A_13 = tpu.memref_slice %arg5[%arg0, %mul3A_12, %dma_start3A] : memref<2x10240x16xf32, #tpu.memory_space<hbm>> -> memref<1x640x16xf32, #tpu.memory_space<hbm>>
      %dma_start3A_14 = tpu.memref_squeeze %dma_start3A_13 : memref<1x640x16xf32, #tpu.memory_space<hbm>> -> memref<640x16xf32, #tpu.memory_space<hbm>>
      %dma_start3A_15 = arith.constant 0 : i32
      %dma_start3A_16 = tpu.memref_slice %arg8[%mul3A_10, %dma_start3A_15] : memref<10240x16xf32, #tpu.memory_space<vmem_shared>> -> memref<640x16xf32, #tpu.memory_space<vmem_shared>>
      tpu.enqueue_dma source(%dma_start3A_16 : memref<640x16xf32, #tpu.memory_space<vmem_shared>>) target(%dma_start3A_14 : memref<640x16xf32, #tpu.memory_space<hbm>>) target_semaphore(%run_scoped3A : memref<!tpu.dma_semaphore, #tpu.memory_space<semaphore_mem>>)
      %dma_wait3A = arith.constant 0 : i32
      %dma_wait3A_17 = tpu.memref_slice %arg5[%arg0, %mul3A_12, %dma_wait3A] : memref<2x10240x16xf32, #tpu.memory_space<hbm>> -> memref<1x640x16xf32, #tpu.memory_space<hbm>>
      %dma_wait3A_18 = tpu.memref_squeeze %dma_wait3A_17 : memref<1x640x16xf32, #tpu.memory_space<hbm>> -> memref<640x16xf32, #tpu.memory_space<hbm>>
      %dma_wait3A_19 = arith.constant 0 : i32
      %dma_wait3A_20 = tpu.memref_slice %arg8[%mul3A_10, %dma_wait3A_19] : memref<10240x16xf32, #tpu.memory_space<vmem_shared>> -> memref<640x16xf32, #tpu.memory_space<vmem_shared>>
      tpu.wait_dma2 semaphore(%run_scoped3A : memref<!tpu.dma_semaphore, #tpu.memory_space<semaphore_mem>>) src(%dma_wait3A_20 : memref<640x16xf32, #tpu.memory_space<vmem_shared>>) dst(%dma_wait3A_18 : memref<640x16xf32, #tpu.memory_space<hbm>>)
      tpu.yield
    }) : () -> ()
    return
  }
}

#map = affine_map<(d0, d1) -> (0, 0)>
#map1 = affine_map<(d0, d1) -> (0, 0, 0)>
module attributes {stable_mosaic.version = 14 : i64} {
  func.func @sc_gather(%arg0: i32, %arg1: i32, %arg2: memref<10240x16xf32, #tpu.memory_space<hbm>>, %arg3: memref<32x40x125xi32, #tpu.memory_space<hbm>>, %arg4: memref<160000x16xf32, #tpu.memory_space<hbm>>, %arg5: memref<40x125xi32, #tpu.memory_space<vmem>>, %arg6: memref<5000x16xf32, #tpu.memory_space<vmem>>, %arg7: memref<10240x16xf32, #tpu.memory_space<vmem_shared>>, %arg8: memref<!tpu.dma_semaphore, #tpu.memory_space<semaphore_mem>>) attributes {dimension_semantics = [#tpu.dimension_semantics<core_parallel>, #tpu.dimension_semantics<subcore_parallel>], iteration_bounds = array<i64: 2, 16>, scalar_prefetch = 0 : i64, scratch_operands = 4 : i64, tpu.core_type = #tpu.core_type<sc_vector_subcore>, window_params = [{transform_indices = #map}, {transform_indices = #map1}, {transform_indices = #map}]} {
    %mul3A = arith.constant 2 : i32
    %mul3A_0 = arith.muli %arg1, %mul3A : i32
    %add3A = arith.addi %mul3A_0, %arg0 : i32
    %eq3A = arith.constant 0 : i32
    %eq3A_1 = arith.cmpi eq, %arg1, %eq3A : i32
    %convert_element_type3A = arith.extui %eq3A_1 : i1 to i32
    %cond3A = arith.constant 0 : i32
    %cond3A_2 = arith.cmpi ne, %convert_element_type3A, %cond3A : i32
    scf.if %cond3A_2 {
      "tpu.region"() ({
        %run_scoped3A = tpu.sem_alloc : memref<!tpu.dma_semaphore, #tpu.memory_space<semaphore_mem>>
        tpu.enqueue_dma source(%arg2 : memref<10240x16xf32, #tpu.memory_space<hbm>>) target(%arg7 : memref<10240x16xf32, #tpu.memory_space<vmem_shared>>) target_semaphore(%run_scoped3A : memref<!tpu.dma_semaphore, #tpu.memory_space<semaphore_mem>>)
        tpu.wait_dma2 semaphore(%run_scoped3A : memref<!tpu.dma_semaphore, #tpu.memory_space<semaphore_mem>>) src(%arg2 : memref<10240x16xf32, #tpu.memory_space<hbm>>) dst(%arg7 : memref<10240x16xf32, #tpu.memory_space<vmem_shared>>)
        tpu.yield
      }) : () -> ()
    } else {
    }
    "tpu.region"() ({
      %run_scoped3A = tpu.sem_alloc : memref<!tpu.dma_semaphore, #tpu.memory_space<semaphore_mem>>
      %dma_start3A = arith.constant 0 : i32
      %dma_start3A_15 = arith.constant 0 : i32
      %dma_start3A_16 = tpu.memref_slice %arg3[%add3A, %dma_start3A, %dma_start3A_15] : memref<32x40x125xi32, #tpu.memory_space<hbm>> -> memref<1x40x125xi32, #tpu.memory_space<hbm>>
      %dma_start3A_17 = tpu.memref_squeeze %dma_start3A_16 : memref<1x40x125xi32, #tpu.memory_space<hbm>> -> memref<40x125xi32, #tpu.memory_space<hbm>>
      %dma_start3A_18 = arith.constant 0 : i32
      %dma_start3A_19 = arith.constant 0 : i32
      %dma_start3A_20 = tpu.memref_slice %arg3[%add3A, %dma_start3A_18, %dma_start3A_19] : memref<32x40x125xi32, #tpu.memory_space<hbm>> -> memref<1x40x125xi32, #tpu.memory_space<hbm>>
      %dma_start3A_21 = tpu.memref_squeeze %dma_start3A_20 : memref<1x40x125xi32, #tpu.memory_space<hbm>> -> memref<40x125xi32, #tpu.memory_space<hbm>>
      tpu.enqueue_dma source(%dma_start3A_21 : memref<40x125xi32, #tpu.memory_space<hbm>>) target(%arg5 : memref<40x125xi32, #tpu.memory_space<vmem>>) target_semaphore(%run_scoped3A : memref<!tpu.dma_semaphore, #tpu.memory_space<semaphore_mem>>)
      %dma_wait3A_22 = arith.constant 0 : i32
      %dma_wait3A_23 = arith.constant 0 : i32
      %dma_wait3A_24 = tpu.memref_slice %arg3[%add3A, %dma_wait3A_22, %dma_wait3A_23] : memref<32x40x125xi32, #tpu.memory_space<hbm>> -> memref<1x40x125xi32, #tpu.memory_space<hbm>>
      %dma_wait3A_25 = tpu.memref_squeeze %dma_wait3A_24 : memref<1x40x125xi32, #tpu.memory_space<hbm>> -> memref<40x125xi32, #tpu.memory_space<hbm>>
      %dma_wait3A_26 = arith.constant 0 : i32
      %dma_wait3A_27 = arith.constant 0 : i32
      %dma_wait3A_28 = tpu.memref_slice %arg3[%add3A, %dma_wait3A_26, %dma_wait3A_27] : memref<32x40x125xi32, #tpu.memory_space<hbm>> -> memref<1x40x125xi32, #tpu.memory_space<hbm>>
      %dma_wait3A_29 = tpu.memref_squeeze %dma_wait3A_28 : memref<1x40x125xi32, #tpu.memory_space<hbm>> -> memref<40x125xi32, #tpu.memory_space<hbm>>
      tpu.wait_dma2 semaphore(%run_scoped3A : memref<!tpu.dma_semaphore, #tpu.memory_space<semaphore_mem>>) src(%dma_wait3A_29 : memref<40x125xi32, #tpu.memory_space<hbm>>) dst(%arg5 : memref<40x125xi32, #tpu.memory_space<vmem>>)
      tpu.yield
    }) : () -> ()
    %barrier3A = arith.constant 0 : index
    tpu.barrier barrier_id(%barrier3A)
    %scan3A = arith.constant 0 : i32
    %scan3A_3 = arith.constant 0 : i32
    %scan3A_4 = arith.constant 40 : i32
    %scan3A_5 = arith.addi %scan3A_3, %scan3A_4 : i32
    %scan3A_6 = arith.constant 1 : i32
    scf.for %scan3A_15 = %scan3A_3 to %scan3A_5 step %scan3A_6  : i32 {
      %mul3A_16 = arith.constant 125 : i32
      %mul3A_17 = arith.muli %scan3A_15, %mul3A_16 : i32
      %dma_start3A = arith.constant 0 : i32
      %dma_start3A_18 = tpu.memref_slice %arg6[%mul3A_17, %dma_start3A] : memref<5000x16xf32, #tpu.memory_space<vmem>> -> memref<125x16xf32, #tpu.memory_space<vmem>>
      %dma_start3A_19 = arith.constant 0 : i32
      %dma_start3A_20 = tpu.memref_slice %arg5[%scan3A_15, %dma_start3A_19] : memref<40x125xi32, #tpu.memory_space<vmem>> -> memref<1x125xi32, #tpu.memory_space<vmem>>
      %dma_start3A_21 = tpu.memref_squeeze %dma_start3A_20 : memref<1x125xi32, #tpu.memory_space<vmem>> -> memref<125xi32, #tpu.memory_space<vmem>>
      %dma_start3A_22 = arith.constant 0 : i32
      %dma_start3A_23 = arith.constant 0 : i32
      %dma_start3A_24 = tpu.memref_slice %arg7[%dma_start3A_22, %dma_start3A_23] : memref<10240x16xf32, #tpu.memory_space<vmem_shared>> -> memref<10240x16xf32, #tpu.memory_space<vmem_shared>>
      tpu.enqueue_indirect_dma source(%dma_start3A_24 : memref<10240x16xf32, #tpu.memory_space<vmem_shared>>) target(%dma_start3A_18 : memref<125x16xf32, #tpu.memory_space<vmem>>) offsets(%dma_start3A_21 : memref<125xi32, #tpu.memory_space<vmem>>) semaphore(%arg8 : memref<!tpu.dma_semaphore, #tpu.memory_space<semaphore_mem>>)
    }
    %scan3A_7 = arith.constant 40 : i32
    %mul3A_8 = arith.constant 5000 : i32
    %mul3A_9 = arith.muli %add3A, %mul3A_8 : i32
    %dma_wait3A = arith.constant 0 : i32
    %dma_wait3A_10 = tpu.memref_slice %arg4[%mul3A_9, %dma_wait3A] : memref<160000x16xf32, #tpu.memory_space<hbm>> -> memref<5000x16xf32, #tpu.memory_space<hbm>>
    %dma_wait3A_11 = arith.constant 0 : i32
    %dma_wait3A_12 = tpu.memref_slice %arg4[%mul3A_9, %dma_wait3A_11] : memref<160000x16xf32, #tpu.memory_space<hbm>> -> memref<5000x16xf32, #tpu.memory_space<hbm>>
    tpu.wait_dma2 semaphore(%arg8 : memref<!tpu.dma_semaphore, #tpu.memory_space<semaphore_mem>>) src(%dma_wait3A_12 : memref<5000x16xf32, #tpu.memory_space<hbm>>) dst(%arg6 : memref<5000x16xf32, #tpu.memory_space<vmem>>)
    %mul3A_13 = arith.constant 5000 : i32
    %mul3A_14 = arith.muli %add3A, %mul3A_13 : i32
    "tpu.region"() ({
      %run_scoped3A = tpu.sem_alloc : memref<!tpu.dma_semaphore, #tpu.memory_space<semaphore_mem>>
      %dma_start3A = arith.constant 0 : i32
      %dma_start3A_15 = tpu.memref_slice %arg4[%mul3A_14, %dma_start3A] : memref<160000x16xf32, #tpu.memory_space<hbm>> -> memref<5000x16xf32, #tpu.memory_space<hbm>>
      %dma_start3A_16 = arith.constant 0 : i32
      %dma_start3A_17 = tpu.memref_slice %arg4[%mul3A_14, %dma_start3A_16] : memref<160000x16xf32, #tpu.memory_space<hbm>> -> memref<5000x16xf32, #tpu.memory_space<hbm>>
      tpu.enqueue_dma source(%arg6 : memref<5000x16xf32, #tpu.memory_space<vmem>>) target(%dma_start3A_17 : memref<5000x16xf32, #tpu.memory_space<hbm>>) target_semaphore(%run_scoped3A : memref<!tpu.dma_semaphore, #tpu.memory_space<semaphore_mem>>)
      %dma_wait3A_18 = arith.constant 0 : i32
      %dma_wait3A_19 = tpu.memref_slice %arg4[%mul3A_14, %dma_wait3A_18] : memref<160000x16xf32, #tpu.memory_space<hbm>> -> memref<5000x16xf32, #tpu.memory_space<hbm>>
      %dma_wait3A_20 = arith.constant 0 : i32
      %dma_wait3A_21 = tpu.memref_slice %arg4[%mul3A_14, %dma_wait3A_20] : memref<160000x16xf32, #tpu.memory_space<hbm>> -> memref<5000x16xf32, #tpu.memory_space<hbm>>
      tpu.wait_dma2 semaphore(%run_scoped3A : memref<!tpu.dma_semaphore, #tpu.memory_space<semaphore_mem>>) src(%arg6 : memref<5000x16xf32, #tpu.memory_space<vmem>>) dst(%dma_wait3A_21 : memref<5000x16xf32, #tpu.memory_space<hbm>>)
      tpu.yield
    }) : () -> ()
    return
  }
}

#map = affine_map<(d0, d1) -> (0, 0)>
#map1 = affine_map<(d0, d1) -> (0, 0, 0)>
module attributes {stable_mosaic.version = 14 : i64} {
  func.func @sc_gather(%arg0: i32, %arg1: i32, %arg2: memref<10240x16xf32, #tpu.memory_space<hbm>>, %arg3: memref<32x40x125xi32, #tpu.memory_space<hbm>>, %arg4: memref<160000x16xf32, #tpu.memory_space<hbm>>, %arg5: memref<40x125xi32, #tpu.memory_space<vmem>>, %arg6: memref<5000x16xf32, #tpu.memory_space<vmem>>, %arg7: memref<10240x16xf32, #tpu.memory_space<vmem_shared>>, %arg8: memref<!tpu.dma_semaphore, #tpu.memory_space<semaphore_mem>>) attributes {dimension_semantics = [#tpu.dimension_semantics<core_parallel>, #tpu.dimension_semantics<subcore_parallel>], iteration_bounds = array<i64: 2, 16>, scalar_prefetch = 0 : i64, scratch_operands = 4 : i64, tpu.core_type = #tpu.core_type<sc_vector_subcore>, window_params = [{transform_indices = #map}, {transform_indices = #map1}, {transform_indices = #map}]} {
    %mul3A = arith.constant 2 : i32
    %mul3A_0 = arith.muli %arg1, %mul3A : i32
    %add3A = arith.addi %mul3A_0, %arg0 : i32
    %eq3A = arith.constant 0 : i32
    %eq3A_1 = arith.cmpi eq, %arg1, %eq3A : i32
    %convert_element_type3A = arith.extui %eq3A_1 : i1 to i32
    %cond3A = arith.constant 0 : i32
    %cond3A_2 = arith.cmpi ne, %convert_element_type3A, %cond3A : i32
    scf.if %cond3A_2 {
      "tpu.region"() ({
        %run_scoped3A = tpu.sem_alloc : memref<!tpu.dma_semaphore, #tpu.memory_space<semaphore_mem>>
        tpu.enqueue_dma source(%arg2 : memref<10240x16xf32, #tpu.memory_space<hbm>>) target(%arg7 : memref<10240x16xf32, #tpu.memory_space<vmem_shared>>) target_semaphore(%run_scoped3A : memref<!tpu.dma_semaphore, #tpu.memory_space<semaphore_mem>>)
        tpu.wait_dma2 semaphore(%run_scoped3A : memref<!tpu.dma_semaphore, #tpu.memory_space<semaphore_mem>>) src(%arg2 : memref<10240x16xf32, #tpu.memory_space<hbm>>) dst(%arg7 : memref<10240x16xf32, #tpu.memory_space<vmem_shared>>)
        tpu.yield
      }) : () -> ()
    } else {
    }
    "tpu.region"() ({
      %run_scoped3A = tpu.sem_alloc : memref<!tpu.dma_semaphore, #tpu.memory_space<semaphore_mem>>
      %dma_start3A = arith.constant 0 : i32
      %dma_start3A_15 = arith.constant 0 : i32
      %dma_start3A_16 = tpu.memref_slice %arg3[%add3A, %dma_start3A, %dma_start3A_15] : memref<32x40x125xi32, #tpu.memory_space<hbm>> -> memref<1x40x125xi32, #tpu.memory_space<hbm>>
      %dma_start3A_17 = tpu.memref_squeeze %dma_start3A_16 : memref<1x40x125xi32, #tpu.memory_space<hbm>> -> memref<40x125xi32, #tpu.memory_space<hbm>>
      %dma_start3A_18 = arith.constant 0 : i32
      %dma_start3A_19 = arith.constant 0 : i32
      %dma_start3A_20 = tpu.memref_slice %arg3[%add3A, %dma_start3A_18, %dma_start3A_19] : memref<32x40x125xi32, #tpu.memory_space<hbm>> -> memref<1x40x125xi32, #tpu.memory_space<hbm>>
      %dma_start3A_21 = tpu.memref_squeeze %dma_start3A_20 : memref<1x40x125xi32, #tpu.memory_space<hbm>> -> memref<40x125xi32, #tpu.memory_space<hbm>>
      tpu.enqueue_dma source(%dma_start3A_21 : memref<40x125xi32, #tpu.memory_space<hbm>>) target(%arg5 : memref<40x125xi32, #tpu.memory_space<vmem>>) target_semaphore(%run_scoped3A : memref<!tpu.dma_semaphore, #tpu.memory_space<semaphore_mem>>)
      %dma_wait3A_22 = arith.constant 0 : i32
      %dma_wait3A_23 = arith.constant 0 : i32
      %dma_wait3A_24 = tpu.memref_slice %arg3[%add3A, %dma_wait3A_22, %dma_wait3A_23] : memref<32x40x125xi32, #tpu.memory_space<hbm>> -> memref<1x40x125xi32, #tpu.memory_space<hbm>>
      %dma_wait3A_25 = tpu.memref_squeeze %dma_wait3A_24 : memref<1x40x125xi32, #tpu.memory_space<hbm>> -> memref<40x125xi32, #tpu.memory_space<hbm>>
      %dma_wait3A_26 = arith.constant 0 : i32
      %dma_wait3A_27 = arith.constant 0 : i32
      %dma_wait3A_28 = tpu.memref_slice %arg3[%add3A, %dma_wait3A_26, %dma_wait3A_27] : memref<32x40x125xi32, #tpu.memory_space<hbm>> -> memref<1x40x125xi32, #tpu.memory_space<hbm>>
      %dma_wait3A_29 = tpu.memref_squeeze %dma_wait3A_28 : memref<1x40x125xi32, #tpu.memory_space<hbm>> -> memref<40x125xi32, #tpu.memory_space<hbm>>
      tpu.wait_dma2 semaphore(%run_scoped3A : memref<!tpu.dma_semaphore, #tpu.memory_space<semaphore_mem>>) src(%dma_wait3A_29 : memref<40x125xi32, #tpu.memory_space<hbm>>) dst(%arg5 : memref<40x125xi32, #tpu.memory_space<vmem>>)
      tpu.yield
    }) : () -> ()
    %barrier3A = arith.constant 0 : index
    tpu.barrier barrier_id(%barrier3A)
    %scan3A = arith.constant 0 : i32
    %scan3A_3 = arith.constant 0 : i32
    %scan3A_4 = arith.constant 40 : i32
    %scan3A_5 = arith.addi %scan3A_3, %scan3A_4 : i32
    %scan3A_6 = arith.constant 1 : i32
    scf.for %scan3A_15 = %scan3A_3 to %scan3A_5 step %scan3A_6  : i32 {
      %mul3A_16 = arith.constant 125 : i32
      %mul3A_17 = arith.muli %scan3A_15, %mul3A_16 : i32
      %dma_start3A = arith.constant 0 : i32
      %dma_start3A_18 = tpu.memref_slice %arg6[%mul3A_17, %dma_start3A] : memref<5000x16xf32, #tpu.memory_space<vmem>> -> memref<125x16xf32, #tpu.memory_space<vmem>>
      %dma_start3A_19 = arith.constant 0 : i32
      %dma_start3A_20 = tpu.memref_slice %arg5[%scan3A_15, %dma_start3A_19] : memref<40x125xi32, #tpu.memory_space<vmem>> -> memref<1x125xi32, #tpu.memory_space<vmem>>
      %dma_start3A_21 = tpu.memref_squeeze %dma_start3A_20 : memref<1x125xi32, #tpu.memory_space<vmem>> -> memref<125xi32, #tpu.memory_space<vmem>>
      %dma_start3A_22 = arith.constant 0 : i32
      %dma_start3A_23 = arith.constant 0 : i32
      %dma_start3A_24 = tpu.memref_slice %arg7[%dma_start3A_22, %dma_start3A_23] : memref<10240x16xf32, #tpu.memory_space<vmem_shared>> -> memref<10240x16xf32, #tpu.memory_space<vmem_shared>>
      tpu.enqueue_indirect_dma source(%dma_start3A_24 : memref<10240x16xf32, #tpu.memory_space<vmem_shared>>) target(%dma_start3A_18 : memref<125x16xf32, #tpu.memory_space<vmem>>) offsets(%dma_start3A_21 : memref<125xi32, #tpu.memory_space<vmem>>) semaphore(%arg8 : memref<!tpu.dma_semaphore, #tpu.memory_space<semaphore_mem>>)
    }
    %scan3A_7 = arith.constant 40 : i32
    %mul3A_8 = arith.constant 5000 : i32
    %mul3A_9 = arith.muli %add3A, %mul3A_8 : i32
    %dma_wait3A = arith.constant 0 : i32
    %dma_wait3A_10 = tpu.memref_slice %arg4[%mul3A_9, %dma_wait3A] : memref<160000x16xf32, #tpu.memory_space<hbm>> -> memref<5000x16xf32, #tpu.memory_space<hbm>>
    %dma_wait3A_11 = arith.constant 0 : i32
    %dma_wait3A_12 = tpu.memref_slice %arg4[%mul3A_9, %dma_wait3A_11] : memref<160000x16xf32, #tpu.memory_space<hbm>> -> memref<5000x16xf32, #tpu.memory_space<hbm>>
    tpu.wait_dma2 semaphore(%arg8 : memref<!tpu.dma_semaphore, #tpu.memory_space<semaphore_mem>>) src(%dma_wait3A_12 : memref<5000x16xf32, #tpu.memory_space<hbm>>) dst(%arg6 : memref<5000x16xf32, #tpu.memory_space<vmem>>)
    %mul3A_13 = arith.constant 5000 : i32
    %mul3A_14 = arith.muli %add3A, %mul3A_13 : i32
    "tpu.region"() ({
      %run_scoped3A = tpu.sem_alloc : memref<!tpu.dma_semaphore, #tpu.memory_space<semaphore_mem>>
      %dma_start3A = arith.constant 0 : i32
      %dma_start3A_15 = tpu.memref_slice %arg4[%mul3A_14, %dma_start3A] : memref<160000x16xf32, #tpu.memory_space<hbm>> -> memref<5000x16xf32, #tpu.memory_space<hbm>>
      %dma_start3A_16 = arith.constant 0 : i32
      %dma_start3A_17 = tpu.memref_slice %arg4[%mul3A_14, %dma_start3A_16] : memref<160000x16xf32, #tpu.memory_space<hbm>> -> memref<5000x16xf32, #tpu.memory_space<hbm>>
      tpu.enqueue_dma source(%arg6 : memref<5000x16xf32, #tpu.memory_space<vmem>>) target(%dma_start3A_17 : memref<5000x16xf32, #tpu.memory_space<hbm>>) target_semaphore(%run_scoped3A : memref<!tpu.dma_semaphore, #tpu.memory_space<semaphore_mem>>)
      %dma_wait3A_18 = arith.constant 0 : i32
      %dma_wait3A_19 = tpu.memref_slice %arg4[%mul3A_14, %dma_wait3A_18] : memref<160000x16xf32, #tpu.memory_space<hbm>> -> memref<5000x16xf32, #tpu.memory_space<hbm>>
      %dma_wait3A_20 = arith.constant 0 : i32
      %dma_wait3A_21 = tpu.memref_slice %arg4[%mul3A_14, %dma_wait3A_20] : memref<160000x16xf32, #tpu.memory_space<hbm>> -> memref<5000x16xf32, #tpu.memory_space<hbm>>
      tpu.wait_dma2 semaphore(%run_scoped3A : memref<!tpu.dma_semaphore, #tpu.memory_space<semaphore_mem>>) src(%arg6 : memref<5000x16xf32, #tpu.memory_space<vmem>>) dst(%dma_wait3A_21 : memref<5000x16xf32, #tpu.memory_space<hbm>>)
      tpu.yield
    }) : () -> ()
    return
  }
}

#map = affine_map<(d0, d1) -> (0, 0)>
#map1 = affine_map<(d0, d1) -> (0, 0, 0)>
module attributes {stable_mosaic.version = 14 : i64} {
  func.func @sc_scatter(%arg0: i32, %arg1: i32, %arg2: memref<160000x16xf32, #tpu.memory_space<hbm>>, %arg3: memref<32x40x125xi32, #tpu.memory_space<hbm>>, %arg4: memref<10240x16xf32, #tpu.memory_space<hbm>>, %arg5: memref<2x10240x16xf32, #tpu.memory_space<hbm>>, %arg6: memref<40x125xi32, #tpu.memory_space<vmem>>, %arg7: memref<5000x16xf32, #tpu.memory_space<vmem>>, %arg8: memref<10240x16xf32, #tpu.memory_space<vmem_shared>>) attributes {dimension_semantics = [#tpu.dimension_semantics<core_parallel>, #tpu.dimension_semantics<subcore_parallel>], iteration_bounds = array<i64: 2, 16>, scalar_prefetch = 0 : i64, scratch_operands = 3 : i64, tpu.core_type = #tpu.core_type<sc_vector_subcore>, window_params = [{transform_indices = #map}, {transform_indices = #map1}, {transform_indices = #map}, {transform_indices = #map1}]} {
    %mul3A = arith.constant 2 : i32
    %mul3A_0 = arith.muli %arg1, %mul3A : i32
    %add3A = arith.addi %mul3A_0, %arg0 : i32
    %eq3A = arith.constant 0 : i32
    %eq3A_1 = arith.cmpi eq, %arg1, %eq3A : i32
    %convert_element_type3A = arith.extui %eq3A_1 : i1 to i32
    %cond3A = arith.constant 0 : i32
    %cond3A_2 = arith.cmpi ne, %convert_element_type3A, %cond3A : i32
    scf.if %cond3A_2 {
      "tpu.region"() ({
        %run_scoped3A = tpu.sem_alloc : memref<!tpu.dma_semaphore, #tpu.memory_space<semaphore_mem>>
        tpu.enqueue_dma source(%arg4 : memref<10240x16xf32, #tpu.memory_space<hbm>>) target(%arg8 : memref<10240x16xf32, #tpu.memory_space<vmem_shared>>) target_semaphore(%run_scoped3A : memref<!tpu.dma_semaphore, #tpu.memory_space<semaphore_mem>>)
        tpu.wait_dma2 semaphore(%run_scoped3A : memref<!tpu.dma_semaphore, #tpu.memory_space<semaphore_mem>>) src(%arg4 : memref<10240x16xf32, #tpu.memory_space<hbm>>) dst(%arg8 : memref<10240x16xf32, #tpu.memory_space<vmem_shared>>)
        tpu.yield
      }) : () -> ()
    } else {
    }
    "tpu.region"() ({
      %run_scoped3A = tpu.sem_alloc : memref<!tpu.dma_semaphore, #tpu.memory_space<semaphore_mem>>
      %dma_start3A = arith.constant 0 : i32
      %dma_start3A_15 = arith.constant 0 : i32
      %dma_start3A_16 = tpu.memref_slice %arg3[%add3A, %dma_start3A, %dma_start3A_15] : memref<32x40x125xi32, #tpu.memory_space<hbm>> -> memref<1x40x125xi32, #tpu.memory_space<hbm>>
      %dma_start3A_17 = tpu.memref_squeeze %dma_start3A_16 : memref<1x40x125xi32, #tpu.memory_space<hbm>> -> memref<40x125xi32, #tpu.memory_space<hbm>>
      %dma_start3A_18 = arith.constant 0 : i32
      %dma_start3A_19 = arith.constant 0 : i32
      %dma_start3A_20 = tpu.memref_slice %arg3[%add3A, %dma_start3A_18, %dma_start3A_19] : memref<32x40x125xi32, #tpu.memory_space<hbm>> -> memref<1x40x125xi32, #tpu.memory_space<hbm>>
      %dma_start3A_21 = tpu.memref_squeeze %dma_start3A_20 : memref<1x40x125xi32, #tpu.memory_space<hbm>> -> memref<40x125xi32, #tpu.memory_space<hbm>>
      tpu.enqueue_dma source(%dma_start3A_21 : memref<40x125xi32, #tpu.memory_space<hbm>>) target(%arg6 : memref<40x125xi32, #tpu.memory_space<vmem>>) target_semaphore(%run_scoped3A : memref<!tpu.dma_semaphore, #tpu.memory_space<semaphore_mem>>)
      %dma_wait3A = arith.constant 0 : i32
      %dma_wait3A_22 = arith.constant 0 : i32
      %dma_wait3A_23 = tpu.memref_slice %arg3[%add3A, %dma_wait3A, %dma_wait3A_22] : memref<32x40x125xi32, #tpu.memory_space<hbm>> -> memref<1x40x125xi32, #tpu.memory_space<hbm>>
      %dma_wait3A_24 = tpu.memref_squeeze %dma_wait3A_23 : memref<1x40x125xi32, #tpu.memory_space<hbm>> -> memref<40x125xi32, #tpu.memory_space<hbm>>
      %dma_wait3A_25 = arith.constant 0 : i32
      %dma_wait3A_26 = arith.constant 0 : i32
      %dma_wait3A_27 = tpu.memref_slice %arg3[%add3A, %dma_wait3A_25, %dma_wait3A_26] : memref<32x40x125xi32, #tpu.memory_space<hbm>> -> memref<1x40x125xi32, #tpu.memory_space<hbm>>
      %dma_wait3A_28 = tpu.memref_squeeze %dma_wait3A_27 : memref<1x40x125xi32, #tpu.memory_space<hbm>> -> memref<40x125xi32, #tpu.memory_space<hbm>>
      tpu.wait_dma2 semaphore(%run_scoped3A : memref<!tpu.dma_semaphore, #tpu.memory_space<semaphore_mem>>) src(%dma_wait3A_28 : memref<40x125xi32, #tpu.memory_space<hbm>>) dst(%arg6 : memref<40x125xi32, #tpu.memory_space<vmem>>)
      tpu.yield
    }) : () -> ()
    %mul3A_3 = arith.constant 5000 : i32
    %mul3A_4 = arith.muli %add3A, %mul3A_3 : i32
    "tpu.region"() ({
      %run_scoped3A = tpu.sem_alloc : memref<!tpu.dma_semaphore, #tpu.memory_space<semaphore_mem>>
      %dma_start3A = arith.constant 0 : i32
      %dma_start3A_15 = tpu.memref_slice %arg2[%mul3A_4, %dma_start3A] : memref<160000x16xf32, #tpu.memory_space<hbm>> -> memref<5000x16xf32, #tpu.memory_space<hbm>>
      %dma_start3A_16 = arith.constant 0 : i32
      %dma_start3A_17 = tpu.memref_slice %arg2[%mul3A_4, %dma_start3A_16] : memref<160000x16xf32, #tpu.memory_space<hbm>> -> memref<5000x16xf32, #tpu.memory_space<hbm>>
      tpu.enqueue_dma source(%dma_start3A_17 : memref<5000x16xf32, #tpu.memory_space<hbm>>) target(%arg7 : memref<5000x16xf32, #tpu.memory_space<vmem>>) target_semaphore(%run_scoped3A : memref<!tpu.dma_semaphore, #tpu.memory_space<semaphore_mem>>)
      %dma_wait3A = arith.constant 0 : i32
      %dma_wait3A_18 = tpu.memref_slice %arg2[%mul3A_4, %dma_wait3A] : memref<160000x16xf32, #tpu.memory_space<hbm>> -> memref<5000x16xf32, #tpu.memory_space<hbm>>
      %dma_wait3A_19 = arith.constant 0 : i32
      %dma_wait3A_20 = tpu.memref_slice %arg2[%mul3A_4, %dma_wait3A_19] : memref<160000x16xf32, #tpu.memory_space<hbm>> -> memref<5000x16xf32, #tpu.memory_space<hbm>>
      tpu.wait_dma2 semaphore(%run_scoped3A : memref<!tpu.dma_semaphore, #tpu.memory_space<semaphore_mem>>) src(%dma_wait3A_20 : memref<5000x16xf32, #tpu.memory_space<hbm>>) dst(%arg7 : memref<5000x16xf32, #tpu.memory_space<vmem>>)
      tpu.yield
    }) : () -> ()
    %barrier3A = arith.constant 0 : index
    tpu.barrier barrier_id(%barrier3A)
    %scan3A = arith.constant 0 : i32
    %scan3A_5 = arith.constant 0 : i32
    %scan3A_6 = arith.constant 40 : i32
    %scan3A_7 = arith.addi %scan3A_5, %scan3A_6 : i32
    %scan3A_8 = arith.constant 1 : i32
    scf.for %scan3A_15 = %scan3A_5 to %scan3A_7 step %scan3A_8  : i32 {
      %mul3A_16 = arith.constant 125 : i32
      %mul3A_17 = arith.muli %scan3A_15, %mul3A_16 : i32
      "tpu.region"() ({
        %run_scoped3A = tpu.sem_alloc : memref<!tpu.dma_semaphore, #tpu.memory_space<semaphore_mem>>
        %dma_start3A = arith.constant 0 : i32
        %dma_start3A_18 = tpu.memref_slice %arg7[%mul3A_17, %dma_start3A] : memref<5000x16xf32, #tpu.memory_space<vmem>> -> memref<125x16xf32, #tpu.memory_space<vmem>>
        %dma_start3A_19 = arith.constant 0 : i32
        %dma_start3A_20 = tpu.memref_slice %arg6[%scan3A_15, %dma_start3A_19] : memref<40x125xi32, #tpu.memory_space<vmem>> -> memref<1x125xi32, #tpu.memory_space<vmem>>
        %dma_start3A_21 = tpu.memref_squeeze %dma_start3A_20 : memref<1x125xi32, #tpu.memory_space<vmem>> -> memref<125xi32, #tpu.memory_space<vmem>>
        %dma_start3A_22 = arith.constant 0 : i32
        %dma_start3A_23 = arith.constant 0 : i32
        %dma_start3A_24 = tpu.memref_slice %arg8[%dma_start3A_22, %dma_start3A_23] : memref<10240x16xf32, #tpu.memory_space<vmem_shared>> -> memref<10240x16xf32, #tpu.memory_space<vmem_shared>>
        tpu.enqueue_indirect_dma source(%dma_start3A_18 : memref<125x16xf32, #tpu.memory_space<vmem>>) target(%dma_start3A_24 : memref<10240x16xf32, #tpu.memory_space<vmem_shared>>) offsets(%dma_start3A_21 : memref<125xi32, #tpu.memory_space<vmem>>) semaphore(%run_scoped3A : memref<!tpu.dma_semaphore, #tpu.memory_space<semaphore_mem>>) {add = true}
        %dma_wait3A = arith.constant 0 : i32
        %dma_wait3A_25 = tpu.memref_slice %arg7[%mul3A_17, %dma_wait3A] : memref<5000x16xf32, #tpu.memory_space<vmem>> -> memref<125x16xf32, #tpu.memory_space<vmem>>
        %dma_wait3A_26 = arith.constant 0 : i32
        %dma_wait3A_27 = tpu.memref_slice %arg6[%scan3A_15, %dma_wait3A_26] : memref<40x125xi32, #tpu.memory_space<vmem>> -> memref<1x125xi32, #tpu.memory_space<vmem>>
        %dma_wait3A_28 = tpu.memref_squeeze %dma_wait3A_27 : memref<1x125xi32, #tpu.memory_space<vmem>> -> memref<125xi32, #tpu.memory_space<vmem>>
        %dma_wait3A_29 = arith.constant 0 : i32
        %dma_wait3A_30 = arith.constant 0 : i32
        %dma_wait3A_31 = tpu.memref_slice %arg8[%dma_wait3A_29, %dma_wait3A_30] : memref<10240x16xf32, #tpu.memory_space<vmem_shared>> -> memref<10240x16xf32, #tpu.memory_space<vmem_shared>>
        tpu.wait_indirect_dma semaphore(%run_scoped3A : memref<!tpu.dma_semaphore, #tpu.memory_space<semaphore_mem>>) src(%dma_wait3A_25 : memref<125x16xf32, #tpu.memory_space<vmem>>) dst(%dma_wait3A_31 : memref<10240x16xf32, #tpu.memory_space<vmem_shared>>)
        tpu.yield
      }) : () -> ()
    }
    %scan3A_9 = arith.constant 40 : i32
    %barrier3A_10 = arith.constant 0 : index
    tpu.barrier barrier_id(%barrier3A_10)
    %mul3A_11 = arith.constant 640 : i32
    %mul3A_12 = arith.muli %arg1, %mul3A_11 : i32
    %mul3A_13 = arith.constant 640 : i32
    %mul3A_14 = arith.muli %arg1, %mul3A_13 : i32
    "tpu.region"() ({
      %run_scoped3A = tpu.sem_alloc : memref<!tpu.dma_semaphore, #tpu.memory_space<semaphore_mem>>
      %dma_start3A = arith.constant 0 : i32
      %dma_start3A_15 = tpu.memref_slice %arg5[%arg0, %mul3A_14, %dma_start3A] : memref<2x10240x16xf32, #tpu.memory_space<hbm>> -> memref<1x640x16xf32, #tpu.memory_space<hbm>>
      %dma_start3A_16 = tpu.memref_squeeze %dma_start3A_15 : memref<1x640x16xf32, #tpu.memory_space<hbm>> -> memref<640x16xf32, #tpu.memory_space<hbm>>
      %dma_start3A_17 = arith.constant 0 : i32
      %dma_start3A_18 = tpu.memref_slice %arg8[%mul3A_12, %dma_start3A_17] : memref<10240x16xf32, #tpu.memory_space<vmem_shared>> -> memref<640x16xf32, #tpu.memory_space<vmem_shared>>
      tpu.enqueue_dma source(%dma_start3A_18 : memref<640x16xf32, #tpu.memory_space<vmem_shared>>) target(%dma_start3A_16 : memref<640x16xf32, #tpu.memory_space<hbm>>) target_semaphore(%run_scoped3A : memref<!tpu.dma_semaphore, #tpu.memory_space<semaphore_mem>>)
      %dma_wait3A = arith.constant 0 : i32
      %dma_wait3A_19 = tpu.memref_slice %arg5[%arg0, %mul3A_14, %dma_wait3A] : memref<2x10240x16xf32, #tpu.memory_space<hbm>> -> memref<1x640x16xf32, #tpu.memory_space<hbm>>
      %dma_wait3A_20 = tpu.memref_squeeze %dma_wait3A_19 : memref<1x640x16xf32, #tpu.memory_space<hbm>> -> memref<640x16xf32, #tpu.memory_space<hbm>>
      %dma_wait3A_21 = arith.constant 0 : i32
      %dma_wait3A_22 = tpu.memref_slice %arg8[%mul3A_12, %dma_wait3A_21] : memref<10240x16xf32, #tpu.memory_space<vmem_shared>> -> memref<640x16xf32, #tpu.memory_space<vmem_shared>>
      tpu.wait_dma2 semaphore(%run_scoped3A : memref<!tpu.dma_semaphore, #tpu.memory_space<semaphore_mem>>) src(%dma_wait3A_22 : memref<640x16xf32, #tpu.memory_space<vmem_shared>>) dst(%dma_wait3A_20 : memref<640x16xf32, #tpu.memory_space<hbm>>)
      tpu.yield
    }) : () -> ()
    return
  }
}

#map = affine_map<(d0, d1) -> (0, 0)>
#map1 = affine_map<(d0, d1) -> (0, 0, 0)>
module attributes {stable_mosaic.version = 14 : i64} {
  func.func @sc_scatter(%arg0: i32, %arg1: i32, %arg2: memref<160000x16xf32, #tpu.memory_space<hbm>>, %arg3: memref<32x40x125xi32, #tpu.memory_space<hbm>>, %arg4: memref<10240x16xf32, #tpu.memory_space<hbm>>, %arg5: memref<2x10240x16xf32, #tpu.memory_space<hbm>>, %arg6: memref<40x125xi32, #tpu.memory_space<vmem>>, %arg7: memref<5000x16xf32, #tpu.memory_space<vmem>>, %arg8: memref<10240x16xf32, #tpu.memory_space<vmem_shared>>) attributes {dimension_semantics = [#tpu.dimension_semantics<core_parallel>, #tpu.dimension_semantics<subcore_parallel>], iteration_bounds = array<i64: 2, 16>, scalar_prefetch = 0 : i64, scratch_operands = 3 : i64, tpu.core_type = #tpu.core_type<sc_vector_subcore>, window_params = [{transform_indices = #map}, {transform_indices = #map1}, {transform_indices = #map}, {transform_indices = #map1}]} {
    %mul3A = arith.constant 2 : i32
    %mul3A_0 = arith.muli %arg1, %mul3A : i32
    %add3A = arith.addi %mul3A_0, %arg0 : i32
    %eq3A = arith.constant 0 : i32
    %eq3A_1 = arith.cmpi eq, %arg1, %eq3A : i32
    %convert_element_type3A = arith.extui %eq3A_1 : i1 to i32
    %cond3A = arith.constant 0 : i32
    %cond3A_2 = arith.cmpi ne, %convert_element_type3A, %cond3A : i32
    scf.if %cond3A_2 {
      "tpu.region"() ({
        %run_scoped3A = tpu.sem_alloc : memref<!tpu.dma_semaphore, #tpu.memory_space<semaphore_mem>>
        tpu.enqueue_dma source(%arg4 : memref<10240x16xf32, #tpu.memory_space<hbm>>) target(%arg8 : memref<10240x16xf32, #tpu.memory_space<vmem_shared>>) target_semaphore(%run_scoped3A : memref<!tpu.dma_semaphore, #tpu.memory_space<semaphore_mem>>)
        tpu.wait_dma2 semaphore(%run_scoped3A : memref<!tpu.dma_semaphore, #tpu.memory_space<semaphore_mem>>) src(%arg4 : memref<10240x16xf32, #tpu.memory_space<hbm>>) dst(%arg8 : memref<10240x16xf32, #tpu.memory_space<vmem_shared>>)
        tpu.yield
      }) : () -> ()
    } else {
    }
    "tpu.region"() ({
      %run_scoped3A = tpu.sem_alloc : memref<!tpu.dma_semaphore, #tpu.memory_space<semaphore_mem>>
      %dma_start3A = arith.constant 0 : i32
      %dma_start3A_15 = arith.constant 0 : i32
      %dma_start3A_16 = tpu.memref_slice %arg3[%add3A, %dma_start3A, %dma_start3A_15] : memref<32x40x125xi32, #tpu.memory_space<hbm>> -> memref<1x40x125xi32, #tpu.memory_space<hbm>>
      %dma_start3A_17 = tpu.memref_squeeze %dma_start3A_16 : memref<1x40x125xi32, #tpu.memory_space<hbm>> -> memref<40x125xi32, #tpu.memory_space<hbm>>
      %dma_start3A_18 = arith.constant 0 : i32
      %dma_start3A_19 = arith.constant 0 : i32
      %dma_start3A_20 = tpu.memref_slice %arg3[%add3A, %dma_start3A_18, %dma_start3A_19] : memref<32x40x125xi32, #tpu.memory_space<hbm>> -> memref<1x40x125xi32, #tpu.memory_space<hbm>>
      %dma_start3A_21 = tpu.memref_squeeze %dma_start3A_20 : memref<1x40x125xi32, #tpu.memory_space<hbm>> -> memref<40x125xi32, #tpu.memory_space<hbm>>
      tpu.enqueue_dma source(%dma_start3A_21 : memref<40x125xi32, #tpu.memory_space<hbm>>) target(%arg6 : memref<40x125xi32, #tpu.memory_space<vmem>>) target_semaphore(%run_scoped3A : memref<!tpu.dma_semaphore, #tpu.memory_space<semaphore_mem>>)
      %dma_wait3A = arith.constant 0 : i32
      %dma_wait3A_22 = arith.constant 0 : i32
      %dma_wait3A_23 = tpu.memref_slice %arg3[%add3A, %dma_wait3A, %dma_wait3A_22] : memref<32x40x125xi32, #tpu.memory_space<hbm>> -> memref<1x40x125xi32, #tpu.memory_space<hbm>>
      %dma_wait3A_24 = tpu.memref_squeeze %dma_wait3A_23 : memref<1x40x125xi32, #tpu.memory_space<hbm>> -> memref<40x125xi32, #tpu.memory_space<hbm>>
      %dma_wait3A_25 = arith.constant 0 : i32
      %dma_wait3A_26 = arith.constant 0 : i32
      %dma_wait3A_27 = tpu.memref_slice %arg3[%add3A, %dma_wait3A_25, %dma_wait3A_26] : memref<32x40x125xi32, #tpu.memory_space<hbm>> -> memref<1x40x125xi32, #tpu.memory_space<hbm>>
      %dma_wait3A_28 = tpu.memref_squeeze %dma_wait3A_27 : memref<1x40x125xi32, #tpu.memory_space<hbm>> -> memref<40x125xi32, #tpu.memory_space<hbm>>
      tpu.wait_dma2 semaphore(%run_scoped3A : memref<!tpu.dma_semaphore, #tpu.memory_space<semaphore_mem>>) src(%dma_wait3A_28 : memref<40x125xi32, #tpu.memory_space<hbm>>) dst(%arg6 : memref<40x125xi32, #tpu.memory_space<vmem>>)
      tpu.yield
    }) : () -> ()
    %mul3A_3 = arith.constant 5000 : i32
    %mul3A_4 = arith.muli %add3A, %mul3A_3 : i32
    "tpu.region"() ({
      %run_scoped3A = tpu.sem_alloc : memref<!tpu.dma_semaphore, #tpu.memory_space<semaphore_mem>>
      %dma_start3A = arith.constant 0 : i32
      %dma_start3A_15 = tpu.memref_slice %arg2[%mul3A_4, %dma_start3A] : memref<160000x16xf32, #tpu.memory_space<hbm>> -> memref<5000x16xf32, #tpu.memory_space<hbm>>
      %dma_start3A_16 = arith.constant 0 : i32
      %dma_start3A_17 = tpu.memref_slice %arg2[%mul3A_4, %dma_start3A_16] : memref<160000x16xf32, #tpu.memory_space<hbm>> -> memref<5000x16xf32, #tpu.memory_space<hbm>>
      tpu.enqueue_dma source(%dma_start3A_17 : memref<5000x16xf32, #tpu.memory_space<hbm>>) target(%arg7 : memref<5000x16xf32, #tpu.memory_space<vmem>>) target_semaphore(%run_scoped3A : memref<!tpu.dma_semaphore, #tpu.memory_space<semaphore_mem>>)
      %dma_wait3A = arith.constant 0 : i32
      %dma_wait3A_18 = tpu.memref_slice %arg2[%mul3A_4, %dma_wait3A] : memref<160000x16xf32, #tpu.memory_space<hbm>> -> memref<5000x16xf32, #tpu.memory_space<hbm>>
      %dma_wait3A_19 = arith.constant 0 : i32
      %dma_wait3A_20 = tpu.memref_slice %arg2[%mul3A_4, %dma_wait3A_19] : memref<160000x16xf32, #tpu.memory_space<hbm>> -> memref<5000x16xf32, #tpu.memory_space<hbm>>
      tpu.wait_dma2 semaphore(%run_scoped3A : memref<!tpu.dma_semaphore, #tpu.memory_space<semaphore_mem>>) src(%dma_wait3A_20 : memref<5000x16xf32, #tpu.memory_space<hbm>>) dst(%arg7 : memref<5000x16xf32, #tpu.memory_space<vmem>>)
      tpu.yield
    }) : () -> ()
    %barrier3A = arith.constant 0 : index
    tpu.barrier barrier_id(%barrier3A)
    %scan3A = arith.constant 0 : i32
    %scan3A_5 = arith.constant 0 : i32
    %scan3A_6 = arith.constant 40 : i32
    %scan3A_7 = arith.addi %scan3A_5, %scan3A_6 : i32
    %scan3A_8 = arith.constant 1 : i32
    scf.for %scan3A_15 = %scan3A_5 to %scan3A_7 step %scan3A_8  : i32 {
      %mul3A_16 = arith.constant 125 : i32
      %mul3A_17 = arith.muli %scan3A_15, %mul3A_16 : i32
      "tpu.region"() ({
        %run_scoped3A = tpu.sem_alloc : memref<!tpu.dma_semaphore, #tpu.memory_space<semaphore_mem>>
        %dma_start3A = arith.constant 0 : i32
        %dma_start3A_18 = tpu.memref_slice %arg7[%mul3A_17, %dma_start3A] : memref<5000x16xf32, #tpu.memory_space<vmem>> -> memref<125x16xf32, #tpu.memory_space<vmem>>
        %dma_start3A_19 = arith.constant 0 : i32
        %dma_start3A_20 = tpu.memref_slice %arg6[%scan3A_15, %dma_start3A_19] : memref<40x125xi32, #tpu.memory_space<vmem>> -> memref<1x125xi32, #tpu.memory_space<vmem>>
        %dma_start3A_21 = tpu.memref_squeeze %dma_start3A_20 : memref<1x125xi32, #tpu.memory_space<vmem>> -> memref<125xi32, #tpu.memory_space<vmem>>
        %dma_start3A_22 = arith.constant 0 : i32
        %dma_start3A_23 = arith.constant 0 : i32
        %dma_start3A_24 = tpu.memref_slice %arg8[%dma_start3A_22, %dma_start3A_23] : memref<10240x16xf32, #tpu.memory_space<vmem_shared>> -> memref<10240x16xf32, #tpu.memory_space<vmem_shared>>
        tpu.enqueue_indirect_dma source(%dma_start3A_18 : memref<125x16xf32, #tpu.memory_space<vmem>>) target(%dma_start3A_24 : memref<10240x16xf32, #tpu.memory_space<vmem_shared>>) offsets(%dma_start3A_21 : memref<125xi32, #tpu.memory_space<vmem>>) semaphore(%run_scoped3A : memref<!tpu.dma_semaphore, #tpu.memory_space<semaphore_mem>>) {add = true}
        %dma_wait3A = arith.constant 0 : i32
        %dma_wait3A_25 = tpu.memref_slice %arg7[%mul3A_17, %dma_wait3A] : memref<5000x16xf32, #tpu.memory_space<vmem>> -> memref<125x16xf32, #tpu.memory_space<vmem>>
        %dma_wait3A_26 = arith.constant 0 : i32
        %dma_wait3A_27 = tpu.memref_slice %arg6[%scan3A_15, %dma_wait3A_26] : memref<40x125xi32, #tpu.memory_space<vmem>> -> memref<1x125xi32, #tpu.memory_space<vmem>>
        %dma_wait3A_28 = tpu.memref_squeeze %dma_wait3A_27 : memref<1x125xi32, #tpu.memory_space<vmem>> -> memref<125xi32, #tpu.memory_space<vmem>>
        %dma_wait3A_29 = arith.constant 0 : i32
        %dma_wait3A_30 = arith.constant 0 : i32
        %dma_wait3A_31 = tpu.memref_slice %arg8[%dma_wait3A_29, %dma_wait3A_30] : memref<10240x16xf32, #tpu.memory_space<vmem_shared>> -> memref<10240x16xf32, #tpu.memory_space<vmem_shared>>
        tpu.wait_indirect_dma semaphore(%run_scoped3A : memref<!tpu.dma_semaphore, #tpu.memory_space<semaphore_mem>>) src(%dma_wait3A_25 : memref<125x16xf32, #tpu.memory_space<vmem>>) dst(%dma_wait3A_31 : memref<10240x16xf32, #tpu.memory_space<vmem_shared>>)
        tpu.yield
      }) : () -> ()
    }
    %scan3A_9 = arith.constant 40 : i32
    %barrier3A_10 = arith.constant 0 : index
    tpu.barrier barrier_id(%barrier3A_10)
    %mul3A_11 = arith.constant 640 : i32
    %mul3A_12 = arith.muli %arg1, %mul3A_11 : i32
    %mul3A_13 = arith.constant 640 : i32
    %mul3A_14 = arith.muli %arg1, %mul3A_13 : i32
    "tpu.region"() ({
      %run_scoped3A = tpu.sem_alloc : memref<!tpu.dma_semaphore, #tpu.memory_space<semaphore_mem>>
      %dma_start3A = arith.constant 0 : i32
      %dma_start3A_15 = tpu.memref_slice %arg5[%arg0, %mul3A_14, %dma_start3A] : memref<2x10240x16xf32, #tpu.memory_space<hbm>> -> memref<1x640x16xf32, #tpu.memory_space<hbm>>
      %dma_start3A_16 = tpu.memref_squeeze %dma_start3A_15 : memref<1x640x16xf32, #tpu.memory_space<hbm>> -> memref<640x16xf32, #tpu.memory_space<hbm>>
      %dma_start3A_17 = arith.constant 0 : i32
      %dma_start3A_18 = tpu.memref_slice %arg8[%mul3A_12, %dma_start3A_17] : memref<10240x16xf32, #tpu.memory_space<vmem_shared>> -> memref<640x16xf32, #tpu.memory_space<vmem_shared>>
      tpu.enqueue_dma source(%dma_start3A_18 : memref<640x16xf32, #tpu.memory_space<vmem_shared>>) target(%dma_start3A_16 : memref<640x16xf32, #tpu.memory_space<hbm>>) target_semaphore(%run_scoped3A : memref<!tpu.dma_semaphore, #tpu.memory_space<semaphore_mem>>)
      %dma_wait3A = arith.constant 0 : i32
      %dma_wait3A_19 = tpu.memref_slice %arg5[%arg0, %mul3A_14, %dma_wait3A] : memref<2x10240x16xf32, #tpu.memory_space<hbm>> -> memref<1x640x16xf32, #tpu.memory_space<hbm>>
      %dma_wait3A_20 = tpu.memref_squeeze %dma_wait3A_19 : memref<1x640x16xf32, #tpu.memory_space<hbm>> -> memref<640x16xf32, #tpu.memory_space<hbm>>
      %dma_wait3A_21 = arith.constant 0 : i32
      %dma_wait3A_22 = tpu.memref_slice %arg8[%mul3A_12, %dma_wait3A_21] : memref<10240x16xf32, #tpu.memory_space<vmem_shared>> -> memref<640x16xf32, #tpu.memory_space<vmem_shared>>
      tpu.wait_dma2 semaphore(%run_scoped3A : memref<!tpu.dma_semaphore, #tpu.memory_space<semaphore_mem>>) src(%dma_wait3A_22 : memref<640x16xf32, #tpu.memory_space<vmem_shared>>) dst(%dma_wait3A_20 : memref<640x16xf32, #tpu.memory_space<hbm>>)
      tpu.yield
    }) : () -> ()
    return
  }
}

#map = affine_map<(d0, d1) -> (0, 0)>
#map1 = affine_map<(d0, d1) -> (0, 0, 0)>
module attributes {stable_mosaic.version = 14 : i64} {
  func.func @sc_gather(%arg0: i32, %arg1: i32, %arg2: memref<10240x16xf32, #tpu.memory_space<hbm>>, %arg3: memref<32x40x125xi32, #tpu.memory_space<hbm>>, %arg4: memref<160000x16xf32, #tpu.memory_space<hbm>>, %arg5: memref<40x125xi32, #tpu.memory_space<vmem>>, %arg6: memref<5000x16xf32, #tpu.memory_space<vmem>>, %arg7: memref<10240x16xf32, #tpu.memory_space<vmem_shared>>, %arg8: memref<!tpu.dma_semaphore, #tpu.memory_space<semaphore_mem>>) attributes {dimension_semantics = [#tpu.dimension_semantics<core_parallel>, #tpu.dimension_semantics<subcore_parallel>], iteration_bounds = array<i64: 2, 16>, scalar_prefetch = 0 : i64, scratch_operands = 4 : i64, tpu.core_type = #tpu.core_type<sc_vector_subcore>, window_params = [{transform_indices = #map}, {transform_indices = #map1}, {transform_indices = #map}]} {
    %mul3A = arith.constant 2 : i32
    %mul3A_0 = arith.muli %arg1, %mul3A : i32
    %add3A = arith.addi %mul3A_0, %arg0 : i32
    %eq3A = arith.constant 0 : i32
    %eq3A_1 = arith.cmpi eq, %arg1, %eq3A : i32
    %convert_element_type3A = arith.extui %eq3A_1 : i1 to i32
    %cond3A = arith.constant 0 : i32
    %cond3A_2 = arith.cmpi ne, %convert_element_type3A, %cond3A : i32
    scf.if %cond3A_2 {
      "tpu.region"() ({
        %run_scoped3A = tpu.sem_alloc : memref<!tpu.dma_semaphore, #tpu.memory_space<semaphore_mem>>
        tpu.enqueue_dma source(%arg2 : memref<10240x16xf32, #tpu.memory_space<hbm>>) target(%arg7 : memref<10240x16xf32, #tpu.memory_space<vmem_shared>>) target_semaphore(%run_scoped3A : memref<!tpu.dma_semaphore, #tpu.memory_space<semaphore_mem>>)
        tpu.wait_dma2 semaphore(%run_scoped3A : memref<!tpu.dma_semaphore, #tpu.memory_space<semaphore_mem>>) src(%arg2 : memref<10240x16xf32, #tpu.memory_space<hbm>>) dst(%arg7 : memref<10240x16xf32, #tpu.memory_space<vmem_shared>>)
        tpu.yield
      }) : () -> ()
    } else {
    }
    "tpu.region"() ({
      %run_scoped3A = tpu.sem_alloc : memref<!tpu.dma_semaphore, #tpu.memory_space<semaphore_mem>>
      %dma_start3A = arith.constant 0 : i32
      %dma_start3A_15 = arith.constant 0 : i32
      %dma_start3A_16 = tpu.memref_slice %arg3[%add3A, %dma_start3A, %dma_start3A_15] : memref<32x40x125xi32, #tpu.memory_space<hbm>> -> memref<1x40x125xi32, #tpu.memory_space<hbm>>
      %dma_start3A_17 = tpu.memref_squeeze %dma_start3A_16 : memref<1x40x125xi32, #tpu.memory_space<hbm>> -> memref<40x125xi32, #tpu.memory_space<hbm>>
      %dma_start3A_18 = arith.constant 0 : i32
      %dma_start3A_19 = arith.constant 0 : i32
      %dma_start3A_20 = tpu.memref_slice %arg3[%add3A, %dma_start3A_18, %dma_start3A_19] : memref<32x40x125xi32, #tpu.memory_space<hbm>> -> memref<1x40x125xi32, #tpu.memory_space<hbm>>
      %dma_start3A_21 = tpu.memref_squeeze %dma_start3A_20 : memref<1x40x125xi32, #tpu.memory_space<hbm>> -> memref<40x125xi32, #tpu.memory_space<hbm>>
      tpu.enqueue_dma source(%dma_start3A_21 : memref<40x125xi32, #tpu.memory_space<hbm>>) target(%arg5 : memref<40x125xi32, #tpu.memory_space<vmem>>) target_semaphore(%run_scoped3A : memref<!tpu.dma_semaphore, #tpu.memory_space<semaphore_mem>>)
      %dma_wait3A_22 = arith.constant 0 : i32
      %dma_wait3A_23 = arith.constant 0 : i32
      %dma_wait3A_24 = tpu.memref_slice %arg3[%add3A, %dma_wait3A_22, %dma_wait3A_23] : memref<32x40x125xi32, #tpu.memory_space<hbm>> -> memref<1x40x125xi32, #tpu.memory_space<hbm>>
      %dma_wait3A_25 = tpu.memref_squeeze %dma_wait3A_24 : memref<1x40x125xi32, #tpu.memory_space<hbm>> -> memref<40x125xi32, #tpu.memory_space<hbm>>
      %dma_wait3A_26 = arith.constant 0 : i32
      %dma_wait3A_27 = arith.constant 0 : i32
      %dma_wait3A_28 = tpu.memref_slice %arg3[%add3A, %dma_wait3A_26, %dma_wait3A_27] : memref<32x40x125xi32, #tpu.memory_space<hbm>> -> memref<1x40x125xi32, #tpu.memory_space<hbm>>
      %dma_wait3A_29 = tpu.memref_squeeze %dma_wait3A_28 : memref<1x40x125xi32, #tpu.memory_space<hbm>> -> memref<40x125xi32, #tpu.memory_space<hbm>>
      tpu.wait_dma2 semaphore(%run_scoped3A : memref<!tpu.dma_semaphore, #tpu.memory_space<semaphore_mem>>) src(%dma_wait3A_29 : memref<40x125xi32, #tpu.memory_space<hbm>>) dst(%arg5 : memref<40x125xi32, #tpu.memory_space<vmem>>)
      tpu.yield
    }) : () -> ()
    %barrier3A = arith.constant 0 : index
    tpu.barrier barrier_id(%barrier3A)
    %scan3A = arith.constant 0 : i32
    %scan3A_3 = arith.constant 0 : i32
    %scan3A_4 = arith.constant 40 : i32
    %scan3A_5 = arith.addi %scan3A_3, %scan3A_4 : i32
    %scan3A_6 = arith.constant 1 : i32
    scf.for %scan3A_15 = %scan3A_3 to %scan3A_5 step %scan3A_6  : i32 {
      %mul3A_16 = arith.constant 125 : i32
      %mul3A_17 = arith.muli %scan3A_15, %mul3A_16 : i32
      %dma_start3A = arith.constant 0 : i32
      %dma_start3A_18 = tpu.memref_slice %arg6[%mul3A_17, %dma_start3A] : memref<5000x16xf32, #tpu.memory_space<vmem>> -> memref<125x16xf32, #tpu.memory_space<vmem>>
      %dma_start3A_19 = arith.constant 0 : i32
      %dma_start3A_20 = tpu.memref_slice %arg5[%scan3A_15, %dma_start3A_19] : memref<40x125xi32, #tpu.memory_space<vmem>> -> memref<1x125xi32, #tpu.memory_space<vmem>>
      %dma_start3A_21 = tpu.memref_squeeze %dma_start3A_20 : memref<1x125xi32, #tpu.memory_space<vmem>> -> memref<125xi32, #tpu.memory_space<vmem>>
      %dma_start3A_22 = arith.constant 0 : i32
      %dma_start3A_23 = arith.constant 0 : i32
      %dma_start3A_24 = tpu.memref_slice %arg7[%dma_start3A_22, %dma_start3A_23] : memref<10240x16xf32, #tpu.memory_space<vmem_shared>> -> memref<10240x16xf32, #tpu.memory_space<vmem_shared>>
      tpu.enqueue_indirect_dma source(%dma_start3A_24 : memref<10240x16xf32, #tpu.memory_space<vmem_shared>>) target(%dma_start3A_18 : memref<125x16xf32, #tpu.memory_space<vmem>>) offsets(%dma_start3A_21 : memref<125xi32, #tpu.memory_space<vmem>>) semaphore(%arg8 : memref<!tpu.dma_semaphore, #tpu.memory_space<semaphore_mem>>)
    }
    %scan3A_7 = arith.constant 40 : i32
    %mul3A_8 = arith.constant 5000 : i32
    %mul3A_9 = arith.muli %add3A, %mul3A_8 : i32
    %dma_wait3A = arith.constant 0 : i32
    %dma_wait3A_10 = tpu.memref_slice %arg4[%mul3A_9, %dma_wait3A] : memref<160000x16xf32, #tpu.memory_space<hbm>> -> memref<5000x16xf32, #tpu.memory_space<hbm>>
    %dma_wait3A_11 = arith.constant 0 : i32
    %dma_wait3A_12 = tpu.memref_slice %arg4[%mul3A_9, %dma_wait3A_11] : memref<160000x16xf32, #tpu.memory_space<hbm>> -> memref<5000x16xf32, #tpu.memory_space<hbm>>
    tpu.wait_dma2 semaphore(%arg8 : memref<!tpu.dma_semaphore, #tpu.memory_space<semaphore_mem>>) src(%dma_wait3A_12 : memref<5000x16xf32, #tpu.memory_space<hbm>>) dst(%arg6 : memref<5000x16xf32, #tpu.memory_space<vmem>>)
    %mul3A_13 = arith.constant 5000 : i32
    %mul3A_14 = arith.muli %add3A, %mul3A_13 : i32
    "tpu.region"() ({
      %run_scoped3A = tpu.sem_alloc : memref<!tpu.dma_semaphore, #tpu.memory_space<semaphore_mem>>
      %dma_start3A = arith.constant 0 : i32
      %dma_start3A_15 = tpu.memref_slice %arg4[%mul3A_14, %dma_start3A] : memref<160000x16xf32, #tpu.memory_space<hbm>> -> memref<5000x16xf32, #tpu.memory_space<hbm>>
      %dma_start3A_16 = arith.constant 0 : i32
      %dma_start3A_17 = tpu.memref_slice %arg4[%mul3A_14, %dma_start3A_16] : memref<160000x16xf32, #tpu.memory_space<hbm>> -> memref<5000x16xf32, #tpu.memory_space<hbm>>
      tpu.enqueue_dma source(%arg6 : memref<5000x16xf32, #tpu.memory_space<vmem>>) target(%dma_start3A_17 : memref<5000x16xf32, #tpu.memory_space<hbm>>) target_semaphore(%run_scoped3A : memref<!tpu.dma_semaphore, #tpu.memory_space<semaphore_mem>>)
      %dma_wait3A_18 = arith.constant 0 : i32
      %dma_wait3A_19 = tpu.memref_slice %arg4[%mul3A_14, %dma_wait3A_18] : memref<160000x16xf32, #tpu.memory_space<hbm>> -> memref<5000x16xf32, #tpu.memory_space<hbm>>
      %dma_wait3A_20 = arith.constant 0 : i32
      %dma_wait3A_21 = tpu.memref_slice %arg4[%mul3A_14, %dma_wait3A_20] : memref<160000x16xf32, #tpu.memory_space<hbm>> -> memref<5000x16xf32, #tpu.memory_space<hbm>>
      tpu.wait_dma2 semaphore(%run_scoped3A : memref<!tpu.dma_semaphore, #tpu.memory_space<semaphore_mem>>) src(%arg6 : memref<5000x16xf32, #tpu.memory_space<vmem>>) dst(%dma_wait3A_21 : memref<5000x16xf32, #tpu.memory_space<hbm>>)
      tpu.yield
    }) : () -> ()
    return
  }
}

#map = affine_map<(d0, d1) -> (0, 0)>
#map1 = affine_map<(d0, d1) -> (0, 0, 0)>
module attributes {stable_mosaic.version = 14 : i64} {
  func.func @sc_gather(%arg0: i32, %arg1: i32, %arg2: memref<10240x16xf32, #tpu.memory_space<hbm>>, %arg3: memref<32x40x125xi32, #tpu.memory_space<hbm>>, %arg4: memref<160000x16xf32, #tpu.memory_space<hbm>>, %arg5: memref<40x125xi32, #tpu.memory_space<vmem>>, %arg6: memref<5000x16xf32, #tpu.memory_space<vmem>>, %arg7: memref<10240x16xf32, #tpu.memory_space<vmem_shared>>, %arg8: memref<!tpu.dma_semaphore, #tpu.memory_space<semaphore_mem>>) attributes {dimension_semantics = [#tpu.dimension_semantics<core_parallel>, #tpu.dimension_semantics<subcore_parallel>], iteration_bounds = array<i64: 2, 16>, scalar_prefetch = 0 : i64, scratch_operands = 4 : i64, tpu.core_type = #tpu.core_type<sc_vector_subcore>, window_params = [{transform_indices = #map}, {transform_indices = #map1}, {transform_indices = #map}]} {
    %mul3A = arith.constant 2 : i32
    %mul3A_0 = arith.muli %arg1, %mul3A : i32
    %add3A = arith.addi %mul3A_0, %arg0 : i32
    %eq3A = arith.constant 0 : i32
    %eq3A_1 = arith.cmpi eq, %arg1, %eq3A : i32
    %convert_element_type3A = arith.extui %eq3A_1 : i1 to i32
    %cond3A = arith.constant 0 : i32
    %cond3A_2 = arith.cmpi ne, %convert_element_type3A, %cond3A : i32
    scf.if %cond3A_2 {
      "tpu.region"() ({
        %run_scoped3A = tpu.sem_alloc : memref<!tpu.dma_semaphore, #tpu.memory_space<semaphore_mem>>
        tpu.enqueue_dma source(%arg2 : memref<10240x16xf32, #tpu.memory_space<hbm>>) target(%arg7 : memref<10240x16xf32, #tpu.memory_space<vmem_shared>>) target_semaphore(%run_scoped3A : memref<!tpu.dma_semaphore, #tpu.memory_space<semaphore_mem>>)
        tpu.wait_dma2 semaphore(%run_scoped3A : memref<!tpu.dma_semaphore, #tpu.memory_space<semaphore_mem>>) src(%arg2 : memref<10240x16xf32, #tpu.memory_space<hbm>>) dst(%arg7 : memref<10240x16xf32, #tpu.memory_space<vmem_shared>>)
        tpu.yield
      }) : () -> ()
    } else {
    }
    "tpu.region"() ({
      %run_scoped3A = tpu.sem_alloc : memref<!tpu.dma_semaphore, #tpu.memory_space<semaphore_mem>>
      %dma_start3A = arith.constant 0 : i32
      %dma_start3A_15 = arith.constant 0 : i32
      %dma_start3A_16 = tpu.memref_slice %arg3[%add3A, %dma_start3A, %dma_start3A_15] : memref<32x40x125xi32, #tpu.memory_space<hbm>> -> memref<1x40x125xi32, #tpu.memory_space<hbm>>
      %dma_start3A_17 = tpu.memref_squeeze %dma_start3A_16 : memref<1x40x125xi32, #tpu.memory_space<hbm>> -> memref<40x125xi32, #tpu.memory_space<hbm>>
      %dma_start3A_18 = arith.constant 0 : i32
      %dma_start3A_19 = arith.constant 0 : i32
      %dma_start3A_20 = tpu.memref_slice %arg3[%add3A, %dma_start3A_18, %dma_start3A_19] : memref<32x40x125xi32, #tpu.memory_space<hbm>> -> memref<1x40x125xi32, #tpu.memory_space<hbm>>
      %dma_start3A_21 = tpu.memref_squeeze %dma_start3A_20 : memref<1x40x125xi32, #tpu.memory_space<hbm>> -> memref<40x125xi32, #tpu.memory_space<hbm>>
      tpu.enqueue_dma source(%dma_start3A_21 : memref<40x125xi32, #tpu.memory_space<hbm>>) target(%arg5 : memref<40x125xi32, #tpu.memory_space<vmem>>) target_semaphore(%run_scoped3A : memref<!tpu.dma_semaphore, #tpu.memory_space<semaphore_mem>>)
      %dma_wait3A_22 = arith.constant 0 : i32
      %dma_wait3A_23 = arith.constant 0 : i32
      %dma_wait3A_24 = tpu.memref_slice %arg3[%add3A, %dma_wait3A_22, %dma_wait3A_23] : memref<32x40x125xi32, #tpu.memory_space<hbm>> -> memref<1x40x125xi32, #tpu.memory_space<hbm>>
      %dma_wait3A_25 = tpu.memref_squeeze %dma_wait3A_24 : memref<1x40x125xi32, #tpu.memory_space<hbm>> -> memref<40x125xi32, #tpu.memory_space<hbm>>
      %dma_wait3A_26 = arith.constant 0 : i32
      %dma_wait3A_27 = arith.constant 0 : i32
      %dma_wait3A_28 = tpu.memref_slice %arg3[%add3A, %dma_wait3A_26, %dma_wait3A_27] : memref<32x40x125xi32, #tpu.memory_space<hbm>> -> memref<1x40x125xi32, #tpu.memory_space<hbm>>
      %dma_wait3A_29 = tpu.memref_squeeze %dma_wait3A_28 : memref<1x40x125xi32, #tpu.memory_space<hbm>> -> memref<40x125xi32, #tpu.memory_space<hbm>>
      tpu.wait_dma2 semaphore(%run_scoped3A : memref<!tpu.dma_semaphore, #tpu.memory_space<semaphore_mem>>) src(%dma_wait3A_29 : memref<40x125xi32, #tpu.memory_space<hbm>>) dst(%arg5 : memref<40x125xi32, #tpu.memory_space<vmem>>)
      tpu.yield
    }) : () -> ()
    %barrier3A = arith.constant 0 : index
    tpu.barrier barrier_id(%barrier3A)
    %scan3A = arith.constant 0 : i32
    %scan3A_3 = arith.constant 0 : i32
    %scan3A_4 = arith.constant 40 : i32
    %scan3A_5 = arith.addi %scan3A_3, %scan3A_4 : i32
    %scan3A_6 = arith.constant 1 : i32
    scf.for %scan3A_15 = %scan3A_3 to %scan3A_5 step %scan3A_6  : i32 {
      %mul3A_16 = arith.constant 125 : i32
      %mul3A_17 = arith.muli %scan3A_15, %mul3A_16 : i32
      %dma_start3A = arith.constant 0 : i32
      %dma_start3A_18 = tpu.memref_slice %arg6[%mul3A_17, %dma_start3A] : memref<5000x16xf32, #tpu.memory_space<vmem>> -> memref<125x16xf32, #tpu.memory_space<vmem>>
      %dma_start3A_19 = arith.constant 0 : i32
      %dma_start3A_20 = tpu.memref_slice %arg5[%scan3A_15, %dma_start3A_19] : memref<40x125xi32, #tpu.memory_space<vmem>> -> memref<1x125xi32, #tpu.memory_space<vmem>>
      %dma_start3A_21 = tpu.memref_squeeze %dma_start3A_20 : memref<1x125xi32, #tpu.memory_space<vmem>> -> memref<125xi32, #tpu.memory_space<vmem>>
      %dma_start3A_22 = arith.constant 0 : i32
      %dma_start3A_23 = arith.constant 0 : i32
      %dma_start3A_24 = tpu.memref_slice %arg7[%dma_start3A_22, %dma_start3A_23] : memref<10240x16xf32, #tpu.memory_space<vmem_shared>> -> memref<10240x16xf32, #tpu.memory_space<vmem_shared>>
      tpu.enqueue_indirect_dma source(%dma_start3A_24 : memref<10240x16xf32, #tpu.memory_space<vmem_shared>>) target(%dma_start3A_18 : memref<125x16xf32, #tpu.memory_space<vmem>>) offsets(%dma_start3A_21 : memref<125xi32, #tpu.memory_space<vmem>>) semaphore(%arg8 : memref<!tpu.dma_semaphore, #tpu.memory_space<semaphore_mem>>)
    }
    %scan3A_7 = arith.constant 40 : i32
    %mul3A_8 = arith.constant 5000 : i32
    %mul3A_9 = arith.muli %add3A, %mul3A_8 : i32
    %dma_wait3A = arith.constant 0 : i32
    %dma_wait3A_10 = tpu.memref_slice %arg4[%mul3A_9, %dma_wait3A] : memref<160000x16xf32, #tpu.memory_space<hbm>> -> memref<5000x16xf32, #tpu.memory_space<hbm>>
    %dma_wait3A_11 = arith.constant 0 : i32
    %dma_wait3A_12 = tpu.memref_slice %arg4[%mul3A_9, %dma_wait3A_11] : memref<160000x16xf32, #tpu.memory_space<hbm>> -> memref<5000x16xf32, #tpu.memory_space<hbm>>
    tpu.wait_dma2 semaphore(%arg8 : memref<!tpu.dma_semaphore, #tpu.memory_space<semaphore_mem>>) src(%dma_wait3A_12 : memref<5000x16xf32, #tpu.memory_space<hbm>>) dst(%arg6 : memref<5000x16xf32, #tpu.memory_space<vmem>>)
    %mul3A_13 = arith.constant 5000 : i32
    %mul3A_14 = arith.muli %add3A, %mul3A_13 : i32
    "tpu.region"() ({
      %run_scoped3A = tpu.sem_alloc : memref<!tpu.dma_semaphore, #tpu.memory_space<semaphore_mem>>
      %dma_start3A = arith.constant 0 : i32
      %dma_start3A_15 = tpu.memref_slice %arg4[%mul3A_14, %dma_start3A] : memref<160000x16xf32, #tpu.memory_space<hbm>> -> memref<5000x16xf32, #tpu.memory_space<hbm>>
      %dma_start3A_16 = arith.constant 0 : i32
      %dma_start3A_17 = tpu.memref_slice %arg4[%mul3A_14, %dma_start3A_16] : memref<160000x16xf32, #tpu.memory_space<hbm>> -> memref<5000x16xf32, #tpu.memory_space<hbm>>
      tpu.enqueue_dma source(%arg6 : memref<5000x16xf32, #tpu.memory_space<vmem>>) target(%dma_start3A_17 : memref<5000x16xf32, #tpu.memory_space<hbm>>) target_semaphore(%run_scoped3A : memref<!tpu.dma_semaphore, #tpu.memory_space<semaphore_mem>>)
      %dma_wait3A_18 = arith.constant 0 : i32
      %dma_wait3A_19 = tpu.memref_slice %arg4[%mul3A_14, %dma_wait3A_18] : memref<160000x16xf32, #tpu.memory_space<hbm>> -> memref<5000x16xf32, #tpu.memory_space<hbm>>
      %dma_wait3A_20 = arith.constant 0 : i32
      %dma_wait3A_21 = tpu.memref_slice %arg4[%mul3A_14, %dma_wait3A_20] : memref<160000x16xf32, #tpu.memory_space<hbm>> -> memref<5000x16xf32, #tpu.memory_space<hbm>>
      tpu.wait_dma2 semaphore(%run_scoped3A : memref<!tpu.dma_semaphore, #tpu.memory_space<semaphore_mem>>) src(%arg6 : memref<5000x16xf32, #tpu.memory_space<vmem>>) dst(%dma_wait3A_21 : memref<5000x16xf32, #tpu.memory_space<hbm>>)
      tpu.yield
    }) : () -> ()
    return
  }
}

#map = affine_map<(d0, d1) -> (0, 0)>
#map1 = affine_map<(d0, d1) -> (0, 0, 0)>
module attributes {stable_mosaic.version = 14 : i64} {
  func.func @sc_scatter(%arg0: i32, %arg1: i32, %arg2: memref<160000x16xf32, #tpu.memory_space<hbm>>, %arg3: memref<32x40x125xi32, #tpu.memory_space<hbm>>, %arg4: memref<10240x16xf32, #tpu.memory_space<hbm>>, %arg5: memref<2x10240x16xf32, #tpu.memory_space<hbm>>, %arg6: memref<40x125xi32, #tpu.memory_space<vmem>>, %arg7: memref<5000x16xf32, #tpu.memory_space<vmem>>, %arg8: memref<10240x16xf32, #tpu.memory_space<vmem_shared>>) attributes {dimension_semantics = [#tpu.dimension_semantics<core_parallel>, #tpu.dimension_semantics<subcore_parallel>], iteration_bounds = array<i64: 2, 16>, scalar_prefetch = 0 : i64, scratch_operands = 3 : i64, tpu.core_type = #tpu.core_type<sc_vector_subcore>, window_params = [{transform_indices = #map}, {transform_indices = #map1}, {transform_indices = #map}, {transform_indices = #map1}]} {
    %mul3A = arith.constant 2 : i32
    %mul3A_0 = arith.muli %arg1, %mul3A : i32
    %add3A = arith.addi %mul3A_0, %arg0 : i32
    %eq3A = arith.constant 0 : i32
    %eq3A_1 = arith.cmpi eq, %arg1, %eq3A : i32
    %convert_element_type3A = arith.extui %eq3A_1 : i1 to i32
    %cond3A = arith.constant 0 : i32
    %cond3A_2 = arith.cmpi ne, %convert_element_type3A, %cond3A : i32
    scf.if %cond3A_2 {
      "tpu.region"() ({
        %run_scoped3A = tpu.sem_alloc : memref<!tpu.dma_semaphore, #tpu.memory_space<semaphore_mem>>
        tpu.enqueue_dma source(%arg4 : memref<10240x16xf32, #tpu.memory_space<hbm>>) target(%arg8 : memref<10240x16xf32, #tpu.memory_space<vmem_shared>>) target_semaphore(%run_scoped3A : memref<!tpu.dma_semaphore, #tpu.memory_space<semaphore_mem>>)
        tpu.wait_dma2 semaphore(%run_scoped3A : memref<!tpu.dma_semaphore, #tpu.memory_space<semaphore_mem>>) src(%arg4 : memref<10240x16xf32, #tpu.memory_space<hbm>>) dst(%arg8 : memref<10240x16xf32, #tpu.memory_space<vmem_shared>>)
        tpu.yield
      }) : () -> ()
    } else {
    }
    "tpu.region"() ({
      %run_scoped3A = tpu.sem_alloc : memref<!tpu.dma_semaphore, #tpu.memory_space<semaphore_mem>>
      %dma_start3A = arith.constant 0 : i32
      %dma_start3A_15 = arith.constant 0 : i32
      %dma_start3A_16 = tpu.memref_slice %arg3[%add3A, %dma_start3A, %dma_start3A_15] : memref<32x40x125xi32, #tpu.memory_space<hbm>> -> memref<1x40x125xi32, #tpu.memory_space<hbm>>
      %dma_start3A_17 = tpu.memref_squeeze %dma_start3A_16 : memref<1x40x125xi32, #tpu.memory_space<hbm>> -> memref<40x125xi32, #tpu.memory_space<hbm>>
      %dma_start3A_18 = arith.constant 0 : i32
      %dma_start3A_19 = arith.constant 0 : i32
      %dma_start3A_20 = tpu.memref_slice %arg3[%add3A, %dma_start3A_18, %dma_start3A_19] : memref<32x40x125xi32, #tpu.memory_space<hbm>> -> memref<1x40x125xi32, #tpu.memory_space<hbm>>
      %dma_start3A_21 = tpu.memref_squeeze %dma_start3A_20 : memref<1x40x125xi32, #tpu.memory_space<hbm>> -> memref<40x125xi32, #tpu.memory_space<hbm>>
      tpu.enqueue_dma source(%dma_start3A_21 : memref<40x125xi32, #tpu.memory_space<hbm>>) target(%arg6 : memref<40x125xi32, #tpu.memory_space<vmem>>) target_semaphore(%run_scoped3A : memref<!tpu.dma_semaphore, #tpu.memory_space<semaphore_mem>>)
      %dma_wait3A = arith.constant 0 : i32
      %dma_wait3A_22 = arith.constant 0 : i32
      %dma_wait3A_23 = tpu.memref_slice %arg3[%add3A, %dma_wait3A, %dma_wait3A_22] : memref<32x40x125xi32, #tpu.memory_space<hbm>> -> memref<1x40x125xi32, #tpu.memory_space<hbm>>
      %dma_wait3A_24 = tpu.memref_squeeze %dma_wait3A_23 : memref<1x40x125xi32, #tpu.memory_space<hbm>> -> memref<40x125xi32, #tpu.memory_space<hbm>>
      %dma_wait3A_25 = arith.constant 0 : i32
      %dma_wait3A_26 = arith.constant 0 : i32
      %dma_wait3A_27 = tpu.memref_slice %arg3[%add3A, %dma_wait3A_25, %dma_wait3A_26] : memref<32x40x125xi32, #tpu.memory_space<hbm>> -> memref<1x40x125xi32, #tpu.memory_space<hbm>>
      %dma_wait3A_28 = tpu.memref_squeeze %dma_wait3A_27 : memref<1x40x125xi32, #tpu.memory_space<hbm>> -> memref<40x125xi32, #tpu.memory_space<hbm>>
      tpu.wait_dma2 semaphore(%run_scoped3A : memref<!tpu.dma_semaphore, #tpu.memory_space<semaphore_mem>>) src(%dma_wait3A_28 : memref<40x125xi32, #tpu.memory_space<hbm>>) dst(%arg6 : memref<40x125xi32, #tpu.memory_space<vmem>>)
      tpu.yield
    }) : () -> ()
    %mul3A_3 = arith.constant 5000 : i32
    %mul3A_4 = arith.muli %add3A, %mul3A_3 : i32
    "tpu.region"() ({
      %run_scoped3A = tpu.sem_alloc : memref<!tpu.dma_semaphore, #tpu.memory_space<semaphore_mem>>
      %dma_start3A = arith.constant 0 : i32
      %dma_start3A_15 = tpu.memref_slice %arg2[%mul3A_4, %dma_start3A] : memref<160000x16xf32, #tpu.memory_space<hbm>> -> memref<5000x16xf32, #tpu.memory_space<hbm>>
      %dma_start3A_16 = arith.constant 0 : i32
      %dma_start3A_17 = tpu.memref_slice %arg2[%mul3A_4, %dma_start3A_16] : memref<160000x16xf32, #tpu.memory_space<hbm>> -> memref<5000x16xf32, #tpu.memory_space<hbm>>
      tpu.enqueue_dma source(%dma_start3A_17 : memref<5000x16xf32, #tpu.memory_space<hbm>>) target(%arg7 : memref<5000x16xf32, #tpu.memory_space<vmem>>) target_semaphore(%run_scoped3A : memref<!tpu.dma_semaphore, #tpu.memory_space<semaphore_mem>>)
      %dma_wait3A = arith.constant 0 : i32
      %dma_wait3A_18 = tpu.memref_slice %arg2[%mul3A_4, %dma_wait3A] : memref<160000x16xf32, #tpu.memory_space<hbm>> -> memref<5000x16xf32, #tpu.memory_space<hbm>>
      %dma_wait3A_19 = arith.constant 0 : i32
      %dma_wait3A_20 = tpu.memref_slice %arg2[%mul3A_4, %dma_wait3A_19] : memref<160000x16xf32, #tpu.memory_space<hbm>> -> memref<5000x16xf32, #tpu.memory_space<hbm>>
      tpu.wait_dma2 semaphore(%run_scoped3A : memref<!tpu.dma_semaphore, #tpu.memory_space<semaphore_mem>>) src(%dma_wait3A_20 : memref<5000x16xf32, #tpu.memory_space<hbm>>) dst(%arg7 : memref<5000x16xf32, #tpu.memory_space<vmem>>)
      tpu.yield
    }) : () -> ()
    %barrier3A = arith.constant 0 : index
    tpu.barrier barrier_id(%barrier3A)
    %scan3A = arith.constant 0 : i32
    %scan3A_5 = arith.constant 0 : i32
    %scan3A_6 = arith.constant 40 : i32
    %scan3A_7 = arith.addi %scan3A_5, %scan3A_6 : i32
    %scan3A_8 = arith.constant 1 : i32
    scf.for %scan3A_15 = %scan3A_5 to %scan3A_7 step %scan3A_8  : i32 {
      %mul3A_16 = arith.constant 125 : i32
      %mul3A_17 = arith.muli %scan3A_15, %mul3A_16 : i32
      "tpu.region"() ({
        %run_scoped3A = tpu.sem_alloc : memref<!tpu.dma_semaphore, #tpu.memory_space<semaphore_mem>>
        %dma_start3A = arith.constant 0 : i32
        %dma_start3A_18 = tpu.memref_slice %arg7[%mul3A_17, %dma_start3A] : memref<5000x16xf32, #tpu.memory_space<vmem>> -> memref<125x16xf32, #tpu.memory_space<vmem>>
        %dma_start3A_19 = arith.constant 0 : i32
        %dma_start3A_20 = tpu.memref_slice %arg6[%scan3A_15, %dma_start3A_19] : memref<40x125xi32, #tpu.memory_space<vmem>> -> memref<1x125xi32, #tpu.memory_space<vmem>>
        %dma_start3A_21 = tpu.memref_squeeze %dma_start3A_20 : memref<1x125xi32, #tpu.memory_space<vmem>> -> memref<125xi32, #tpu.memory_space<vmem>>
        %dma_start3A_22 = arith.constant 0 : i32
        %dma_start3A_23 = arith.constant 0 : i32
        %dma_start3A_24 = tpu.memref_slice %arg8[%dma_start3A_22, %dma_start3A_23] : memref<10240x16xf32, #tpu.memory_space<vmem_shared>> -> memref<10240x16xf32, #tpu.memory_space<vmem_shared>>
        tpu.enqueue_indirect_dma source(%dma_start3A_18 : memref<125x16xf32, #tpu.memory_space<vmem>>) target(%dma_start3A_24 : memref<10240x16xf32, #tpu.memory_space<vmem_shared>>) offsets(%dma_start3A_21 : memref<125xi32, #tpu.memory_space<vmem>>) semaphore(%run_scoped3A : memref<!tpu.dma_semaphore, #tpu.memory_space<semaphore_mem>>) {add = true}
        %dma_wait3A = arith.constant 0 : i32
        %dma_wait3A_25 = tpu.memref_slice %arg7[%mul3A_17, %dma_wait3A] : memref<5000x16xf32, #tpu.memory_space<vmem>> -> memref<125x16xf32, #tpu.memory_space<vmem>>
        %dma_wait3A_26 = arith.constant 0 : i32
        %dma_wait3A_27 = tpu.memref_slice %arg6[%scan3A_15, %dma_wait3A_26] : memref<40x125xi32, #tpu.memory_space<vmem>> -> memref<1x125xi32, #tpu.memory_space<vmem>>
        %dma_wait3A_28 = tpu.memref_squeeze %dma_wait3A_27 : memref<1x125xi32, #tpu.memory_space<vmem>> -> memref<125xi32, #tpu.memory_space<vmem>>
        %dma_wait3A_29 = arith.constant 0 : i32
        %dma_wait3A_30 = arith.constant 0 : i32
        %dma_wait3A_31 = tpu.memref_slice %arg8[%dma_wait3A_29, %dma_wait3A_30] : memref<10240x16xf32, #tpu.memory_space<vmem_shared>> -> memref<10240x16xf32, #tpu.memory_space<vmem_shared>>
        tpu.wait_indirect_dma semaphore(%run_scoped3A : memref<!tpu.dma_semaphore, #tpu.memory_space<semaphore_mem>>) src(%dma_wait3A_25 : memref<125x16xf32, #tpu.memory_space<vmem>>) dst(%dma_wait3A_31 : memref<10240x16xf32, #tpu.memory_space<vmem_shared>>)
        tpu.yield
      }) : () -> ()
    }
    %scan3A_9 = arith.constant 40 : i32
    %barrier3A_10 = arith.constant 0 : index
    tpu.barrier barrier_id(%barrier3A_10)
    %mul3A_11 = arith.constant 640 : i32
    %mul3A_12 = arith.muli %arg1, %mul3A_11 : i32
    %mul3A_13 = arith.constant 640 : i32
    %mul3A_14 = arith.muli %arg1, %mul3A_13 : i32
    "tpu.region"() ({
      %run_scoped3A = tpu.sem_alloc : memref<!tpu.dma_semaphore, #tpu.memory_space<semaphore_mem>>
      %dma_start3A = arith.constant 0 : i32
      %dma_start3A_15 = tpu.memref_slice %arg5[%arg0, %mul3A_14, %dma_start3A] : memref<2x10240x16xf32, #tpu.memory_space<hbm>> -> memref<1x640x16xf32, #tpu.memory_space<hbm>>
      %dma_start3A_16 = tpu.memref_squeeze %dma_start3A_15 : memref<1x640x16xf32, #tpu.memory_space<hbm>> -> memref<640x16xf32, #tpu.memory_space<hbm>>
      %dma_start3A_17 = arith.constant 0 : i32
      %dma_start3A_18 = tpu.memref_slice %arg8[%mul3A_12, %dma_start3A_17] : memref<10240x16xf32, #tpu.memory_space<vmem_shared>> -> memref<640x16xf32, #tpu.memory_space<vmem_shared>>
      tpu.enqueue_dma source(%dma_start3A_18 : memref<640x16xf32, #tpu.memory_space<vmem_shared>>) target(%dma_start3A_16 : memref<640x16xf32, #tpu.memory_space<hbm>>) target_semaphore(%run_scoped3A : memref<!tpu.dma_semaphore, #tpu.memory_space<semaphore_mem>>)
      %dma_wait3A = arith.constant 0 : i32
      %dma_wait3A_19 = tpu.memref_slice %arg5[%arg0, %mul3A_14, %dma_wait3A] : memref<2x10240x16xf32, #tpu.memory_space<hbm>> -> memref<1x640x16xf32, #tpu.memory_space<hbm>>
      %dma_wait3A_20 = tpu.memref_squeeze %dma_wait3A_19 : memref<1x640x16xf32, #tpu.memory_space<hbm>> -> memref<640x16xf32, #tpu.memory_space<hbm>>
      %dma_wait3A_21 = arith.constant 0 : i32
      %dma_wait3A_22 = tpu.memref_slice %arg8[%mul3A_12, %dma_wait3A_21] : memref<10240x16xf32, #tpu.memory_space<vmem_shared>> -> memref<640x16xf32, #tpu.memory_space<vmem_shared>>
      tpu.wait_dma2 semaphore(%run_scoped3A : memref<!tpu.dma_semaphore, #tpu.memory_space<semaphore_mem>>) src(%dma_wait3A_22 : memref<640x16xf32, #tpu.memory_space<vmem_shared>>) dst(%dma_wait3A_20 : memref<640x16xf32, #tpu.memory_space<hbm>>)
      tpu.yield
    }) : () -> ()
    return
  }
}

module attributes {stable_mosaic.version = 14 : i64} {
  func.func @_lift_body(%arg0: i32, %arg1: memref<2000x128xf32, #tpu.memory_space<vmem>>, %arg2: memref<128x16xf32, #tpu.memory_space<vmem>>, %arg3: memref<1x16xf32, #tpu.memory_space<vmem>>, %arg4: memref<16x16xf32, #tpu.memory_space<vmem>>, %arg5: memref<1x16xf32, #tpu.memory_space<vmem>>, %arg6: memref<128x16xf32, #tpu.memory_space<vmem>>, %arg7: memref<1x16xf32, #tpu.memory_space<vmem>>, %arg8: memref<2000x16xf32, #tpu.memory_space<vmem>>) attributes {dimension_semantics = [#tpu.dimension_semantics<arbitrary>], iteration_bounds = array<i64: 5>, scalar_prefetch = 0 : i64, scratch_operands = 0 : i64, tpu.core_type = #tpu.core_type<tc>, window_params = [{transform_indices = @transform_0, window_bounds = array<i64: 2000, 128>}, {pipeline_mode = #tpu.pipeline_mode<synchronous>, transform_indices = @transform_1, window_bounds = array<i64: 128, 16>}, {pipeline_mode = #tpu.pipeline_mode<synchronous>, transform_indices = @transform_2, window_bounds = array<i64: 1, 16>}, {pipeline_mode = #tpu.pipeline_mode<synchronous>, transform_indices = @transform_3, window_bounds = array<i64: 16, 16>}, {pipeline_mode = #tpu.pipeline_mode<synchronous>, transform_indices = @transform_4, window_bounds = array<i64: 1, 16>}, {pipeline_mode = #tpu.pipeline_mode<synchronous>, transform_indices = @transform_5, window_bounds = array<i64: 128, 16>}, {pipeline_mode = #tpu.pipeline_mode<synchronous>, transform_indices = @transform_6, window_bounds = array<i64: 1, 16>}, {transform_indices = @transform_7, window_bounds = array<i64: 2000, 16>}]} {
    %get3A = arith.constant 0 : index
    %get3A_0 = arith.constant 0 : index
    %get3A_1 = vector.load %arg1[%get3A, %get3A_0] : memref<2000x128xf32, #tpu.memory_space<vmem>>, vector<2000x128xf32>
    %get3A_2 = arith.constant 0 : index
    %get3A_3 = arith.constant 0 : index
    %get3A_4 = vector.load %arg2[%get3A_2, %get3A_3] : memref<128x16xf32, #tpu.memory_space<vmem>>, vector<128x16xf32>
    %dot_general3A = arith.constant dense<0.000000e+00> : vector<2000x16xf32>
    %dot_general3A_5 = tpu.matmul %get3A_1, %get3A_4, %dot_general3A {dimension_numbers = #tpu.dot_dimension_numbers<[1], [0], [0], [1], [0, 0, 1, 1], [], []>, transpose_lhs_hint = false} : vector<2000x128xf32>, vector<128x16xf32>, vector<2000x16xf32> -> vector<2000x16xf32>
    %get3A_6 = arith.constant 0 : index
    %get3A_7 = arith.constant 0 : index
    %get3A_8 = vector.load %arg3[%get3A_6, %get3A_7] : memref<1x16xf32, #tpu.memory_space<vmem>>, vector<1x16xf32>
    %add3A = vector.broadcast %get3A_8 : vector<1x16xf32> to vector<2000x16xf32>
    %add3A_9 = arith.addf %dot_general3A_5, %add3A : vector<2000x16xf32>
    %sin3A = math.sin %add3A_9 : vector<2000x16xf32>
    %get3A_10 = arith.constant 0 : index
    %get3A_11 = arith.constant 0 : index
    %get3A_12 = vector.load %arg4[%get3A_10, %get3A_11] : memref<16x16xf32, #tpu.memory_space<vmem>>, vector<16x16xf32>
    %dot_general3A_13 = arith.constant dense<0.000000e+00> : vector<2000x16xf32>
    %dot_general3A_14 = tpu.matmul %sin3A, %get3A_12, %dot_general3A_13 {dimension_numbers = #tpu.dot_dimension_numbers<[1], [0], [0], [1], [0, 0, 1, 1], [], []>, transpose_lhs_hint = false} : vector<2000x16xf32>, vector<16x16xf32>, vector<2000x16xf32> -> vector<2000x16xf32>
    %get3A_15 = arith.constant 0 : index
    %get3A_16 = arith.constant 0 : index
    %get3A_17 = vector.load %arg5[%get3A_15, %get3A_16] : memref<1x16xf32, #tpu.memory_space<vmem>>, vector<1x16xf32>
    %add3A_18 = vector.broadcast %get3A_17 : vector<1x16xf32> to vector<2000x16xf32>
    %add3A_19 = arith.addf %dot_general3A_14, %add3A_18 : vector<2000x16xf32>
    %get3A_20 = arith.constant 0 : index
    %get3A_21 = arith.constant 0 : index
    %get3A_22 = vector.load %arg6[%get3A_20, %get3A_21] : memref<128x16xf32, #tpu.memory_space<vmem>>, vector<128x16xf32>
    %dot_general3A_23 = arith.constant dense<0.000000e+00> : vector<2000x16xf32>
    %dot_general3A_24 = tpu.matmul %get3A_1, %get3A_22, %dot_general3A_23 {dimension_numbers = #tpu.dot_dimension_numbers<[1], [0], [0], [1], [0, 0, 1, 1], [], []>, transpose_lhs_hint = false} : vector<2000x128xf32>, vector<128x16xf32>, vector<2000x16xf32> -> vector<2000x16xf32>
    %add3A_25 = arith.addf %add3A_19, %dot_general3A_24 : vector<2000x16xf32>
    %get3A_26 = arith.constant 0 : index
    %get3A_27 = arith.constant 0 : index
    %get3A_28 = vector.load %arg7[%get3A_26, %get3A_27] : memref<1x16xf32, #tpu.memory_space<vmem>>, vector<1x16xf32>
    %add3A_29 = vector.broadcast %get3A_28 : vector<1x16xf32> to vector<2000x16xf32>
    %add3A_30 = arith.addf %add3A_25, %add3A_29 : vector<2000x16xf32>
    %swap3A = arith.constant 0 : index
    %swap3A_31 = arith.constant 0 : index
    %swap3A_32 = vector.load %arg8[%swap3A, %swap3A_31] : memref<2000x16xf32, #tpu.memory_space<vmem>>, vector<2000x16xf32>
    tpu.vector_store %arg8[%swap3A, %swap3A_31], %add3A_30 {strides = array<i32>} : memref<2000x16xf32, #tpu.memory_space<vmem>>, vector<2000x16xf32>,
    return
  }
  func.func @transform_0(%arg0: i32) -> (i32, i32) {
    %c0_i32 = arith.constant 0 : i32
    %c0_i32_0 = arith.constant 0 : i32
    return %arg0, %c0_i32 : i32, i32
  }
  func.func @transform_1(%arg0: i32) -> (i32, i32) {
    %c0_i32 = arith.constant 0 : i32
    %c0_i32_0 = arith.constant 0 : i32
    %c0_i32_1 = arith.constant 0 : i32
    return %c0_i32, %c0_i32_0 : i32, i32
  }
  func.func @transform_2(%arg0: i32) -> (i32, i32) {
    %c0_i32 = arith.constant 0 : i32
    %c0_i32_0 = arith.constant 0 : i32
    %c0_i32_1 = arith.constant 0 : i32
    return %c0_i32, %c0_i32_0 : i32, i32
  }
  func.func @transform_3(%arg0: i32) -> (i32, i32) {
    %c0_i32 = arith.constant 0 : i32
    %c0_i32_0 = arith.constant 0 : i32
    %c0_i32_1 = arith.constant 0 : i32
    return %c0_i32, %c0_i32_0 : i32, i32
  }
  func.func @transform_4(%arg0: i32) -> (i32, i32) {
    %c0_i32 = arith.constant 0 : i32
    %c0_i32_0 = arith.constant 0 : i32
    %c0_i32_1 = arith.constant 0 : i32
    return %c0_i32, %c0_i32_0 : i32, i32
  }
  func.func @transform_5(%arg0: i32) -> (i32, i32) {
    %c0_i32 = arith.constant 0 : i32
    %c0_i32_0 = arith.constant 0 : i32
    %c0_i32_1 = arith.constant 0 : i32
    return %c0_i32, %c0_i32_0 : i32, i32
  }
  func.func @transform_6(%arg0: i32) -> (i32, i32) {
    %c0_i32 = arith.constant 0 : i32
    %c0_i32_0 = arith.constant 0 : i32
    %c0_i32_1 = arith.constant 0 : i32
    return %c0_i32, %c0_i32_0 : i32, i32
  }
  func.func @transform_7(%arg0: i32) -> (i32, i32) {
    %c0_i32 = arith.constant 0 : i32
    %c0_i32_0 = arith.constant 0 : i32
    return %arg0, %c0_i32 : i32, i32
  }
}

module attributes {stable_mosaic.version = 14 : i64} {
  func.func @_edge_mlp_body(%arg0: i32, %arg1: memref<3200x4xf32, #tpu.memory_space<vmem>>, %arg2: memref<4x32xf32, #tpu.memory_space<vmem>>, %arg3: memref<1x32xf32, #tpu.memory_space<vmem>>, %arg4: memref<32x64xf32, #tpu.memory_space<vmem>>, %arg5: memref<1x64xf32, #tpu.memory_space<vmem>>, %arg6: memref<3200x64xbf16, #tpu.memory_space<vmem>>) attributes {dimension_semantics = [#tpu.dimension_semantics<arbitrary>], iteration_bounds = array<i64: 50>, scalar_prefetch = 0 : i64, scratch_operands = 0 : i64, tpu.core_type = #tpu.core_type<tc>, window_params = [{transform_indices = @transform_0, window_bounds = array<i64: 3200, 4>}, {pipeline_mode = #tpu.pipeline_mode<synchronous>, transform_indices = @transform_1, window_bounds = array<i64: 4, 32>}, {pipeline_mode = #tpu.pipeline_mode<synchronous>, transform_indices = @transform_2, window_bounds = array<i64: 1, 32>}, {pipeline_mode = #tpu.pipeline_mode<synchronous>, transform_indices = @transform_3, window_bounds = array<i64: 32, 64>}, {pipeline_mode = #tpu.pipeline_mode<synchronous>, transform_indices = @transform_4, window_bounds = array<i64: 1, 64>}, {transform_indices = @transform_5, window_bounds = array<i64: 3200, 64>}]} {
    %get3A = arith.constant 0 : index
    %get3A_0 = arith.constant 0 : index
    %get3A_1 = vector.load %arg1[%get3A, %get3A_0] : memref<3200x4xf32, #tpu.memory_space<vmem>>, vector<3200x4xf32>
    %get3A_2 = arith.constant 0 : index
    %get3A_3 = arith.constant 0 : index
    %get3A_4 = vector.load %arg2[%get3A_2, %get3A_3] : memref<4x32xf32, #tpu.memory_space<vmem>>, vector<4x32xf32>
    %dot_general3A = arith.constant dense<0.000000e+00> : vector<3200x32xf32>
    %dot_general3A_5 = tpu.matmul %get3A_1, %get3A_4, %dot_general3A {dimension_numbers = #tpu.dot_dimension_numbers<[1], [0], [0], [1], [0, 0, 1, 1], [], []>, transpose_lhs_hint = false} : vector<3200x4xf32>, vector<4x32xf32>, vector<3200x32xf32> -> vector<3200x32xf32>
    %get3A_6 = arith.constant 0 : index
    %get3A_7 = arith.constant 0 : index
    %get3A_8 = vector.load %arg3[%get3A_6, %get3A_7] : memref<1x32xf32, #tpu.memory_space<vmem>>, vector<1x32xf32>
    %add3A = vector.broadcast %get3A_8 : vector<1x32xf32> to vector<3200x32xf32>
    %add3A_9 = arith.addf %dot_general3A_5, %add3A : vector<3200x32xf32>
    %max3A = arith.constant 0.000000e+00 : f32
    %max3A_10 = vector.broadcast %max3A : f32 to vector<3200x32xf32>
    %max3A_11 = arith.maximumf %add3A_9, %max3A_10 : vector<3200x32xf32>
    %get3A_12 = arith.constant 0 : index
    %get3A_13 = arith.constant 0 : index
    %get3A_14 = vector.load %arg4[%get3A_12, %get3A_13] : memref<32x64xf32, #tpu.memory_space<vmem>>, vector<32x64xf32>
    %dot_general3A_15 = arith.constant dense<0.000000e+00> : vector<3200x64xf32>
    %dot_general3A_16 = tpu.matmul %max3A_11, %get3A_14, %dot_general3A_15 {dimension_numbers = #tpu.dot_dimension_numbers<[1], [0], [0], [1], [0, 0, 1, 1], [], []>, transpose_lhs_hint = false} : vector<3200x32xf32>, vector<32x64xf32>, vector<3200x64xf32> -> vector<3200x64xf32>
    %get3A_17 = arith.constant 0 : index
    %get3A_18 = arith.constant 0 : index
    %get3A_19 = vector.load %arg5[%get3A_17, %get3A_18] : memref<1x64xf32, #tpu.memory_space<vmem>>, vector<1x64xf32>
    %add3A_20 = vector.broadcast %get3A_19 : vector<1x64xf32> to vector<3200x64xf32>
    %add3A_21 = arith.addf %dot_general3A_16, %add3A_20 : vector<3200x64xf32>
    %max3A_22 = arith.constant 0.000000e+00 : f32
    %max3A_23 = vector.broadcast %max3A_22 : f32 to vector<3200x64xf32>
    %max3A_24 = arith.maximumf %add3A_21, %max3A_23 : vector<3200x64xf32>
    %convert_element_type3A = arith.truncf %max3A_24 : vector<3200x64xf32> to vector<3200x64xbf16>
    %swap3A = arith.constant 0 : index
    %swap3A_25 = arith.constant 0 : index
    %swap3A_26 = vector.load %arg6[%swap3A, %swap3A_25] : memref<3200x64xbf16, #tpu.memory_space<vmem>>, vector<3200x64xbf16>
    tpu.vector_store %arg6[%swap3A, %swap3A_25], %convert_element_type3A {strides = array<i32>} : memref<3200x64xbf16, #tpu.memory_space<vmem>>, vector<3200x64xbf16>,
    return
  }
  func.func @transform_0(%arg0: i32) -> (i32, i32) {
    %c0_i32 = arith.constant 0 : i32
    %c0_i32_0 = arith.constant 0 : i32
    return %arg0, %c0_i32 : i32, i32
  }
  func.func @transform_1(%arg0: i32) -> (i32, i32) {
    %c0_i32 = arith.constant 0 : i32
    %c0_i32_0 = arith.constant 0 : i32
    %c0_i32_1 = arith.constant 0 : i32
    return %c0_i32, %c0_i32_0 : i32, i32
  }
  func.func @transform_2(%arg0: i32) -> (i32, i32) {
    %c0_i32 = arith.constant 0 : i32
    %c0_i32_0 = arith.constant 0 : i32
    %c0_i32_1 = arith.constant 0 : i32
    return %c0_i32, %c0_i32_0 : i32, i32
  }
  func.func @transform_3(%arg0: i32) -> (i32, i32) {
    %c0_i32 = arith.constant 0 : i32
    %c0_i32_0 = arith.constant 0 : i32
    %c0_i32_1 = arith.constant 0 : i32
    return %c0_i32, %c0_i32_0 : i32, i32
  }
  func.func @transform_4(%arg0: i32) -> (i32, i32) {
    %c0_i32 = arith.constant 0 : i32
    %c0_i32_0 = arith.constant 0 : i32
    %c0_i32_1 = arith.constant 0 : i32
    return %c0_i32, %c0_i32_0 : i32, i32
  }
  func.func @transform_5(%arg0: i32) -> (i32, i32) {
    %c0_i32 = arith.constant 0 : i32
    %c0_i32_0 = arith.constant 0 : i32
    return %arg0, %c0_i32 : i32, i32
  }
}

module attributes {stable_mosaic.version = 14 : i64} {
  func.func @_msg_body(%arg0: i32, %arg1: memref<3200x64xbf16, #tpu.memory_space<vmem>>, %arg2: memref<400x128xf32, #tpu.memory_space<vmem>>, %arg3: memref<64x256xf32, #tpu.memory_space<vmem>>, %arg4: memref<1x256xf32, #tpu.memory_space<vmem>>, %arg5: memref<16x256xf32, #tpu.memory_space<vmem>>, %arg6: memref<256x16xf32, #tpu.memory_space<vmem>>, %arg7: memref<400x128xf32, #tpu.memory_space<vmem>>) attributes {dimension_semantics = [#tpu.dimension_semantics<arbitrary>], iteration_bounds = array<i64: 50>, scalar_prefetch = 0 : i64, scratch_operands = 0 : i64, tpu.core_type = #tpu.core_type<tc>, window_params = [{transform_indices = @transform_0, window_bounds = array<i64: 3200, 64>}, {transform_indices = @transform_1, window_bounds = array<i64: 400, 128>}, {pipeline_mode = #tpu.pipeline_mode<synchronous>, transform_indices = @transform_2, window_bounds = array<i64: 64, 256>}, {pipeline_mode = #tpu.pipeline_mode<synchronous>, transform_indices = @transform_3, window_bounds = array<i64: 1, 256>}, {pipeline_mode = #tpu.pipeline_mode<synchronous>, transform_indices = @transform_4, window_bounds = array<i64: 16, 256>}, {pipeline_mode = #tpu.pipeline_mode<synchronous>, transform_indices = @transform_5, window_bounds = array<i64: 256, 16>}, {transform_indices = @transform_6, window_bounds = array<i64: 400, 128>}]} {
    %get3A = arith.constant 0 : index
    %get3A_0 = arith.constant 0 : index
    %get3A_1 = vector.load %arg1[%get3A, %get3A_0] : memref<3200x64xbf16, #tpu.memory_space<vmem>>, vector<3200x64xbf16>
    %get3A_2 = arith.constant 0 : index
    %get3A_3 = arith.constant 0 : index
    %get3A_4 = vector.load %arg3[%get3A_2, %get3A_3] : memref<64x256xf32, #tpu.memory_space<vmem>>, vector<64x256xf32>
    %convert_element_type3A = arith.truncf %get3A_4 : vector<64x256xf32> to vector<64x256xbf16>
    %dot_general3A = arith.constant dense<0.000000e+00> : vector<3200x256xf32>
    %dot_general3A_5 = tpu.matmul %get3A_1, %convert_element_type3A, %dot_general3A {dimension_numbers = #tpu.dot_dimension_numbers<[1], [0], [0], [1], [0, 0, 1, 1], [], []>, transpose_lhs_hint = false} : vector<3200x64xbf16>, vector<64x256xbf16>, vector<3200x256xf32> -> vector<3200x256xf32>
    %get3A_6 = arith.constant 0 : index
    %get3A_7 = arith.constant 0 : index
    %get3A_8 = vector.load %arg4[%get3A_6, %get3A_7] : memref<1x256xf32, #tpu.memory_space<vmem>>, vector<1x256xf32>
    %add3A = vector.broadcast %get3A_8 : vector<1x256xf32> to vector<3200x256xf32>
    %add3A_9 = arith.addf %dot_general3A_5, %add3A : vector<3200x256xf32>
    %get3A_10 = arith.constant 0 : index
    %get3A_11 = arith.constant 0 : index
    %get3A_12 = vector.load %arg2[%get3A_10, %get3A_11] : memref<400x128xf32, #tpu.memory_space<vmem>>, vector<400x128xf32>
    %slice3A = vector.extract_strided_slice %get3A_12 {offsets = [0, 0], sizes = [400, 16], strides = [1, 1]} : vector<400x128xf32> to vector<400x16xf32>
    %get3A_13 = arith.constant 0 : index
    %get3A_14 = arith.constant 0 : index
    %get3A_15 = vector.load %arg5[%get3A_13, %get3A_14] : memref<16x256xf32, #tpu.memory_space<vmem>>, vector<16x256xf32>
    %convert_element_type3A_16 = arith.truncf %slice3A : vector<400x16xf32> to vector<400x16xbf16>
    %convert_element_type3A_17 = arith.truncf %get3A_15 : vector<16x256xf32> to vector<16x256xbf16>
    %dot_general3A_18 = arith.constant dense<0.000000e+00> : vector<400x256xf32>
    %dot_general3A_19 = tpu.matmul %convert_element_type3A_16, %convert_element_type3A_17, %dot_general3A_18 {dimension_numbers = #tpu.dot_dimension_numbers<[1], [0], [0], [1], [0, 0, 1, 1], [], []>, transpose_lhs_hint = false} : vector<400x16xbf16>, vector<16x256xbf16>, vector<400x256xf32> -> vector<400x256xf32>
    %slice3A_20 = vector.extract_strided_slice %add3A_9 {offsets = [0, 0], sizes = [400, 256], strides = [1, 1]} : vector<3200x256xf32> to vector<400x256xf32>
    %mul3A = arith.mulf %slice3A_20, %dot_general3A_19 : vector<400x256xf32>
    %get3A_21 = arith.constant 0 : index
    %get3A_22 = arith.constant 0 : index
    %get3A_23 = vector.load %arg6[%get3A_21, %get3A_22] : memref<256x16xf32, #tpu.memory_space<vmem>>, vector<256x16xf32>
    %convert_element_type3A_24 = arith.truncf %mul3A : vector<400x256xf32> to vector<400x256xbf16>
    %convert_element_type3A_25 = arith.truncf %get3A_23 : vector<256x16xf32> to vector<256x16xbf16>
    %dot_general3A_26 = arith.constant dense<0.000000e+00> : vector<400x16xf32>
    %dot_general3A_27 = tpu.matmul %convert_element_type3A_24, %convert_element_type3A_25, %dot_general3A_26 {dimension_numbers = #tpu.dot_dimension_numbers<[1], [0], [0], [1], [0, 0, 1, 1], [], []>, transpose_lhs_hint = false} : vector<400x256xbf16>, vector<256x16xbf16>, vector<400x16xf32> -> vector<400x16xf32>
    %slice3A_28 = vector.extract_strided_slice %get3A_12 {offsets = [0, 16], sizes = [400, 16], strides = [1, 1]} : vector<400x128xf32> to vector<400x16xf32>
    %get3A_29 = arith.constant 0 : index
    %get3A_30 = arith.constant 0 : index
    %get3A_31 = vector.load %arg5[%get3A_29, %get3A_30] : memref<16x256xf32, #tpu.memory_space<vmem>>, vector<16x256xf32>
    %convert_element_type3A_32 = arith.truncf %slice3A_28 : vector<400x16xf32> to vector<400x16xbf16>
    %convert_element_type3A_33 = arith.truncf %get3A_31 : vector<16x256xf32> to vector<16x256xbf16>
    %dot_general3A_34 = arith.constant dense<0.000000e+00> : vector<400x256xf32>
    %dot_general3A_35 = tpu.matmul %convert_element_type3A_32, %convert_element_type3A_33, %dot_general3A_34 {dimension_numbers = #tpu.dot_dimension_numbers<[1], [0], [0], [1], [0, 0, 1, 1], [], []>, transpose_lhs_hint = false} : vector<400x16xbf16>, vector<16x256xbf16>, vector<400x256xf32> -> vector<400x256xf32>
    %slice3A_36 = vector.extract_strided_slice %add3A_9 {offsets = [400, 0], sizes = [400, 256], strides = [1, 1]} : vector<3200x256xf32> to vector<400x256xf32>
    %mul3A_37 = arith.mulf %slice3A_36, %dot_general3A_35 : vector<400x256xf32>
    %get3A_38 = arith.constant 0 : index
    %get3A_39 = arith.constant 0 : index
    %get3A_40 = vector.load %arg6[%get3A_38, %get3A_39] : memref<256x16xf32, #tpu.memory_space<vmem>>, vector<256x16xf32>
    %convert_element_type3A_41 = arith.truncf %mul3A_37 : vector<400x256xf32> to vector<400x256xbf16>
    %convert_element_type3A_42 = arith.truncf %get3A_40 : vector<256x16xf32> to vector<256x16xbf16>
    %dot_general3A_43 = arith.constant dense<0.000000e+00> : vector<400x16xf32>
    %dot_general3A_44 = tpu.matmul %convert_element_type3A_41, %convert_element_type3A_42, %dot_general3A_43 {dimension_numbers = #tpu.dot_dimension_numbers<[1], [0], [0], [1], [0, 0, 1, 1], [], []>, transpose_lhs_hint = false} : vector<400x256xbf16>, vector<256x16xbf16>, vector<400x16xf32> -> vector<400x16xf32>
    %slice3A_45 = vector.extract_strided_slice %get3A_12 {offsets = [0, 32], sizes = [400, 16], strides = [1, 1]} : vector<400x128xf32> to vector<400x16xf32>
    %get3A_46 = arith.constant 0 : index
    %get3A_47 = arith.constant 0 : index
    %get3A_48 = vector.load %arg5[%get3A_46, %get3A_47] : memref<16x256xf32, #tpu.memory_space<vmem>>, vector<16x256xf32>
    %convert_element_type3A_49 = arith.truncf %slice3A_45 : vector<400x16xf32> to vector<400x16xbf16>
    %convert_element_type3A_50 = arith.truncf %get3A_48 : vector<16x256xf32> to vector<16x256xbf16>
    %dot_general3A_51 = arith.constant dense<0.000000e+00> : vector<400x256xf32>
    %dot_general3A_52 = tpu.matmul %convert_element_type3A_49, %convert_element_type3A_50, %dot_general3A_51 {dimension_numbers = #tpu.dot_dimension_numbers<[1], [0], [0], [1], [0, 0, 1, 1], [], []>, transpose_lhs_hint = false} : vector<400x16xbf16>, vector<16x256xbf16>, vector<400x256xf32> -> vector<400x256xf32>
    %slice3A_53 = vector.extract_strided_slice %add3A_9 {offsets = [800, 0], sizes = [400, 256], strides = [1, 1]} : vector<3200x256xf32> to vector<400x256xf32>
    %mul3A_54 = arith.mulf %slice3A_53, %dot_general3A_52 : vector<400x256xf32>
    %get3A_55 = arith.constant 0 : index
    %get3A_56 = arith.constant 0 : index
    %get3A_57 = vector.load %arg6[%get3A_55, %get3A_56] : memref<256x16xf32, #tpu.memory_space<vmem>>, vector<256x16xf32>
    %convert_element_type3A_58 = arith.truncf %mul3A_54 : vector<400x256xf32> to vector<400x256xbf16>
    %convert_element_type3A_59 = arith.truncf %get3A_57 : vector<256x16xf32> to vector<256x16xbf16>
    %dot_general3A_60 = arith.constant dense<0.000000e+00> : vector<400x16xf32>
    %dot_general3A_61 = tpu.matmul %convert_element_type3A_58, %convert_element_type3A_59, %dot_general3A_60 {dimension_numbers = #tpu.dot_dimension_numbers<[1], [0], [0], [1], [0, 0, 1, 1], [], []>, transpose_lhs_hint = false} : vector<400x256xbf16>, vector<256x16xbf16>, vector<400x16xf32> -> vector<400x16xf32>
    %slice3A_62 = vector.extract_strided_slice %get3A_12 {offsets = [0, 48], sizes = [400, 16], strides = [1, 1]} : vector<400x128xf32> to vector<400x16xf32>
    %get3A_63 = arith.constant 0 : index
    %get3A_64 = arith.constant 0 : index
    %get3A_65 = vector.load %arg5[%get3A_63, %get3A_64] : memref<16x256xf32, #tpu.memory_space<vmem>>, vector<16x256xf32>
    %convert_element_type3A_66 = arith.truncf %slice3A_62 : vector<400x16xf32> to vector<400x16xbf16>
    %convert_element_type3A_67 = arith.truncf %get3A_65 : vector<16x256xf32> to vector<16x256xbf16>
    %dot_general3A_68 = arith.constant dense<0.000000e+00> : vector<400x256xf32>
    %dot_general3A_69 = tpu.matmul %convert_element_type3A_66, %convert_element_type3A_67, %dot_general3A_68 {dimension_numbers = #tpu.dot_dimension_numbers<[1], [0], [0], [1], [0, 0, 1, 1], [], []>, transpose_lhs_hint = false} : vector<400x16xbf16>, vector<16x256xbf16>, vector<400x256xf32> -> vector<400x256xf32>
    %slice3A_70 = vector.extract_strided_slice %add3A_9 {offsets = [1200, 0], sizes = [400, 256], strides = [1, 1]} : vector<3200x256xf32> to vector<400x256xf32>
    %mul3A_71 = arith.mulf %slice3A_70, %dot_general3A_69 : vector<400x256xf32>
    %get3A_72 = arith.constant 0 : index
    %get3A_73 = arith.constant 0 : index
    %get3A_74 = vector.load %arg6[%get3A_72, %get3A_73] : memref<256x16xf32, #tpu.memory_space<vmem>>, vector<256x16xf32>
    %convert_element_type3A_75 = arith.truncf %mul3A_71 : vector<400x256xf32> to vector<400x256xbf16>
    %convert_element_type3A_76 = arith.truncf %get3A_74 : vector<256x16xf32> to vector<256x16xbf16>
    %dot_general3A_77 = arith.constant dense<0.000000e+00> : vector<400x16xf32>
    %dot_general3A_78 = tpu.matmul %convert_element_type3A_75, %convert_element_type3A_76, %dot_general3A_77 {dimension_numbers = #tpu.dot_dimension_numbers<[1], [0], [0], [1], [0, 0, 1, 1], [], []>, transpose_lhs_hint = false} : vector<400x256xbf16>, vector<256x16xbf16>, vector<400x16xf32> -> vector<400x16xf32>
    %slice3A_79 = vector.extract_strided_slice %get3A_12 {offsets = [0, 64], sizes = [400, 16], strides = [1, 1]} : vector<400x128xf32> to vector<400x16xf32>
    %get3A_80 = arith.constant 0 : index
    %get3A_81 = arith.constant 0 : index
    %get3A_82 = vector.load %arg5[%get3A_80, %get3A_81] : memref<16x256xf32, #tpu.memory_space<vmem>>, vector<16x256xf32>
    %convert_element_type3A_83 = arith.truncf %slice3A_79 : vector<400x16xf32> to vector<400x16xbf16>
    %convert_element_type3A_84 = arith.truncf %get3A_82 : vector<16x256xf32> to vector<16x256xbf16>
    %dot_general3A_85 = arith.constant dense<0.000000e+00> : vector<400x256xf32>
    %dot_general3A_86 = tpu.matmul %convert_element_type3A_83, %convert_element_type3A_84, %dot_general3A_85 {dimension_numbers = #tpu.dot_dimension_numbers<[1], [0], [0], [1], [0, 0, 1, 1], [], []>, transpose_lhs_hint = false} : vector<400x16xbf16>, vector<16x256xbf16>, vector<400x256xf32> -> vector<400x256xf32>
    %slice3A_87 = vector.extract_strided_slice %add3A_9 {offsets = [1600, 0], sizes = [400, 256], strides = [1, 1]} : vector<3200x256xf32> to vector<400x256xf32>
    %mul3A_88 = arith.mulf %slice3A_87, %dot_general3A_86 : vector<400x256xf32>
    %get3A_89 = arith.constant 0 : index
    %get3A_90 = arith.constant 0 : index
    %get3A_91 = vector.load %arg6[%get3A_89, %get3A_90] : memref<256x16xf32, #tpu.memory_space<vmem>>, vector<256x16xf32>
    %convert_element_type3A_92 = arith.truncf %mul3A_88 : vector<400x256xf32> to vector<400x256xbf16>
    %convert_element_type3A_93 = arith.truncf %get3A_91 : vector<256x16xf32> to vector<256x16xbf16>
    %dot_general3A_94 = arith.constant dense<0.000000e+00> : vector<400x16xf32>
    %dot_general3A_95 = tpu.matmul %convert_element_type3A_92, %convert_element_type3A_93, %dot_general3A_94 {dimension_numbers = #tpu.dot_dimension_numbers<[1], [0], [0], [1], [0, 0, 1, 1], [], []>, transpose_lhs_hint = false} : vector<400x256xbf16>, vector<256x16xbf16>, vector<400x16xf32> -> vector<400x16xf32>
    %slice3A_96 = vector.extract_strided_slice %get3A_12 {offsets = [0, 80], sizes = [400, 16], strides = [1, 1]} : vector<400x128xf32> to vector<400x16xf32>
    %get3A_97 = arith.constant 0 : index
    %get3A_98 = arith.constant 0 : index
    %get3A_99 = vector.load %arg5[%get3A_97, %get3A_98] : memref<16x256xf32, #tpu.memory_space<vmem>>, vector<16x256xf32>
    %convert_element_type3A_100 = arith.truncf %slice3A_96 : vector<400x16xf32> to vector<400x16xbf16>
    %convert_element_type3A_101 = arith.truncf %get3A_99 : vector<16x256xf32> to vector<16x256xbf16>
    %dot_general3A_102 = arith.constant dense<0.000000e+00> : vector<400x256xf32>
    %dot_general3A_103 = tpu.matmul %convert_element_type3A_100, %convert_element_type3A_101, %dot_general3A_102 {dimension_numbers = #tpu.dot_dimension_numbers<[1], [0], [0], [1], [0, 0, 1, 1], [], []>, transpose_lhs_hint = false} : vector<400x16xbf16>, vector<16x256xbf16>, vector<400x256xf32> -> vector<400x256xf32>
    %slice3A_104 = vector.extract_strided_slice %add3A_9 {offsets = [2000, 0], sizes = [400, 256], strides = [1, 1]} : vector<3200x256xf32> to vector<400x256xf32>
    %mul3A_105 = arith.mulf %slice3A_104, %dot_general3A_103 : vector<400x256xf32>
    %get3A_106 = arith.constant 0 : index
    %get3A_107 = arith.constant 0 : index
    %get3A_108 = vector.load %arg6[%get3A_106, %get3A_107] : memref<256x16xf32, #tpu.memory_space<vmem>>, vector<256x16xf32>
    %convert_element_type3A_109 = arith.truncf %mul3A_105 : vector<400x256xf32> to vector<400x256xbf16>
    %convert_element_type3A_110 = arith.truncf %get3A_108 : vector<256x16xf32> to vector<256x16xbf16>
    %dot_general3A_111 = arith.constant dense<0.000000e+00> : vector<400x16xf32>
    %dot_general3A_112 = tpu.matmul %convert_element_type3A_109, %convert_element_type3A_110, %dot_general3A_111 {dimension_numbers = #tpu.dot_dimension_numbers<[1], [0], [0], [1], [0, 0, 1, 1], [], []>, transpose_lhs_hint = false} : vector<400x256xbf16>, vector<256x16xbf16>, vector<400x16xf32> -> vector<400x16xf32>
    %slice3A_113 = vector.extract_strided_slice %get3A_12 {offsets = [0, 96], sizes = [400, 16], strides = [1, 1]} : vector<400x128xf32> to vector<400x16xf32>
    %get3A_114 = arith.constant 0 : index
    %get3A_115 = arith.constant 0 : index
    %get3A_116 = vector.load %arg5[%get3A_114, %get3A_115] : memref<16x256xf32, #tpu.memory_space<vmem>>, vector<16x256xf32>
    %convert_element_type3A_117 = arith.truncf %slice3A_113 : vector<400x16xf32> to vector<400x16xbf16>
    %convert_element_type3A_118 = arith.truncf %get3A_116 : vector<16x256xf32> to vector<16x256xbf16>
    %dot_general3A_119 = arith.constant dense<0.000000e+00> : vector<400x256xf32>
    %dot_general3A_120 = tpu.matmul %convert_element_type3A_117, %convert_element_type3A_118, %dot_general3A_119 {dimension_numbers = #tpu.dot_dimension_numbers<[1], [0], [0], [1], [0, 0, 1, 1], [], []>, transpose_lhs_hint = false} : vector<400x16xbf16>, vector<16x256xbf16>, vector<400x256xf32> -> vector<400x256xf32>
    %slice3A_121 = vector.extract_strided_slice %add3A_9 {offsets = [2400, 0], sizes = [400, 256], strides = [1, 1]} : vector<3200x256xf32> to vector<400x256xf32>
    %mul3A_122 = arith.mulf %slice3A_121, %dot_general3A_120 : vector<400x256xf32>
    %get3A_123 = arith.constant 0 : index
    %get3A_124 = arith.constant 0 : index
    %get3A_125 = vector.load %arg6[%get3A_123, %get3A_124] : memref<256x16xf32, #tpu.memory_space<vmem>>, vector<256x16xf32>
    %convert_element_type3A_126 = arith.truncf %mul3A_122 : vector<400x256xf32> to vector<400x256xbf16>
    %convert_element_type3A_127 = arith.truncf %get3A_125 : vector<256x16xf32> to vector<256x16xbf16>
    %dot_general3A_128 = arith.constant dense<0.000000e+00> : vector<400x16xf32>
    %dot_general3A_129 = tpu.matmul %convert_element_type3A_126, %convert_element_type3A_127, %dot_general3A_128 {dimension_numbers = #tpu.dot_dimension_numbers<[1], [0], [0], [1], [0, 0, 1, 1], [], []>, transpose_lhs_hint = false} : vector<400x256xbf16>, vector<256x16xbf16>, vector<400x16xf32> -> vector<400x16xf32>
    %slice3A_130 = vector.extract_strided_slice %get3A_12 {offsets = [0, 112], sizes = [400, 16], strides = [1, 1]} : vector<400x128xf32> to vector<400x16xf32>
    %get3A_131 = arith.constant 0 : index
    %get3A_132 = arith.constant 0 : index
    %get3A_133 = vector.load %arg5[%get3A_131, %get3A_132] : memref<16x256xf32, #tpu.memory_space<vmem>>, vector<16x256xf32>
    %convert_element_type3A_134 = arith.truncf %slice3A_130 : vector<400x16xf32> to vector<400x16xbf16>
    %convert_element_type3A_135 = arith.truncf %get3A_133 : vector<16x256xf32> to vector<16x256xbf16>
    %dot_general3A_136 = arith.constant dense<0.000000e+00> : vector<400x256xf32>
    %dot_general3A_137 = tpu.matmul %convert_element_type3A_134, %convert_element_type3A_135, %dot_general3A_136 {dimension_numbers = #tpu.dot_dimension_numbers<[1], [0], [0], [1], [0, 0, 1, 1], [], []>, transpose_lhs_hint = false} : vector<400x16xbf16>, vector<16x256xbf16>, vector<400x256xf32> -> vector<400x256xf32>
    %slice3A_138 = vector.extract_strided_slice %add3A_9 {offsets = [2800, 0], sizes = [400, 256], strides = [1, 1]} : vector<3200x256xf32> to vector<400x256xf32>
    %mul3A_139 = arith.mulf %slice3A_138, %dot_general3A_137 : vector<400x256xf32>
    %get3A_140 = arith.constant 0 : index
    %get3A_141 = arith.constant 0 : index
    %get3A_142 = vector.load %arg6[%get3A_140, %get3A_141] : memref<256x16xf32, #tpu.memory_space<vmem>>, vector<256x16xf32>
    %convert_element_type3A_143 = arith.truncf %mul3A_139 : vector<400x256xf32> to vector<400x256xbf16>
    %convert_element_type3A_144 = arith.truncf %get3A_142 : vector<256x16xf32> to vector<256x16xbf16>
    %dot_general3A_145 = arith.constant dense<0.000000e+00> : vector<400x16xf32>
    %dot_general3A_146 = tpu.matmul %convert_element_type3A_143, %convert_element_type3A_144, %dot_general3A_145 {dimension_numbers = #tpu.dot_dimension_numbers<[1], [0], [0], [1], [0, 0, 1, 1], [], []>, transpose_lhs_hint = false} : vector<400x256xbf16>, vector<256x16xbf16>, vector<400x16xf32> -> vector<400x16xf32>
    %concatenate3A = tpu.concatenate %dot_general3A_27, %dot_general3A_44, %dot_general3A_61, %dot_general3A_78, %dot_general3A_95, %dot_general3A_112, %dot_general3A_129, %dot_general3A_146 in 1 : vector<400x16xf32>, vector<400x16xf32>, vector<400x16xf32>, vector<400x16xf32>, vector<400x16xf32>, vector<400x16xf32>, vector<400x16xf32>, vector<400x16xf32> -> vector<400x128xf32>
    %swap3A = arith.constant 0 : index
    %swap3A_147 = arith.constant 0 : index
    %swap3A_148 = vector.load %arg7[%swap3A, %swap3A_147] : memref<400x128xf32, #tpu.memory_space<vmem>>, vector<400x128xf32>
    tpu.vector_store %arg7[%swap3A, %swap3A_147], %concatenate3A {strides = array<i32>} : memref<400x128xf32, #tpu.memory_space<vmem>>, vector<400x128xf32>,
    return
  }
  func.func @transform_0(%arg0: i32) -> (i32, i32) {
    %c0_i32 = arith.constant 0 : i32
    %c0_i32_0 = arith.constant 0 : i32
    return %arg0, %c0_i32 : i32, i32
  }
  func.func @transform_1(%arg0: i32) -> (i32, i32) {
    %c0_i32 = arith.constant 0 : i32
    %c0_i32_0 = arith.constant 0 : i32
    return %arg0, %c0_i32 : i32, i32
  }
  func.func @transform_2(%arg0: i32) -> (i32, i32) {
    %c0_i32 = arith.constant 0 : i32
    %c0_i32_0 = arith.constant 0 : i32
    %c0_i32_1 = arith.constant 0 : i32
    return %c0_i32, %c0_i32_0 : i32, i32
  }
  func.func @transform_3(%arg0: i32) -> (i32, i32) {
    %c0_i32 = arith.constant 0 : i32
    %c0_i32_0 = arith.constant 0 : i32
    %c0_i32_1 = arith.constant 0 : i32
    return %c0_i32, %c0_i32_0 : i32, i32
  }
  func.func @transform_4(%arg0: i32) -> (i32, i32) {
    %c0_i32 = arith.constant 0 : i32
    %c0_i32_0 = arith.constant 0 : i32
    %c0_i32_1 = arith.constant 0 : i32
    return %c0_i32, %c0_i32_0 : i32, i32
  }
  func.func @transform_5(%arg0: i32) -> (i32, i32) {
    %c0_i32 = arith.constant 0 : i32
    %c0_i32_0 = arith.constant 0 : i32
    %c0_i32_1 = arith.constant 0 : i32
    return %c0_i32, %c0_i32_0 : i32, i32
  }
  func.func @transform_6(%arg0: i32) -> (i32, i32) {
    %c0_i32 = arith.constant 0 : i32
    %c0_i32_0 = arith.constant 0 : i32
    return %arg0, %c0_i32 : i32, i32
  }
}

module attributes {stable_mosaic.version = 14 : i64} {
  func.func @_inv_body(%arg0: memref<1280x128xf32, #tpu.memory_space<vmem>>, %arg1: memref<1280x128xf32, #tpu.memory_space<vmem>>, %arg2: memref<1280x128xf32, #tpu.memory_space<vmem>>) attributes {dimension_semantics = [], scalar_prefetch = 0 : i64, scratch_operands = 0 : i64, tpu.core_type = #tpu.core_type<tc>} {
    %get3A = arith.constant 0 : index
    %get3A_0 = arith.constant 0 : index
    %get3A_1 = vector.load %arg0[%get3A, %get3A_0] : memref<1280x128xf32, #tpu.memory_space<vmem>>, vector<1280x128xf32>
    %get3A_2 = arith.constant 0 : index
    %get3A_3 = arith.constant 0 : index
    %get3A_4 = vector.load %arg1[%get3A_2, %get3A_3] : memref<1280x128xf32, #tpu.memory_space<vmem>>, vector<1280x128xf32>
    %add3A = arith.addf %get3A_1, %get3A_4 : vector<1280x128xf32>
    %max3A = arith.constant 1.000000e+00 : f32
    %max3A_5 = vector.broadcast %max3A : f32 to vector<1280x128xf32>
    %max3A_6 = arith.maximumf %add3A, %max3A_5 : vector<1280x128xf32>
    %div3A = arith.constant 1.000000e+00 : f32
    %div3A_7 = vector.broadcast %div3A : f32 to vector<1280x128xf32>
    %div3A_8 = arith.divf %div3A_7, %max3A_6 : vector<1280x128xf32>
    %swap3A = arith.constant 0 : index
    %swap3A_9 = arith.constant 0 : index
    %swap3A_10 = vector.load %arg2[%swap3A, %swap3A_9] : memref<1280x128xf32, #tpu.memory_space<vmem>>, vector<1280x128xf32>
    tpu.vector_store %arg2[%swap3A, %swap3A_9], %div3A_8 {strides = array<i32>} : memref<1280x128xf32, #tpu.memory_space<vmem>>, vector<1280x128xf32>,
    return
  }
}

module attributes {stable_mosaic.version = 14 : i64} {
  func.func @_update_body(%arg0: memref<1280x128xf32, #tpu.memory_space<vmem>>, %arg1: memref<1280x128xf32, #tpu.memory_space<vmem>>, %arg2: memref<1280x128xf32, #tpu.memory_space<vmem>>, %arg3: memref<1280x128xf32, #tpu.memory_space<vmem>>, %arg4: memref<128x128xf32, #tpu.memory_space<vmem>>, %arg5: memref<1x128xf32, #tpu.memory_space<vmem>>, %arg6: memref<1280x128xf32, #tpu.memory_space<vmem>>) attributes {dimension_semantics = [], scalar_prefetch = 0 : i64, scratch_operands = 0 : i64, tpu.core_type = #tpu.core_type<tc>} {
    %get3A = arith.constant 0 : index
    %get3A_0 = arith.constant 0 : index
    %get3A_1 = vector.load %arg0[%get3A, %get3A_0] : memref<1280x128xf32, #tpu.memory_space<vmem>>, vector<1280x128xf32>
    %get3A_2 = arith.constant 0 : index
    %get3A_3 = arith.constant 0 : index
    %get3A_4 = vector.load %arg1[%get3A_2, %get3A_3] : memref<1280x128xf32, #tpu.memory_space<vmem>>, vector<1280x128xf32>
    %add3A = arith.addf %get3A_1, %get3A_4 : vector<1280x128xf32>
    %get3A_5 = arith.constant 0 : index
    %get3A_6 = arith.constant 0 : index
    %get3A_7 = vector.load %arg2[%get3A_5, %get3A_6] : memref<1280x128xf32, #tpu.memory_space<vmem>>, vector<1280x128xf32>
    %mul3A = arith.mulf %add3A, %get3A_7 : vector<1280x128xf32>
    %get3A_8 = arith.constant 0 : index
    %get3A_9 = arith.constant 0 : index
    %get3A_10 = vector.load %arg3[%get3A_8, %get3A_9] : memref<1280x128xf32, #tpu.memory_space<vmem>>, vector<1280x128xf32>
    %get3A_11 = arith.constant 0 : index
    %get3A_12 = arith.constant 0 : index
    %get3A_13 = vector.load %arg4[%get3A_11, %get3A_12] : memref<128x128xf32, #tpu.memory_space<vmem>>, vector<128x128xf32>
    %dot_general3A = arith.constant dense<0.000000e+00> : vector<1280x128xf32>
    %dot_general3A_14 = tpu.matmul %get3A_10, %get3A_13, %dot_general3A {dimension_numbers = #tpu.dot_dimension_numbers<[1], [0], [0], [1], [0, 0, 1, 1], [], []>, transpose_lhs_hint = false} : vector<1280x128xf32>, vector<128x128xf32>, vector<1280x128xf32> -> vector<1280x128xf32>
    %add3A_15 = arith.addf %mul3A, %dot_general3A_14 : vector<1280x128xf32>
    %get3A_16 = arith.constant 0 : index
    %get3A_17 = arith.constant 0 : index
    %get3A_18 = vector.load %arg5[%get3A_16, %get3A_17] : memref<1x128xf32, #tpu.memory_space<vmem>>, vector<1x128xf32>
    %add3A_19 = vector.broadcast %get3A_18 : vector<1x128xf32> to vector<1280x128xf32>
    %add3A_20 = arith.addf %add3A_15, %add3A_19 : vector<1280x128xf32>
    %max3A = arith.constant 0.000000e+00 : f32
    %max3A_21 = vector.broadcast %max3A : f32 to vector<1280x128xf32>
    %max3A_22 = arith.maximumf %add3A_20, %max3A_21 : vector<1280x128xf32>
    %swap3A = arith.constant 0 : index
    %swap3A_23 = arith.constant 0 : index
    %swap3A_24 = vector.load %arg6[%swap3A, %swap3A_23] : memref<1280x128xf32, #tpu.memory_space<vmem>>, vector<1280x128xf32>
    tpu.vector_store %arg6[%swap3A, %swap3A_23], %max3A_22 {strides = array<i32>} : memref<1280x128xf32, #tpu.memory_space<vmem>>, vector<1280x128xf32>,
    return
  }
}

module attributes {stable_mosaic.version = 14 : i64} {
  func.func @_final_body(%arg0: memref<1280x128xf32, #tpu.memory_space<vmem>>, %arg1: memref<1280x128xf32, #tpu.memory_space<vmem>>, %arg2: memref<1280x128xf32, #tpu.memory_space<vmem>>, %arg3: memref<1280x128xf32, #tpu.memory_space<vmem>>, %arg4: memref<128x128xf32, #tpu.memory_space<vmem>>, %arg5: memref<1x128xf32, #tpu.memory_space<vmem>>, %arg6: memref<128x8xf32, #tpu.memory_space<vmem>>, %arg7: memref<1x1xf32, #tpu.memory_space<vmem>>, %arg8: memref<1280x8xf32, #tpu.memory_space<vmem>>) attributes {dimension_semantics = [], scalar_prefetch = 0 : i64, scratch_operands = 0 : i64, tpu.core_type = #tpu.core_type<tc>} {
    %get3A = arith.constant 0 : index
    %get3A_0 = arith.constant 0 : index
    %get3A_1 = vector.load %arg0[%get3A, %get3A_0] : memref<1280x128xf32, #tpu.memory_space<vmem>>, vector<1280x128xf32>
    %get3A_2 = arith.constant 0 : index
    %get3A_3 = arith.constant 0 : index
    %get3A_4 = vector.load %arg1[%get3A_2, %get3A_3] : memref<1280x128xf32, #tpu.memory_space<vmem>>, vector<1280x128xf32>
    %add3A = arith.addf %get3A_1, %get3A_4 : vector<1280x128xf32>
    %get3A_5 = arith.constant 0 : index
    %get3A_6 = arith.constant 0 : index
    %get3A_7 = vector.load %arg2[%get3A_5, %get3A_6] : memref<1280x128xf32, #tpu.memory_space<vmem>>, vector<1280x128xf32>
    %mul3A = arith.mulf %add3A, %get3A_7 : vector<1280x128xf32>
    %get3A_8 = arith.constant 0 : index
    %get3A_9 = arith.constant 0 : index
    %get3A_10 = vector.load %arg3[%get3A_8, %get3A_9] : memref<1280x128xf32, #tpu.memory_space<vmem>>, vector<1280x128xf32>
    %get3A_11 = arith.constant 0 : index
    %get3A_12 = arith.constant 0 : index
    %get3A_13 = vector.load %arg4[%get3A_11, %get3A_12] : memref<128x128xf32, #tpu.memory_space<vmem>>, vector<128x128xf32>
    %dot_general3A = arith.constant dense<0.000000e+00> : vector<1280x128xf32>
    %dot_general3A_14 = tpu.matmul %get3A_10, %get3A_13, %dot_general3A {dimension_numbers = #tpu.dot_dimension_numbers<[1], [0], [0], [1], [0, 0, 1, 1], [], []>, transpose_lhs_hint = false} : vector<1280x128xf32>, vector<128x128xf32>, vector<1280x128xf32> -> vector<1280x128xf32>
    %add3A_15 = arith.addf %mul3A, %dot_general3A_14 : vector<1280x128xf32>
    %get3A_16 = arith.constant 0 : index
    %get3A_17 = arith.constant 0 : index
    %get3A_18 = vector.load %arg5[%get3A_16, %get3A_17] : memref<1x128xf32, #tpu.memory_space<vmem>>, vector<1x128xf32>
    %add3A_19 = vector.broadcast %get3A_18 : vector<1x128xf32> to vector<1280x128xf32>
    %add3A_20 = arith.addf %add3A_15, %add3A_19 : vector<1280x128xf32>
    %get3A_21 = arith.constant 0 : index
    %get3A_22 = arith.constant 0 : index
    %get3A_23 = vector.load %arg6[%get3A_21, %get3A_22] : memref<128x8xf32, #tpu.memory_space<vmem>>, vector<128x8xf32>
    %dot_general3A_24 = arith.constant dense<0.000000e+00> : vector<1280x8xf32>
    %dot_general3A_25 = tpu.matmul %add3A_20, %get3A_23, %dot_general3A_24 {dimension_numbers = #tpu.dot_dimension_numbers<[1], [0], [0], [1], [0, 0, 1, 1], [], []>, transpose_lhs_hint = false} : vector<1280x128xf32>, vector<128x8xf32>, vector<1280x8xf32> -> vector<1280x8xf32>
    %get3A_26 = arith.constant 0 : index
    %get3A_27 = arith.constant 0 : index
    %get3A_28 = vector.load %arg7[%get3A_26, %get3A_27] : memref<1x1xf32, #tpu.memory_space<vmem>>, vector<1x1xf32>
    %add3A_29 = vector.broadcast %get3A_28 : vector<1x1xf32> to vector<1280x8xf32>
    %add3A_30 = arith.addf %dot_general3A_25, %add3A_29 : vector<1280x8xf32>
    %swap3A = arith.constant 0 : index
    %swap3A_31 = arith.constant 0 : index
    %swap3A_32 = vector.load %arg8[%swap3A, %swap3A_31] : memref<1280x8xf32, #tpu.memory_space<vmem>>, vector<1280x8xf32>
    tpu.vector_store %arg8[%swap3A, %swap3A_31], %add3A_30 {strides = array<i32>} : memref<1280x8xf32, #tpu.memory_space<vmem>>, vector<1280x8xf32>,
    return
  }
}

</mosaic_0001>

<sc_bundles>
// kernel: gather_offload_async_start
scs
__scs_entry_jumppad:
0x0: {  	(pc) =	sbr.rel $0x88, $3  }
0x1: {  	(tag) =	ssettag $0x0;
	lr =	simm.s32 $0x1  }
0x2: {  	[smem:$0x3F8E] =	sst lr;
	_ =	strace $0xD0000000  }
0x3: {  	_ = 	snop  }
0x4: {  	_ = 	snop  }
0x5: {  	_ = 	snop  }
0x6: {  	_ = 	snop  }
0x7: {  	_ = 	snop  }
__scs_overlays_trampoline_lowered:
0x8: {  	[smem:$0x3F9D] =	sst s0  }
0x9: {  	[smem:$0x3F9E] =	sst s1  }
0xa: {  	[smem:$0x3F9F] =	sst s2  }
0xb: {  	[smem:$0x3FA0] =	sst s3  }
0xc: {  	[smem:$0x3FA1] =	sst s4  }
0xd: {  	[smem:$0x3FA2] =	sst s5  }
0xe: {  	[smem:$0x3FA3] =	sst s6  }
0xf: {  	[smem:$0x3FA4] =	sst s7  }
0x10: {  	[smem:$0x3FA5] =	sst s8  }
0x11: {  	[smem:$0x3FA6] =	sst s9;
	s0 =	simm.s32 @!p0 $0x0  }
0x12: {  	s1 =	sld [smem:$0x3F8C];
	s0 =	simm.s32 @p0 $0x1  }
0x13: {  	[smem:$0x3FA7] =	sst s0;
	s0 =	simm.s32 @!p1 $0x0  }
0x14: {  	s2 =	sld [smem:$0x3F8B];
	s0 =	simm.s32 @p1 $0x1  }
0x15: {  	[smem:$0x3FA8] =	sst s0;
	s0 =	simm.s32 @!p2 $0x0  }
0x16: {  	s3 =	sld [smem:$0x3FDB];
	s0 =	simm.s32 @p2 $0x1  }
0x17: {  	s4 =	simm.s32 $0x1BF5;
	[smem:$0x3FAA] =	sst s0  }
0x18: {  	s0 =	sld [smem:$0x3F8D];
	_ =	swait.ge [sflag:s4], $0x0  }
0x19: {  	s7 =	sld [smem:$0x3F8E]  }
0x1a: {  	s8 =	sadd.s32 $0xFFFFE003, lr  }
0x1b: {  	s9 =	sadd.s32 $0xFFFFFEF7, lr;
	s5 =	simm.s32 $0xFFFFFFFF;
	p2 =	slt.u32 s8, $0xFFFFF086  }
0x1c: {  	p1 =	slt.u32 s9, $0xF7A;
	s5 =	simm.s32 @!p2 $0x0  }
0x1d: {  	s5 =	simm.s32 @p1 $0x1;
	p0 =	seq.s32 s7, s2  }
0x1e: {  	s7 =	smul.u32 @!p0 $0xF7A, s2;
	p2 =	seq.s32 @!p0 s5, $0x0  }
0x1f: {  	s9 =	smul.u32 $0xF7A, s1;
	s8 =	simm.s32 @!p0 $0x1BF5;
	p2 =	por !p2, p0  }
0x20: {  	[sflag:s8] =	ssyncset.s32 @!p0 $0xFFFFF086;
	s6 =	sadd.s32 @!p0 s3, s7;
	s7 =	simm.s32 @!p0 $0x108  }
0x21: {  	s3 =	sadd.s32 s3, s9;
	s6 =	sadd.s32 @!p0 $0x88, s6;
	s7 =	simm.s32 @p2 $0x1082  }
0x22: {  	[simem:s7], [sflag:s8] =	dma.local @!p0 [hbm:s6], $0xF7A  }
0x23: {  	s9 =	sor.u32 $0xD0000000, s2;
	s6 =	simm.s32 $0x108;
	_ =	swait.ge @!p0 [sflag:s8], $0x0  }
0x24: {  	s3 =	sadd.s32 $0x88, s3;
	s6 =	simm.s32 @!p1 $0x1082;
	[sflag:s4] =	ssyncset.s32 $0xFFFFF086  }
0x25: {  	[simem:s6], [sflag:s4] =	dma.local [hbm:s3], $0xF7A  }
0x26: {  	[smem:$0x3F8E] =	sst s1;
	(tag) =	ssettag s2;
	_ =	strace s9  }
0x27: {  	s1 =	sld [smem:$0x3F9E]  }
0x28: {  	s2 =	sld [smem:$0x3F9F]  }
0x29: {  	s4 =	sld [smem:$0x3FA1]  }
0x2a: {  	p0 =	seq.s32 s5, $0x0;
	s5 =	sld [smem:$0x3FA2]  }
0x2b: {  	s6 =	sld [smem:$0x3FA3]  }
0x2c: {  	s7 =	sld [smem:$0x3FA4]  }
0x2d: {  	s3 =	simm.s32 $0x108;
	s8 =	sld [smem:$0x3FA5]  }
0x2e: {  	s3 =	simm.s32 @!p0 $0x1082;
	s9 =	sld [smem:$0x3FA6]  }
0x2f: {  	lr =	sadd.s32 s0, s3;
	s0 =	sld [smem:$0x3F9D]  }
0x30: {  	s3 =	sld [smem:$0x3FA0]  }
0x31: {  	[smem:$0x3FA9] =	sst s10  }
0x32: {  	s10 =	sld [smem:$0x3FA7];
	_ =	sdelay $0x3  }
0x33: {  	p0 =	seq.s32 s10, $0x1;
	s10 =	sld [smem:$0x3FA9];
	_ =	sdelay $0x3  }
0x34: {  	[smem:$0x3FA9] =	sst s10  }
0x35: {  	s10 =	sld [smem:$0x3FA8];
	_ =	sdelay $0x3  }
0x36: {  	p1 =	seq.s32 s10, $0x1;
	s10 =	sld [smem:$0x3FA9];
	_ =	sdelay $0x3  }
0x37: {  	[smem:$0x3FA9] =	sst s10  }
0x38: {  	s10 =	sld [smem:$0x3FAA]  }
0x39: {  	_ = 	snop;
	(pc) =	sbr.ind lr, $3  }
0x3a: {  	_ = 	snop  }
0x3b: {  	_ = 	snop  }
0x3c: {  	p2 =	seq.s32 s10, $0x1;
	s10 =	sld [smem:$0x3FA9]  }
0x3d: {  	_ =	shalt  }
0x3e: {  	_ =	shalt  }
0x3f: {  	_ =	shalt  }
0x40: {  	_ =	shalt  }
0x41: {  	_ =	shalt  }
0x42: {  	_ =	shalt  }
0x43: {  	_ =	shalt  }
0x44: {  	_ =	shalt  }
0x45: {  	_ =	shalt  }
0x46: {  	_ =	shalt  }
0x47: {  	_ =	shalt  }
0x48: {  	_ =	shalt  }
0x49: {  	_ =	shalt  }
0x4a: {  	_ =	shalt  }
0x4b: {  	_ =	shalt  }
0x4c: {  	_ =	shalt  }
0x4d: {  	_ =	shalt  }
0x4e: {  	_ =	shalt  }
0x4f: {  	_ =	shalt  }
0x50: {  	_ =	shalt  }
0x51: {  	_ =	shalt  }
0x52: {  	_ =	shalt  }
0x53: {  	_ =	shalt  }
0x54: {  	_ =	shalt  }
0x55: {  	_ =	shalt  }
0x56: {  	_ =	shalt  }
0x57: {  	_ =	shalt  }
0x58: {  	_ =	shalt  }
0x59: {  	_ =	shalt  }
0x5a: {  	_ =	shalt  }
0x5b: {  	_ =	shalt  }
0x5c: {  	_ =	shalt  }
0x5d: {  	_ =	shalt  }
0x5e: {  	_ =	shalt  }
0x5f: {  	_ =	shalt  }
0x60: {  	_ =	shalt  }
0x61: {  	_ =	shalt  }
0x62: {  	_ =	shalt  }
0x63: {  	_ =	shalt  }
0x64: {  	_ =	shalt  }
0x65: {  	_ =	shalt  }
0x66: {  	_ =	shalt  }
0x67: {  	_ =	shalt  }
0x68: {  	_ =	shalt  }
0x69: {  	_ =	shalt  }
0x6a: {  	_ =	shalt  }
0x6b: {  	_ =	shalt  }
0x6c: {  	_ =	shalt  }
0x6d: {  	_ =	shalt  }
0x6e: {  	_ =	shalt  }
0x6f: {  	_ =	shalt  }
0x70: {  	_ =	shalt  }
0x71: {  	_ =	shalt  }
0x72: {  	_ =	shalt  }
0x73: {  	_ =	shalt  }
0x74: {  	_ =	shalt  }
0x75: {  	_ =	shalt  }
0x76: {  	_ =	shalt  }
0x77: {  	_ =	shalt  }
0x78: {  	_ =	shalt  }
0x79: {  	_ =	shalt  }
0x7a: {  	_ =	shalt  }
0x7b: {  	_ =	shalt  }
0x7c: {  	_ =	shalt  }
0x7d: {  	_ =	shalt  }
0x7e: {  	_ =	shalt  }
0x7f: {  	_ =	shalt  }
0x80: {  	_ =	shalt  }
0x81: {  	_ =	shalt  }
0x82: {  	_ =	shalt  }
0x83: {  	_ =	shalt  }
0x84: {  	_ =	shalt  }
0x85: {  	_ =	shalt  }
0x86: {  	_ =	shalt  }
0x87: {  	_ =	shalt  }
.Lfunc_end0:
.L_simem_size_0:
called_computation_lowered:
.L_overlay_start_0:
0x88: {  	s2 =	sld [smem:$0x3FD9]  }
0x89: {  	s3 =	sld [smem:$0x3FFE];
	_ =	sdelay $0x1  }
0x8a: {  	s1 =	srdreg.scid  }
0x8b: {  	s0 =	sand.u32 $0x1, s1  }
0x8c: {  	s16 =	sshll.u32 s0, $0xA;
	s2 =	sadd.s32 s3, s2  }
0x8d: {  	s2 =	sadd.s32 s2, s16  }
0x8e: {  	[smem:$0x3FB5] =	sst s2  }
0x8f: {  	_ = 	snop  }
0x90: {  	(tm) =	ssettm $0x1  }
0x91: {  	s17 =	sld [smem:$0x3FFB];
	_ =	sdelay $0x3  }
0x92: {  	_ =	strace s17  }
0x93: {  	s2 =	sld [smem:$0x3FFC];
	_ =	sdelay $0x3  }
0x94: {  	_ =	strace s2  }
0x95: {  	s2 =	sld [smem:$0x3FFD];
	_ =	sdelay $0x3  }
0x96: {  	_ =	strace s2  }
0x97: {  	_ =	strace $0x8FFFFFFF  }
0x98: {  	s18 =	sld [smem:$0x3FDB];
	_ =	sdelay $0x1  }
0x99: {  	s19 =	simm.s32 $_scs_section_size  }
0x9a: {  	s4 =	simm.s32 $_size__tile_overlayer_lowered;
	s5 =	simm.s32 $_tile_overlayer_lowered  }
0x9b: {  	s22 =	simm.s32 $0x1BFF;
	s21 =	sshll.u32 s5, $0x1;
	s2 =	sadd.s32 s19, s18  }
0x9c: {  	s6 =	simm.s32 $0x0;
	s20 =	sshll.u32 s4, $0x1;
	s4 =	sadd.s32 s21, s2  }
0x9d: {  	[timem:s6], [sflag:s22] =	dma.local [hbm:s4], s20  }
0x9e: {  	_ =	swait.ge [sflag:s22], s20  }
0x9f: {  	s3 =	ssub.s32 $0x0, s20;
	[sflag:s22] =	ssyncset.done $0x0  }
0xa0: {  	[sflag:s22] =	ssyncadd.s32 s3;
	_ =	sdelay $0x1  }
0xa1: {  	s23 =	simm.s32 $0x1B8B  }
0xa2: {  	_ =	swait.ge [sflag:s23], $0x1  }
0xa3: {  	[sflag:s23] =	ssyncset.done $0x0  }
0xa4: {  	s25 =	simm.s32 $0x1B8E;
	s24 =	sld [smem:$0x3FFE];
	[sflag:s23] =	ssyncadd.s32 $0xFFFFFFFF  }
0xa5: {  	s26 =	simm.s32 $execute0_lowered;
	[smem:$0x3FD2] =	sst s25  }
0xa6: {  	s4 =	sshll.u32 s26, $0x1;
	_ =	strace $0x80000046;
	[dreg:$0x1] =	wrdreg $0xFFFFFFFF  }
0xa7: {  	s28 =	simm.s32 $_size_execute0_lowered;
	s2 =	sadd.s32 s2, s4;
	[dreg:$0x0] =	wrdreg $0x0  }
0xa8: {  	s4 =	sshll.u32 s28, $0x1;
	[dreg:$0x2] =	wrdreg s2  }
0xa9: {  	[dreg:$0x3] =	wrdreg s4  }
0xaa: {  	[dreg:$0x4] =	wrdreg $0xC0  }
0xab: {  	_ =	task [dreg:s6], $0x5FFFF  }
0xac: {  	[dreg:$0x1] =	wrdreg $0xFFFFFFFF  }
0xad: {  	[dreg:$0x0] =	wrdreg $0x60  }
0xae: {  	[dreg:$0x2] =	wrdreg s24  }
0xaf: {  	[dreg:$0x3] =	wrdreg $0xA  }
0xb0: {  	_ =	task.clear_ibuf [dreg:s6], $0x4FFFF;
	_ =	strace $0x90000046  }
0xb1: {  	s29 =	simm.s32 $0xA;
	_ =	strace $0x80000048  }
0xb2: {  	_ =	swait.ge [sflag:s29], $0x1  }
0xb3: {  	[sflag:s29] =	ssyncadd.s32 $0xFFFFFFFF  }
0xb4: {  	_ =	strace $0x90000048  }
0xb5: {  	_ =	sfence  }
0xb6: {  	s30 =	sld [smem:$0x0];
	_ =	sdelay $0x2  }
0xb7: {  	s31 =	sshll.u32 s1, $0xD;
	s1 =	sshrl.u32 s1, $0x2  }
0xb8: {  	s3 =	sand.u32 $0x4000, s31;
	s1 =	sadd.s32 s1, s30  }
0xb9: {  	s0 =	sor.u32 s3, s0;
	s1 =	sshll.u32 s1, $0x11  }
0xba: {  	s0 =	sor.u32 s1, s0  }
0xbb: {  	s0 =	sadd.s32 $0x8F2B, s0  }
0xbc: {  	[sflag:s0] =	ssyncadd.remote.s32 $0x1  }
0xbd: {  	_ =	sfence.sel $0xFFFF  }
0xbe: {  	[dreg:$0x0] =	wrdreg $0xFFFFFFFF;
	(pc) =	sbr.abs _section_cstart, $3  }
0xbf: {  	[dreg:$0x1] =	wrdreg $0xFFFFFFFF  }
0xc0: {  	_ =	task.clear_ibuf [dreg:s6], $0x2FFFF;
	_ =	strace $0x9FFFFFFF  }
0xc1: {  	(tm) =	ssettm $0x7FFFFFFF  }
tec
execute0_lowered:
.L_overlay_start_1:
0x0: {  	(tag) =	ssettag $0x1  }
0x1: {  	s0 =	srdreg.scid  }
0x2: {  	s1 =	sshll.u32 s0, $0x4  }
0x3: {  	s0 =	stileid.u32;
	s1 =	sand.u32 $0x10, s1  }
0x4: {  	s1 =	sor.u32 s0, s1  }
0x5: {  	s2 =	smul.u32 $0xF, s1  }
0x6: {  	s3 =	smin.u32 s1, $0x14  }
0x7: {  	s2 =	sadd.s32 s3, s2  }
0x8: {  	p0 =	slt.u32 s1, $0x14;
	s1 =	simm.s32 $0x1400;
	s2 =	smul.u32 $0x140, s2  }
0x9: {  	s1 =	simm.s32 @!p0 $0x12C0  }
0xa: {  	s1 =	sadd.s32 s1, s2  }
0xb: {  	s3 =	smin.u32 s1, $0x27100  }
0xc: {  	s7 =	ssub.s32 s3, s2  }
0xd: {  	p0 =	sgt.s32 s7, $0x0  }
0xe: {  	s7 =	simm.s32 @!p0 $0x0  }
0xf: {  	s4 =	smulhi.u32 $0x66666667, s7  }
0x10: {  	s9 =	rddreg [dreg:$0x0];
	s6 =	simm.s32 $0x1;
	s11 =	simm.s32 $0x3  }
0x11: {  	s13 =	simm.s32 $0x0;
	s12 =	simm.s32 $0x0;
	s8 =	sshrl.u32 s4, $0x7  }
0x12: {  	s1 =	rddreg [dreg:$0x1];
	_ =	strace $0x80000047;
	s10 =	smul.u32 $0x140, s8  }
.Ltmp0:
0x13: {  	s5 =	sadd.s32 $0x278200, s9;
	[sflag:s6] =	ssyncpa.u1 $0x0;
	(pc) =	sbr.rel .LBB2_1-.Ltmp0, $4  }
0x14: {  	s4 =	sadd.s32 $0x7200, s9;
	p0 =	sne.s32 s7, s10;
	s10 =	simm.s32 $0x1  }
0x15: {  	s9 =	sadd.s32 $0x27D200, s9;
	s7 =	simm.s32 $0x2;
	s10 =	simm.s32 @!p0 $0x0  }
0x16: {  	[sflag:s7] =	ssyncpa.u1 $0x0;
	p0 =	por $0x0, $0x0;
	s8 =	sadd.s32 s10, s8  }
0x17: {  	vm0 =	vmmov $0xff;
	vm1 =	vcmask $0x3F20;
	[sflag:s11] =	ssyncpa.u1 $0x0;
	s11 =	smov.u32 s2;
	s10 =	sadd.s32 $0x1, s8  }
.LBB2_6:
0x18: {  	[hbm:s17] =	stream.linear.scatter [tilespmem:s14], [sflag:$0x3], $0x400, $0x38;
	[tilespmem:$0x14280] =	vst v63  }
.LBB2_7:
0x19: {  	s13 =	sadd.s32 $0x140, s11  }
0x1a: {  	s15 =	smov.u32 s2;
	p2 =	slt.s32 s13, s3  }
0x1b: {  	s15 =	smov.u32 @p2 s13;
	p2 =	sne.s32 s12, s10  }
.Ltmp1:
0x1c: {  	p1 =	slt.u32 s12, $0x2;
	(pc) =	sbr.rel @!p2 .LBB2_8-.Ltmp1, $4  }
0x1d: {  	s14 =	simm.s32 @!p1 $0x3  }
0x1e: {  	s16 =	sadd.s32 $0x1, s12;
	_ =	swait.ge @!p1 [sflag:s14], $0xA000  }
0x1f: {  	p0 =	por !p0, !p0;
	s13 =	smov.u32 s11;
	[sflag:s14] =	ssyncset.done @!p1 $0x0  }
0x20: {  	s12 =	smov.u32 s16;
	s11 =	smov.u32 s15;
	[sflag:s14] =	ssyncadd.s32 @!p1 $0xFFFF6000  }
.LBB2_1:
0x21: {  	p1 =	sge.u32 s12, s8  }
0x22: {  	s14 =	sxor.u32 @!p1 $0xFFFFFFFF, s12  }
0x23: {  	s14 =	sand.u32 @!p1 $0x1, s14  }
0x24: {  	s14 =	smul.u32 @!p1 $0x500, s14  }
0x25: {  	s31 =	sadd.s32 $0xFFFFFFFF, s12;
	s15 =	sshrl.u32 @!p1 s11, $0x3  }
0x26: {  	s16 =	sand.u32 @!p1 $0x7, s11;
	s15 =	sadd.s32 @!p1 s5, s15;
	s14 =	sshrl.u32 @!p1 s14, $0x2  }
0x27: {  	[tilespmem:s14], [sflag:$0x2] =	stream.linear.gather @!p1 [hbm4b:s15+s16], $0x140, $0x38;
	[tilespmem:$0x14280] =	vst v63  }
0x28: {  	p1 =	sge.u32 s31, s8  }
.Ltmp2:
0x29: {  	_ = 	snop;
	(pc) =	sbr.rel @p1 .LBB2_7-.Ltmp2, $1  }
0x2a: {  	_ =	sdelay $0x3  }
0x2b: {  	s14 =	simm.s32 $0x1  }
0x2c: {  	s14 =	simm.s32 @!p0 $0x0  }
0x2d: {  	s15 =	smul.u32 $0x500, s14  }
0x2e: {  	_ =	swait.ge [sflag:s7], $0x140  }
0x2f: {  	[sflag:s7] =	ssyncset.done $0x0;
	s16 =	sshrl.u32 s15, $0x2  }
0x30: {  	[sflag:s7] =	ssyncadd.s32 $0xFFFFFEC0;
	s15 =	sadd.s32 $0x0, s16  }
0x31: {  	v0 =	vld.msk [tilespmem:s15+$0x0 ss:$0x1], $0xffff;
	_ =	sdelay $0x4  }
0x32: {  	vm2 =	vgt.s32 v0, $0x0  }
0x33: {  	v0 =	vnsel vm2, $0x0, v0  }
0x34: {  	v0 =	vmin.u32 v0, $0x270FF  }
0x35: {  	v0 =	vshll.u32 v0, $0x4  }
0x36: {  	s14 =	smul.u32 $0x28000, s14;
	_ =	sdelay $0x1  }
0x37: {  	s14 =	sshrl.u32 s14, $0x2  }
0x38: {  	s14 =	sor.u32 $0x280, s14  }
0x39: {  	[tilespmem:s14], [sflag:$0x1] =	stream.indirect_vreg.gather [hbm:s4], $0x80, v0, vm0, $0x38;
	[tilespmem:$0x14280] =	vst v63  }
0x3a: {  	s17 =	sadd.s32 $0x10, s16;
	s15 =	sadd.s32 $0x400, s14  }
0x3b: {  	[tilespmem:s15], [sflag:$0x1] =	stream.indirect_vreg.gather [hbm:s4], $0x80, v0, vm1, $0x38;
	[tilespmem:$0x14280] =	vst v63  }
0x3c: {  	s18 =	simm.s32 $0x80;
	v0 =	vld.msk [tilespmem:s17+$0x0 ss:$0x1], $0xffff;
	s17 =	smov.u32 s14  }
.LBB2_3:
0x3d: {  	p1 =	sne.s32 s18, $0x4C0;
	_ =	sdelay $0x4  }
0x3e: {  	vm2 =	vgt.s32 v0, $0x0  }
0x3f: {  	v0 =	vnsel vm2, $0x0, v0  }
0x40: {  	v0 =	vmin.u32 v0, $0x270FF  }
0x41: {  	v0 =	vshll.u32 v0, $0x4;
	_ =	sdelay $0x3  }
.Ltmp3:
0x42: {  	s19 =	sshra.s32 s18, $0x2;
	s17 =	sadd.s32 $0x800, s17;
	(pc) =	sbr.rel @p1 .LBB2_3-.Ltmp3, $4  }
0x43: {  	[tilespmem:s17], [sflag:$0x1] =	stream.indirect_vreg.gather [hbm:s4], $0x80, v0, vm0, $0x38;
	[tilespmem:$0x14280] =	vst v63  }
0x44: {  	s19 =	sadd.s32 s19, s16;
	s20 =	sadd.s32 $0x400, s17  }
0x45: {  	[tilespmem:s20], [sflag:$0x1] =	stream.indirect_vreg.gather [hbm:s4], $0x80, v0, vm1, $0x38;
	[tilespmem:$0x14280] =	vst v63  }
0x46: {  	s18 =	sadd.s32 $0x40, s18;
	v0 =	vld.msk [tilespmem:s19+$0x0 ss:$0x1], $0xffff  }
0x47: {  	_ =	sdelay $0x3  }
0x48: {  	vm2 =	vgt.s32 v0, $0x0  }
0x49: {  	v0 =	vnsel vm2, $0x0, v0  }
0x4a: {  	v0 =	vmin.u32 v0, $0x270FF  }
0x4b: {  	v0 =	vshll.u32 v0, $0x4;
	_ =	sdelay $0x3  }
0x4c: {  	s16 =	sadd.s32 $0x800, s17  }
0x4d: {  	[tilespmem:s16], [sflag:$0x1] =	stream.indirect_vreg.gather [hbm:s4], $0x80, v0, vm0, $0x38;
	[tilespmem:$0x14280] =	vst v63  }
0x4e: {  	s16 =	sadd.s32 $0x400, s16  }
0x4f: {  	[tilespmem:s16], [sflag:$0x1] =	stream.indirect_vreg.gather [hbm:s4], $0x80, v0, vm1, $0x38;
	[tilespmem:$0x14280] =	vst v63  }
0x50: {  	s13 =	sshll.u32 s13, $0x4;
	_ =	swait.ge [sflag:s6], $0xA000  }
0x51: {  	s13 =	sadd.s32 s13, s9;
	[sflag:s6] =	ssyncset.done $0x0  }
0x52: {  	s17 =	sadd.s32 $0x0, s13;
	s16 =	simm.s32 $0x80;
	[sflag:s6] =	ssyncadd.s32 $0xFFFF6000  }
.LBB2_5:
0x53: {  	[hbm:s17] =	stream.linear.scatter [tilespmem:s14], [sflag:$0x3], $0x400, $0x38;
	[tilespmem:$0x14280] =	vst v63  }
0x54: {  	s17 =	smov.u32 s16;
	s14 =	smov.u32 s15;
	p1 =	sne.s32 s16, $0x1380  }
.Ltmp4:
0x55: {  	s16 =	sadd.s32 $0x80, s16;
	(pc) =	sbr.rel @p1 .LBB2_5-.Ltmp4, $2  }
0x56: {  	_ =	sdelay $0x2  }
0x57: {  	s15 =	sadd.s32 $0x400, s15;
	s17 =	sadd.s32 s17, s13  }
.Ltmp5:
0x58: {  	_ = 	snop;
	(pc) =	sbr.rel .LBB2_6-.Ltmp5, $1  }
0x59: {  	_ =	sdelay $0x3  }
.LBB2_8:
0x5a: {  	_ =	sfence.sel $0x180000  }
0x5b: {  	s2 =	simm.s32 $0x2;
	[bflag:$0x0] =	sbarrier.arrive $0xFFFF  }
0x5c: {  	s30 =	simm.s32 $0x3;
	[sflag:s2] =	ssyncpa.u1 $0x1  }
0x5d: {  	s31 =	simm.s32 $0x1;
	[sflag:s30] =	ssyncpa.u1 $0x1  }
0x5e: {  	[sflag:s31] =	ssyncpa.u1 $0x1  }
0x5f: {  	p0 =	sne.s32 s0, $0x0;
	_ =	strace $0x90000047  }
0x60: {  	s0 =	sadd.s32 @!p0 $0x100000, s1;
	[bflag:$0x2] =	sbarrier.arrive $0xFFFF  }
0x61: {  	[sflag:s0] =	ssyncadd.tile.s32 @!p0 $0x1;
	_ =	shalt  }
.Lfunc_end2:
_tile_overlayer_lowered:
.L_overlay_start_2:
0x62: {  	(tag) =	ssettag $0x2  }
0x63: {  	s0 =	rddreg [dreg:$0x0];
	s2 =	stileid.u32  }
0x64: {  	s1 =	rddreg [dreg:$0x1];
	p0 =	sne.s32 s2, $0x0  }
0x65: {  	s3 =	rddreg [dreg:$0x2];
	[bflag:$0x3] =	sbarrier.arrive $0xFFFF;
	s2 =	simm.s32 @!p0 $0x1C01  }
0x66: {  	[timem:s3], [sflag:s2] =	dma.local @!p0 [hbm:s0], s1  }
0x67: {  	s0 =	simm.s32 @!p0 $0x1  }
0x68: {  	_ =	swait.ge @!p0 [sflag:s0], s1  }
0x69: {  	s1 =	ssub.s32 @!p0 $0x0, s1;
	[sflag:s0] =	ssyncset.done @!p0 $0x0  }
0x6a: {  	[sflag:s0] =	ssyncadd.s32 @!p0 s1  }
0x6b: {  	[bflag:$0x3] =	sbarrier.arrive $0xFFFF  }
0x6c: {  	_ =	shalt  }

// kernel: kernel.22.cloned.1.call-start
scs
__scs_entry_jumppad:
0x0: {  	(pc) =	sbr.rel $0x88, $3  }
0x1: {  	(tag) =	ssettag $0x0;
	lr =	simm.s32 $0x1  }
0x2: {  	[smem:$0x3F8E] =	sst lr;
	_ =	strace $0xD0000000  }
0x3: {  	_ = 	snop  }
0x4: {  	_ = 	snop  }
0x5: {  	_ = 	snop  }
0x6: {  	_ = 	snop  }
0x7: {  	_ = 	snop  }
__scs_overlays_trampoline_lowered:
0x8: {  	[smem:$0x3F9D] =	sst s0  }
0x9: {  	[smem:$0x3F9E] =	sst s1  }
0xa: {  	[smem:$0x3F9F] =	sst s2  }
0xb: {  	[smem:$0x3FA0] =	sst s3  }
0xc: {  	[smem:$0x3FA1] =	sst s4  }
0xd: {  	[smem:$0x3FA2] =	sst s5  }
0xe: {  	[smem:$0x3FA3] =	sst s6  }
0xf: {  	[smem:$0x3FA4] =	sst s7  }
0x10: {  	[smem:$0x3FA5] =	sst s8  }
0x11: {  	[smem:$0x3FA6] =	sst s9;
	s0 =	simm.s32 @!p0 $0x0  }
0x12: {  	s1 =	sld [smem:$0x3F8C];
	s0 =	simm.s32 @p0 $0x1  }
0x13: {  	[smem:$0x3FA7] =	sst s0;
	s0 =	simm.s32 @!p1 $0x0  }
0x14: {  	s2 =	sld [smem:$0x3F8B];
	s0 =	simm.s32 @p1 $0x1  }
0x15: {  	[smem:$0x3FA8] =	sst s0;
	s0 =	simm.s32 @!p2 $0x0  }
0x16: {  	s3 =	sld [smem:$0x3FDB];
	s0 =	simm.s32 @p2 $0x1  }
0x17: {  	s4 =	simm.s32 $0x1BF5;
	[smem:$0x3FAA] =	sst s0  }
0x18: {  	s0 =	sld [smem:$0x3F8D];
	_ =	swait.ge [sflag:s4], $0x0  }
0x19: {  	s7 =	sld [smem:$0x3F8E]  }
0x1a: {  	s8 =	sadd.s32 $0xFFFFE003, lr  }
0x1b: {  	s9 =	sadd.s32 $0xFFFFFEF7, lr;
	s5 =	simm.s32 $0xFFFFFFFF;
	p2 =	slt.u32 s8, $0xFFFFF086  }
0x1c: {  	p1 =	slt.u32 s9, $0xF7A;
	s5 =	simm.s32 @!p2 $0x0  }
0x1d: {  	s5 =	simm.s32 @p1 $0x1;
	p0 =	seq.s32 s7, s2  }
0x1e: {  	s7 =	smul.u32 @!p0 $0xF7A, s2;
	p2 =	seq.s32 @!p0 s5, $0x0  }
0x1f: {  	s9 =	smul.u32 $0xF7A, s1;
	s8 =	simm.s32 @!p0 $0x1BF5;
	p2 =	por !p2, p0  }
0x20: {  	[sflag:s8] =	ssyncset.s32 @!p0 $0xFFFFF086;
	s6 =	sadd.s32 @!p0 s3, s7;
	s7 =	simm.s32 @!p0 $0x108  }
0x21: {  	s3 =	sadd.s32 s3, s9;
	s6 =	sadd.s32 @!p0 $0x88, s6;
	s7 =	simm.s32 @p2 $0x1082  }
0x22: {  	[simem:s7], [sflag:s8] =	dma.local @!p0 [hbm:s6], $0xF7A  }
0x23: {  	s9 =	sor.u32 $0xD0000000, s2;
	s6 =	simm.s32 $0x108;
	_ =	swait.ge @!p0 [sflag:s8], $0x0  }
0x24: {  	s3 =	sadd.s32 $0x88, s3;
	s6 =	simm.s32 @!p1 $0x1082;
	[sflag:s4] =	ssyncset.s32 $0xFFFFF086  }
0x25: {  	[simem:s6], [sflag:s4] =	dma.local [hbm:s3], $0xF7A  }
0x26: {  	[smem:$0x3F8E] =	sst s1;
	(tag) =	ssettag s2;
	_ =	strace s9  }
0x27: {  	s1 =	sld [smem:$0x3F9E]  }
0x28: {  	s2 =	sld [smem:$0x3F9F]  }
0x29: {  	s4 =	sld [smem:$0x3FA1]  }
0x2a: {  	p0 =	seq.s32 s5, $0x0;
	s5 =	sld [smem:$0x3FA2]  }
0x2b: {  	s6 =	sld [smem:$0x3FA3]  }
0x2c: {  	s7 =	sld [smem:$0x3FA4]  }
0x2d: {  	s3 =	simm.s32 $0x108;
	s8 =	sld [smem:$0x3FA5]  }
0x2e: {  	s3 =	simm.s32 @!p0 $0x1082;
	s9 =	sld [smem:$0x3FA6]  }
0x2f: {  	lr =	sadd.s32 s0, s3;
	s0 =	sld [smem:$0x3F9D]  }
0x30: {  	s3 =	sld [smem:$0x3FA0]  }
0x31: {  	[smem:$0x3FA9] =	sst s10  }
0x32: {  	s10 =	sld [smem:$0x3FA7];
	_ =	sdelay $0x3  }
0x33: {  	p0 =	seq.s32 s10, $0x1;
	s10 =	sld [smem:$0x3FA9];
	_ =	sdelay $0x3  }
0x34: {  	[smem:$0x3FA9] =	sst s10  }
0x35: {  	s10 =	sld [smem:$0x3FA8];
	_ =	sdelay $0x3  }
0x36: {  	p1 =	seq.s32 s10, $0x1;
	s10 =	sld [smem:$0x3FA9];
	_ =	sdelay $0x3  }
0x37: {  	[smem:$0x3FA9] =	sst s10  }
0x38: {  	s10 =	sld [smem:$0x3FAA]  }
0x39: {  	_ = 	snop;
	(pc) =	sbr.ind lr, $3  }
0x3a: {  	_ = 	snop  }
0x3b: {  	_ = 	snop  }
0x3c: {  	p2 =	seq.s32 s10, $0x1;
	s10 =	sld [smem:$0x3FA9]  }
0x3d: {  	_ =	shalt  }
0x3e: {  	_ =	shalt  }
0x3f: {  	_ =	shalt  }
0x40: {  	_ =	shalt  }
0x41: {  	_ =	shalt  }
0x42: {  	_ =	shalt  }
0x43: {  	_ =	shalt  }
0x44: {  	_ =	shalt  }
0x45: {  	_ =	shalt  }
0x46: {  	_ =	shalt  }
0x47: {  	_ =	shalt  }
0x48: {  	_ =	shalt  }
0x49: {  	_ =	shalt  }
0x4a: {  	_ =	shalt  }
0x4b: {  	_ =	shalt  }
0x4c: {  	_ =	shalt  }
0x4d: {  	_ =	shalt  }
0x4e: {  	_ =	shalt  }
0x4f: {  	_ =	shalt  }
0x50: {  	_ =	shalt  }
0x51: {  	_ =	shalt  }
0x52: {  	_ =	shalt  }
0x53: {  	_ =	shalt  }
0x54: {  	_ =	shalt  }
0x55: {  	_ =	shalt  }
0x56: {  	_ =	shalt  }
0x57: {  	_ =	shalt  }
0x58: {  	_ =	shalt  }
0x59: {  	_ =	shalt  }
0x5a: {  	_ =	shalt  }
0x5b: {  	_ =	shalt  }
0x5c: {  	_ =	shalt  }
0x5d: {  	_ =	shalt  }
0x5e: {  	_ =	shalt  }
0x5f: {  	_ =	shalt  }
0x60: {  	_ =	shalt  }
0x61: {  	_ =	shalt  }
0x62: {  	_ =	shalt  }
0x63: {  	_ =	shalt  }
0x64: {  	_ =	shalt  }
0x65: {  	_ =	shalt  }
0x66: {  	_ =	shalt  }
0x67: {  	_ =	shalt  }
0x68: {  	_ =	shalt  }
0x69: {  	_ =	shalt  }
0x6a: {  	_ =	shalt  }
0x6b: {  	_ =	shalt  }
0x6c: {  	_ =	shalt  }
0x6d: {  	_ =	shalt  }
0x6e: {  	_ =	shalt  }
0x6f: {  	_ =	shalt  }
0x70: {  	_ =	shalt  }
0x71: {  	_ =	shalt  }
0x72: {  	_ =	shalt  }
0x73: {  	_ =	shalt  }
0x74: {  	_ =	shalt  }
0x75: {  	_ =	shalt  }
0x76: {  	_ =	shalt  }
0x77: {  	_ =	shalt  }
0x78: {  	_ =	shalt  }
0x79: {  	_ =	shalt  }
0x7a: {  	_ =	shalt  }
0x7b: {  	_ =	shalt  }
0x7c: {  	_ =	shalt  }
0x7d: {  	_ =	shalt  }
0x7e: {  	_ =	shalt  }
0x7f: {  	_ =	shalt  }
0x80: {  	_ =	shalt  }
0x81: {  	_ =	shalt  }
0x82: {  	_ =	shalt  }
0x83: {  	_ =	shalt  }
0x84: {  	_ =	shalt  }
0x85: {  	_ =	shalt  }
0x86: {  	_ =	shalt  }
0x87: {  	_ =	shalt  }
.Lfunc_end0:
.L_simem_size_0:
called_computation.1_lowered:
.L_overlay_start_0:
0x88: {  	s2 =	sld [smem:$0x3FD9]  }
0x89: {  	s3 =	sld [smem:$0x3FFE];
	_ =	sdelay $0x1  }
0x8a: {  	s1 =	srdreg.scid  }
0x8b: {  	s0 =	sand.u32 $0x1, s1  }
0x8c: {  	s17 =	sshll.u32 s0, $0xA;
	s2 =	sadd.s32 s3, s2  }
0x8d: {  	s2 =	sadd.s32 s2, s17  }
0x8e: {  	[smem:$0x3FB5] =	sst s2  }
0x8f: {  	_ = 	snop  }
0x90: {  	s18 =	sld [smem:$0x3FD0];
	(tm) =	ssettm $0x1  }
0x91: {  	s19 =	sld [smem:$0x3FFB];
	_ =	sdelay $0x3  }
0x92: {  	_ =	strace s19  }
0x93: {  	s2 =	sld [smem:$0x3FFC];
	_ =	sdelay $0x3  }
0x94: {  	_ =	strace s2  }
0x95: {  	s2 =	sld [smem:$0x3FFD];
	_ =	sdelay $0x3  }
0x96: {  	_ =	strace s2  }
0x97: {  	_ =	strace $0x8FFFFFFF  }
0x98: {  	s20 =	sld [smem:$0x3FDB];
	_ =	sdelay $0x1  }
0x99: {  	s4 =	simm.s32 $_scs_section_size  }
0x9a: {  	s5 =	simm.s32 $_size__tile_overlayer_lowered;
	s6 =	simm.s32 $_tile_overlayer_lowered  }
0x9b: {  	s7 =	simm.s32 $0x1BFF;
	s21 =	sshll.u32 s6, $0x1;
	s4 =	sadd.s32 s4, s20  }
0x9c: {  	s22 =	simm.s32 $0x0;
	s5 =	sshll.u32 s5, $0x1;
	s6 =	sadd.s32 s21, s4  }
0x9d: {  	[timem:s22], [sflag:s7] =	dma.local [hbm:s6], s5  }
0x9e: {  	_ =	swait.ge [sflag:s7], s5  }
0x9f: {  	s5 =	ssub.s32 $0x0, s5;
	[sflag:s7] =	ssyncset.done $0x0  }
0xa0: {  	[sflag:s7] =	ssyncadd.s32 s5;
	_ =	sdelay $0x1  }
0xa1: {  	s23 =	simm.s32 $0x1B8B  }
0xa2: {  	_ =	swait.ge [sflag:s23], $0x1  }
0xa3: {  	[sflag:s23] =	ssyncset.done $0x0  }
0xa4: {  	[sflag:s23] =	ssyncadd.s32 $0xFFFFFFFF  }
0xa5: {  	s5 =	sld [smem:$0x0]  }
0xa6: {  	s6 =	sand.u32 $0xFFFFFFFE, s1  }
0xa7: {  	p0 =	sne.s32 s1, s6  }
0xa8: {  	s6 =	sshll.u32 @p0 s6, $0xE  }
0xa9: {  	s6 =	sadd.s32 @p0 $0x11B8D, s6;
	s7 =	sshll.u32 @p0 s5, $0x11  }
0xaa: {  	s6 =	sor.u32 @p0 s7, s6  }
0xab: {  	[sflag:s6] =	ssyncadd.remote.s32 @p0 $0x1;
	_ =	sdelay $0x1  }
0xac: {  	s6 =	simm.s32 @p0 $0x1B8D  }
0xad: {  	_ =	swait.eq @p0 [sflag:s6], $0x1  }
0xae: {  	[sflag:s6] =	ssyncadd.s32 @p0 $0xFFFFFFFF  }
0xaf: {  	s7 =	sshll.u32 @!p0 s1, $0xE  }
0xb0: {  	s7 =	sor.u32 @!p0 $0x4000, s7;
	s6 =	simm.s32 @!p0 $0x1B8D  }
0xb1: {  	s5 =	sshll.u32 @!p0 s5, $0x11;
	s7 =	sadd.s32 @!p0 $0x11B8D, s7;
	_ =	swait.eq @!p0 [sflag:s6], $0x1  }
0xb2: {  	s5 =	sor.u32 @!p0 s5, s7;
	[sflag:s6] =	ssyncadd.s32 @!p0 $0xFFFFFFFF  }
0xb3: {  	s25 =	simm.s32 $0x1B8E;
	s24 =	sld [smem:$0x3FFE];
	[sflag:s5] =	ssyncadd.remote.s32 @!p0 $0x1  }
0xb4: {  	s26 =	simm.s32 $execute0_lowered;
	[smem:$0x3FD2] =	sst s25  }
0xb5: {  	s6 =	sshll.u32 s26, $0x1;
	_ =	strace $0x8000004C;
	[dreg:$0x1] =	wrdreg $0xFFFFFFFF  }
0xb6: {  	s28 =	simm.s32 $_size_execute0_lowered;
	s4 =	sadd.s32 s4, s6;
	[dreg:$0x0] =	wrdreg $0x0  }
0xb7: {  	s6 =	sshll.u32 s28, $0x1;
	[dreg:$0x2] =	wrdreg s4  }
0xb8: {  	[dreg:$0x3] =	wrdreg s6  }
0xb9: {  	[dreg:$0x4] =	wrdreg $0xC0  }
0xba: {  	_ =	task [dreg:s22], $0x5FFFF  }
0xbb: {  	[dreg:$0x1] =	wrdreg $0xFFFFFFFF  }
0xbc: {  	[dreg:$0x0] =	wrdreg $0x60  }
0xbd: {  	[dreg:$0x2] =	wrdreg s24  }
0xbe: {  	[dreg:$0x3] =	wrdreg s18  }
0xbf: {  	[dreg:$0x4] =	wrdreg $0x1BD00  }
0xc0: {  	[dreg:$0x5] =	wrdreg $0x9  }
0xc1: {  	_ =	task.clear_ibuf [dreg:s22], $0x6FFFF;
	_ =	strace $0x9000004C  }
0xc2: {  	s29 =	simm.s32 $0x9;
	_ =	strace $0x8000004E  }
0xc3: {  	_ =	swait.ge [sflag:s29], $0x1  }
0xc4: {  	[sflag:s29] =	ssyncadd.s32 $0xFFFFFFFF  }
0xc5: {  	_ =	strace $0x9000004E  }
0xc6: {  	_ =	sfence  }
0xc7: {  	s30 =	sld [smem:$0x0];
	_ =	sdelay $0x2  }
0xc8: {  	s31 =	sshll.u32 s1, $0xD;
	s1 =	sshrl.u32 s1, $0x2  }
0xc9: {  	s4 =	sand.u32 $0x4000, s31;
	s1 =	sadd.s32 s1, s30  }
0xca: {  	s0 =	sor.u32 s4, s0;
	s1 =	sshll.u32 s1, $0x11  }
0xcb: {  	s0 =	sor.u32 s1, s0  }
0xcc: {  	s0 =	sadd.s32 $0x8F2B, s0  }
0xcd: {  	[sflag:s0] =	ssyncadd.remote.s32 $0x1  }
0xce: {  	_ =	sfence.sel $0xFFFF  }
0xcf: {  	[dreg:$0x0] =	wrdreg $0xFFFFFFFF;
	(pc) =	sbr.abs _section_cstart, $3  }
0xd0: {  	[dreg:$0x1] =	wrdreg $0xFFFFFFFF  }
0xd1: {  	_ =	task.clear_ibuf [dreg:s22], $0x2FFFF;
	_ =	strace $0x9FFFFFFF  }
0xd2: {  	(tm) =	ssettm $0x7FFFFFFF  }
0xd3: {  	_ =	shalt  }
tec
execute0_lowered:
.L_overlay_start_1:
0x0: {  	(tag) =	ssettag $0x1  }
0x1: {  	s5 =	rddreg [dreg:$0x0]  }
0x2: {  	s0 =	srdreg.scid;
	s1 =	rddreg [dreg:$0x1]  }
0x3: {  	s12 =	stileid.u32;
	s2 =	rddreg [dreg:$0x2];
	s3 =	simm.s32 $0x0  }
0x4: {  	s11 =	simm.s32 $0x7D;
	s14 =	simm.s32 $0x0;
	s4 =	sand.u32 $0x1, s0  }
0x5: {  	s31 =	sshll.u32 s12, $0x1;
	[smem:$0x7FF] =	sst s3;
	s8 =	smul.u32 $0x2800, s12  }
0x6: {  	p0 =	sne.s32 s12, $0x0;
	s12 =	sshll.u32 s12, $0x6;
	s0 =	sor.u32 s4, s31  }
0x7: {  	s7 =	smul.u32 $0x28000, s4;
	s9 =	ssub.s32 $0x2, s4;
	s4 =	sadd.s32 $0x54B400, s5  }
0x8: {  	s12 =	sor.u32 $0x1C01, s12;
	s6 =	smul.u32 $0x280, s0;
	s0 =	rddreg [dreg:$0x3]  }
0x9: {  	_ =	strace $0x8000004D;
	s10 =	sshrl.u32 s9, $0x1;
	s13 =	sadd.s32 s8, s2  }
0xa: {  	s7 =	sadd.s32 s8, s7;
	s9 =	ssub.s32 s9, s10;
	s8 =	sshrl.u32 @!p0 s2, $0x3  }
0xb: {  	s10 =	simm.s32 $0x1400;
	s6 =	sadd.s32 s6, s5;
	s7 =	sshrl.u32 s7, $0x3  }
0xc: {  	s13 =	sshrl.u32 s13, $0x3;
	s7 =	sadd.s32 s7, s5;
	s5 =	sadd.s32 $0x546400, s6  }
0xd: {  	s6 =	sadd.s32 $0x550400, s7;
	s7 =	smax.u32 s9, $0x1;
	s9 =	simm.s32 $0x1  }
.LBB2_1:
0xe: {  	s15 =	simm.s32 @!p0 $0x1C01  }
0xf: {  	[spmem:s8], [sflag:s15] =	dma.local @!p0 [hbm:s4], $0x5000  }
0x10: {  	s15 =	simm.s32 @!p0 $0x1  }
0x11: {  	_ =	swait.ge @!p0 [sflag:s15], $0x5000  }
0x12: {  	[sflag:s15] =	ssyncset.done @!p0 $0x0  }
0x13: {  	[sflag:s15] =	ssyncadd.s32 @!p0 $0xFFFFB000  }
0x14: {  	[tilespmem:s3], [sflag:$0x1] =	stream.linear.gather [hbm4b:s5+s3], $0x1400, $0x38;
	[tilespmem:$0x43D0] =	vst v63  }
0x15: {  	_ =	swait.ge [sflag:s9], $0x1400  }
0x16: {  	[sflag:s9] =	ssyncset.done $0x0  }
0x17: {  	[sflag:s9] =	ssyncadd.s32 $0xFFFFEC00  }
0x18: {  	[tilespmem:s10], [sflag:$0x1] =	stream.linear.gather [hbm4b:s1+s3], $0x7D0, $0x38;
	[tilespmem:$0x43D0] =	vst v63  }
0x19: {  	_ =	swait.ge [sflag:s9], $0x7D0  }
0x1a: {  	[sflag:s9] =	ssyncset.done $0x0  }
0x1b: {  	[sflag:s9] =	ssyncadd.s32 $0xFFFFF830  }
0x1c: {  	s31 =	simm.s32 $0x0;
	[bflag:$0x0] =	sbarrier.arrive $0xFFFF  }
0x1d: {  	[spmem:s2] =	stream.indirect.scatter.add.f32 [tilespmem:s10], [sflag:$0x1], $0x10, s31, s11, $0xb8;
	[tilespmem:$0x43D0] =	vst v63  }
0x1e: {  	_ =	swait.ge [sflag:s9], $0x7D0  }
0x1f: {  	s15 =	simm.s32 $0x200;
	[sflag:s9] =	ssyncset.done $0x0  }
.LBB2_2:
0x20: {  	s16 =	sshra.s32 s15, $0x2;
	[sflag:s9] =	ssyncadd.s32 $0xFFFFF830;
	p1 =	sne.s32 s15, $0x4E00  }
0x21: {  	[spmem:s2] =	stream.indirect.scatter.add.f32 [tilespmem:s10], [sflag:$0x1], $0x10, s16, s11, $0xb8;
	[tilespmem:$0x43D0] =	vst v63  }
.Ltmp0:
0x22: {  	_ = 	snop;
	(pc) =	sbr.rel @p1 .LBB2_2-.Ltmp0, $4  }
0x23: {  	_ = 	snop  }
0x24: {  	s15 =	sadd.s32 $0x200, s15  }
0x25: {  	_ =	swait.ge [sflag:s9], $0x7D0  }
0x26: {  	[sflag:s9] =	ssyncset.done $0x0  }
0x27: {  	s14 =	sadd.s32 $0x1, s14  }
0x28: {  	[sflag:s9] =	ssyncadd.s32 $0xFFFFF830;
	p1 =	sne.s32 s14, s7  }
.Ltmp1:
0x29: {  	[bflag:$0x0] =	sbarrier.arrive $0xFFFF;
	(pc) =	sbr.rel @p1 .LBB2_1-.Ltmp1, $4  }
0x2a: {  	[hbm:s6], [sflag:s12] =	dma.local [spmem:s13], $0x500  }
0x2b: {  	_ =	swait.ge [sflag:s9], $0x500  }
0x2c: {  	[sflag:s9] =	ssyncset.done $0x0  }
0x2d: {  	[sflag:s9] =	ssyncadd.s32 $0xFFFFFB00  }
0x2e: {  	_ =	sfence.sel $0x180000  }
0x2f: {  	[bflag:$0x0] =	sbarrier.arrive $0xFFFF  }
0x30: {  	_ =	strace $0x9000004D  }
0x31: {  	s0 =	sadd.s32 @!p0 $0x100000, s0;
	[bflag:$0x2] =	sbarrier.arrive $0xFFFF  }
0x32: {  	[sflag:s0] =	ssyncadd.tile.s32 @!p0 $0x1;
	_ =	shalt  }
.Lfunc_end2:
_tile_overlayer_lowered:
.L_overlay_start_2:
0x33: {  	(tag) =	ssettag $0x2  }
0x34: {  	s0 =	rddreg [dreg:$0x0];
	s2 =	stileid.u32  }
0x35: {  	s1 =	rddreg [dreg:$0x1];
	p0 =	sne.s32 s2, $0x0  }
0x36: {  	s3 =	rddreg [dreg:$0x2];
	[bflag:$0x3] =	sbarrier.arrive $0xFFFF;
	s2 =	simm.s32 @!p0 $0x1C01  }
0x37: {  	[timem:s3], [sflag:s2] =	dma.local @!p0 [hbm:s0], s1  }
0x38: {  	s0 =	simm.s32 @!p0 $0x1  }
0x39: {  	_ =	swait.ge @!p0 [sflag:s0], s1  }
0x3a: {  	s1 =	ssub.s32 @!p0 $0x0, s1;
	[sflag:s0] =	ssyncset.done @!p0 $0x0  }
0x3b: {  	[sflag:s0] =	ssyncadd.s32 @!p0 s1  }
0x3c: {  	[bflag:$0x3] =	sbarrier.arrive $0xFFFF  }
0x3d: {  	_ =	shalt  }

// kernel: kernel.25.cloned.1.call-start
scs
__scs_entry_jumppad:
0x0: {  	(pc) =	sbr.rel $0x88, $3  }
0x1: {  	(tag) =	ssettag $0x0;
	lr =	simm.s32 $0x1  }
0x2: {  	[smem:$0x3F8E] =	sst lr;
	_ =	strace $0xD0000000  }
0x3: {  	_ = 	snop  }
0x4: {  	_ = 	snop  }
0x5: {  	_ = 	snop  }
0x6: {  	_ = 	snop  }
0x7: {  	_ = 	snop  }
__scs_overlays_trampoline_lowered:
0x8: {  	[smem:$0x3F9D] =	sst s0  }
0x9: {  	[smem:$0x3F9E] =	sst s1  }
0xa: {  	[smem:$0x3F9F] =	sst s2  }
0xb: {  	[smem:$0x3FA0] =	sst s3  }
0xc: {  	[smem:$0x3FA1] =	sst s4  }
0xd: {  	[smem:$0x3FA2] =	sst s5  }
0xe: {  	[smem:$0x3FA3] =	sst s6  }
0xf: {  	[smem:$0x3FA4] =	sst s7  }
0x10: {  	[smem:$0x3FA5] =	sst s8  }
0x11: {  	[smem:$0x3FA6] =	sst s9;
	s0 =	simm.s32 @!p0 $0x0  }
0x12: {  	s1 =	sld [smem:$0x3F8C];
	s0 =	simm.s32 @p0 $0x1  }
0x13: {  	[smem:$0x3FA7] =	sst s0;
	s0 =	simm.s32 @!p1 $0x0  }
0x14: {  	s2 =	sld [smem:$0x3F8B];
	s0 =	simm.s32 @p1 $0x1  }
0x15: {  	[smem:$0x3FA8] =	sst s0;
	s0 =	simm.s32 @!p2 $0x0  }
0x16: {  	s3 =	sld [smem:$0x3FDB];
	s0 =	simm.s32 @p2 $0x1  }
0x17: {  	s4 =	simm.s32 $0x1BF5;
	[smem:$0x3FAA] =	sst s0  }
0x18: {  	s0 =	sld [smem:$0x3F8D];
	_ =	swait.ge [sflag:s4], $0x0  }
0x19: {  	s7 =	sld [smem:$0x3F8E]  }
0x1a: {  	s8 =	sadd.s32 $0xFFFFE003, lr  }
0x1b: {  	s9 =	sadd.s32 $0xFFFFFEF7, lr;
	s5 =	simm.s32 $0xFFFFFFFF;
	p2 =	slt.u32 s8, $0xFFFFF086  }
0x1c: {  	p1 =	slt.u32 s9, $0xF7A;
	s5 =	simm.s32 @!p2 $0x0  }
0x1d: {  	s5 =	simm.s32 @p1 $0x1;
	p0 =	seq.s32 s7, s2  }
0x1e: {  	s7 =	smul.u32 @!p0 $0xF7A, s2;
	p2 =	seq.s32 @!p0 s5, $0x0  }
0x1f: {  	s9 =	smul.u32 $0xF7A, s1;
	s8 =	simm.s32 @!p0 $0x1BF5;
	p2 =	por !p2, p0  }
0x20: {  	[sflag:s8] =	ssyncset.s32 @!p0 $0xFFFFF086;
	s6 =	sadd.s32 @!p0 s3, s7;
	s7 =	simm.s32 @!p0 $0x108  }
0x21: {  	s3 =	sadd.s32 s3, s9;
	s6 =	sadd.s32 @!p0 $0x88, s6;
	s7 =	simm.s32 @p2 $0x1082  }
0x22: {  	[simem:s7], [sflag:s8] =	dma.local @!p0 [hbm:s6], $0xF7A  }
0x23: {  	s9 =	sor.u32 $0xD0000000, s2;
	s6 =	simm.s32 $0x108;
	_ =	swait.ge @!p0 [sflag:s8], $0x0  }
0x24: {  	s3 =	sadd.s32 $0x88, s3;
	s6 =	simm.s32 @!p1 $0x1082;
	[sflag:s4] =	ssyncset.s32 $0xFFFFF086  }
0x25: {  	[simem:s6], [sflag:s4] =	dma.local [hbm:s3], $0xF7A  }
0x26: {  	[smem:$0x3F8E] =	sst s1;
	(tag) =	ssettag s2;
	_ =	strace s9  }
0x27: {  	s1 =	sld [smem:$0x3F9E]  }
0x28: {  	s2 =	sld [smem:$0x3F9F]  }
0x29: {  	s4 =	sld [smem:$0x3FA1]  }
0x2a: {  	p0 =	seq.s32 s5, $0x0;
	s5 =	sld [smem:$0x3FA2]  }
0x2b: {  	s6 =	sld [smem:$0x3FA3]  }
0x2c: {  	s7 =	sld [smem:$0x3FA4]  }
0x2d: {  	s3 =	simm.s32 $0x108;
	s8 =	sld [smem:$0x3FA5]  }
0x2e: {  	s3 =	simm.s32 @!p0 $0x1082;
	s9 =	sld [smem:$0x3FA6]  }
0x2f: {  	lr =	sadd.s32 s0, s3;
	s0 =	sld [smem:$0x3F9D]  }
0x30: {  	s3 =	sld [smem:$0x3FA0]  }
0x31: {  	[smem:$0x3FA9] =	sst s10  }
0x32: {  	s10 =	sld [smem:$0x3FA7];
	_ =	sdelay $0x3  }
0x33: {  	p0 =	seq.s32 s10, $0x1;
	s10 =	sld [smem:$0x3FA9];
	_ =	sdelay $0x3  }
0x34: {  	[smem:$0x3FA9] =	sst s10  }
0x35: {  	s10 =	sld [smem:$0x3FA8];
	_ =	sdelay $0x3  }
0x36: {  	p1 =	seq.s32 s10, $0x1;
	s10 =	sld [smem:$0x3FA9];
	_ =	sdelay $0x3  }
0x37: {  	[smem:$0x3FA9] =	sst s10  }
0x38: {  	s10 =	sld [smem:$0x3FAA]  }
0x39: {  	_ = 	snop;
	(pc) =	sbr.ind lr, $3  }
0x3a: {  	_ = 	snop  }
0x3b: {  	_ = 	snop  }
0x3c: {  	p2 =	seq.s32 s10, $0x1;
	s10 =	sld [smem:$0x3FA9]  }
0x3d: {  	_ =	shalt  }
0x3e: {  	_ =	shalt  }
0x3f: {  	_ =	shalt  }
0x40: {  	_ =	shalt  }
0x41: {  	_ =	shalt  }
0x42: {  	_ =	shalt  }
0x43: {  	_ =	shalt  }
0x44: {  	_ =	shalt  }
0x45: {  	_ =	shalt  }
0x46: {  	_ =	shalt  }
0x47: {  	_ =	shalt  }
0x48: {  	_ =	shalt  }
0x49: {  	_ =	shalt  }
0x4a: {  	_ =	shalt  }
0x4b: {  	_ =	shalt  }
0x4c: {  	_ =	shalt  }
0x4d: {  	_ =	shalt  }
0x4e: {  	_ =	shalt  }
0x4f: {  	_ =	shalt  }
0x50: {  	_ =	shalt  }
0x51: {  	_ =	shalt  }
0x52: {  	_ =	shalt  }
0x53: {  	_ =	shalt  }
0x54: {  	_ =	shalt  }
0x55: {  	_ =	shalt  }
0x56: {  	_ =	shalt  }
0x57: {  	_ =	shalt  }
0x58: {  	_ =	shalt  }
0x59: {  	_ =	shalt  }
0x5a: {  	_ =	shalt  }
0x5b: {  	_ =	shalt  }
0x5c: {  	_ =	shalt  }
0x5d: {  	_ =	shalt  }
0x5e: {  	_ =	shalt  }
0x5f: {  	_ =	shalt  }
0x60: {  	_ =	shalt  }
0x61: {  	_ =	shalt  }
0x62: {  	_ =	shalt  }
0x63: {  	_ =	shalt  }
0x64: {  	_ =	shalt  }
0x65: {  	_ =	shalt  }
0x66: {  	_ =	shalt  }
0x67: {  	_ =	shalt  }
0x68: {  	_ =	shalt  }
0x69: {  	_ =	shalt  }
0x6a: {  	_ =	shalt  }
0x6b: {  	_ =	shalt  }
0x6c: {  	_ =	shalt  }
0x6d: {  	_ =	shalt  }
0x6e: {  	_ =	shalt  }
0x6f: {  	_ =	shalt  }
0x70: {  	_ =	shalt  }
0x71: {  	_ =	shalt  }
0x72: {  	_ =	shalt  }
0x73: {  	_ =	shalt  }
0x74: {  	_ =	shalt  }
0x75: {  	_ =	shalt  }
0x76: {  	_ =	shalt  }
0x77: {  	_ =	shalt  }
0x78: {  	_ =	shalt  }
0x79: {  	_ =	shalt  }
0x7a: {  	_ =	shalt  }
0x7b: {  	_ =	shalt  }
0x7c: {  	_ =	shalt  }
0x7d: {  	_ =	shalt  }
0x7e: {  	_ =	shalt  }
0x7f: {  	_ =	shalt  }
0x80: {  	_ =	shalt  }
0x81: {  	_ =	shalt  }
0x82: {  	_ =	shalt  }
0x83: {  	_ =	shalt  }
0x84: {  	_ =	shalt  }
0x85: {  	_ =	shalt  }
0x86: {  	_ =	shalt  }
0x87: {  	_ =	shalt  }
.Lfunc_end0:
.L_simem_size_0:
called_computation.2_lowered:
.L_overlay_start_0:
0x88: {  	s2 =	sld [smem:$0x3FD9]  }
0x89: {  	s3 =	sld [smem:$0x3FFE];
	_ =	sdelay $0x1  }
0x8a: {  	s1 =	srdreg.scid  }
0x8b: {  	s0 =	sand.u32 $0x1, s1  }
0x8c: {  	s17 =	sshll.u32 s0, $0xA;
	s2 =	sadd.s32 s3, s2  }
0x8d: {  	s2 =	sadd.s32 s2, s17  }
0x8e: {  	[smem:$0x3FB5] =	sst s2  }
0x8f: {  	_ = 	snop  }
0x90: {  	(tm) =	ssettm $0x1  }
0x91: {  	s18 =	sld [smem:$0x3FFB];
	_ =	sdelay $0x3  }
0x92: {  	_ =	strace s18  }
0x93: {  	s2 =	sld [smem:$0x3FFC];
	_ =	sdelay $0x3  }
0x94: {  	_ =	strace s2  }
0x95: {  	s2 =	sld [smem:$0x3FFD];
	_ =	sdelay $0x3  }
0x96: {  	_ =	strace s2  }
0x97: {  	_ =	strace $0x8FFFFFFF  }
0x98: {  	s19 =	sld [smem:$0x3FDB];
	_ =	sdelay $0x1  }
0x99: {  	s20 =	simm.s32 $_scs_section_size  }
0x9a: {  	s4 =	simm.s32 $_size__tile_overlayer_lowered;
	s5 =	simm.s32 $_tile_overlayer_lowered  }
0x9b: {  	s6 =	simm.s32 $0x1BFF;
	s21 =	sshll.u32 s5, $0x1;
	s3 =	sadd.s32 s20, s19  }
0x9c: {  	s22 =	simm.s32 $0x0;
	s4 =	sshll.u32 s4, $0x1;
	s5 =	sadd.s32 s21, s3  }
0x9d: {  	[timem:s22], [sflag:s6] =	dma.local [hbm:s5], s4  }
0x9e: {  	_ =	swait.ge [sflag:s6], s4  }
0x9f: {  	s4 =	ssub.s32 $0x0, s4;
	[sflag:s6] =	ssyncset.done $0x0  }
0xa0: {  	[sflag:s6] =	ssyncadd.s32 s4;
	_ =	sdelay $0x1  }
0xa1: {  	s23 =	simm.s32 $0x1B8B  }
0xa2: {  	_ =	swait.ge [sflag:s23], $0x1  }
0xa3: {  	[sflag:s23] =	ssyncset.done $0x0  }
0xa4: {  	[sflag:s23] =	ssyncadd.s32 $0xFFFFFFFF  }
0xa5: {  	s4 =	sld [smem:$0x0]  }
0xa6: {  	s5 =	sand.u32 $0xFFFFFFFE, s1  }
0xa7: {  	p0 =	sne.s32 s1, s5  }
0xa8: {  	s5 =	sshll.u32 @p0 s5, $0xE  }
0xa9: {  	s5 =	sadd.s32 @p0 $0x11B8D, s5;
	s6 =	sshll.u32 @p0 s4, $0x11  }
0xaa: {  	s5 =	sor.u32 @p0 s6, s5  }
0xab: {  	[sflag:s5] =	ssyncadd.remote.s32 @p0 $0x1;
	_ =	sdelay $0x1  }
0xac: {  	s5 =	simm.s32 @p0 $0x1B8D  }
0xad: {  	_ =	swait.eq @p0 [sflag:s5], $0x1  }
0xae: {  	[sflag:s5] =	ssyncadd.s32 @p0 $0xFFFFFFFF  }
0xaf: {  	s6 =	sshll.u32 @!p0 s1, $0xE  }
0xb0: {  	s6 =	sor.u32 @!p0 $0x4000, s6;
	s5 =	simm.s32 @!p0 $0x1B8D  }
0xb1: {  	s4 =	sshll.u32 @!p0 s4, $0x11;
	s6 =	sadd.s32 @!p0 $0x11B8D, s6;
	_ =	swait.eq @!p0 [sflag:s5], $0x1  }
0xb2: {  	s4 =	sor.u32 @!p0 s4, s6;
	[sflag:s5] =	ssyncadd.s32 @!p0 $0xFFFFFFFF  }
0xb3: {  	s25 =	simm.s32 $0x1B8E;
	s24 =	sld [smem:$0x3FFE];
	[sflag:s4] =	ssyncadd.remote.s32 @!p0 $0x1  }
0xb4: {  	s26 =	simm.s32 $execute0_lowered;
	[smem:$0x3FD2] =	sst s25  }
0xb5: {  	s5 =	sshll.u32 s26, $0x1;
	_ =	strace $0x80000049;
	[dreg:$0x1] =	wrdreg $0xFFFFFFFF  }
0xb6: {  	s28 =	simm.s32 $_size_execute0_lowered;
	s3 =	sadd.s32 s3, s5;
	[dreg:$0x0] =	wrdreg $0x0  }
0xb7: {  	s5 =	sshll.u32 s28, $0x1;
	[dreg:$0x2] =	wrdreg s3  }
0xb8: {  	[dreg:$0x3] =	wrdreg s5  }
0xb9: {  	[dreg:$0x4] =	wrdreg $0xC0  }
0xba: {  	_ =	task [dreg:s22], $0x5FFFF  }
0xbb: {  	[dreg:$0x1] =	wrdreg $0xFFFFFFFF  }
0xbc: {  	[dreg:$0x0] =	wrdreg $0x60  }
0xbd: {  	[dreg:$0x2] =	wrdreg s24  }
0xbe: {  	[dreg:$0x3] =	wrdreg $0x14C800  }
0xbf: {  	[dreg:$0x4] =	wrdreg $0xB  }
0xc0: {  	_ =	task.clear_ibuf [dreg:s22], $0x5FFFF;
	_ =	strace $0x90000049  }
0xc1: {  	s29 =	simm.s32 $0xB;
	_ =	strace $0x8000004B  }
0xc2: {  	_ =	swait.ge [sflag:s29], $0x1  }
0xc3: {  	[sflag:s29] =	ssyncadd.s32 $0xFFFFFFFF  }
0xc4: {  	_ =	strace $0x9000004B  }
0xc5: {  	_ =	sfence  }
0xc6: {  	s30 =	sld [smem:$0x0];
	_ =	sdelay $0x2  }
0xc7: {  	s31 =	sshll.u32 s1, $0xD;
	s1 =	sshrl.u32 s1, $0x2  }
0xc8: {  	s4 =	sand.u32 $0x4000, s31;
	s1 =	sadd.s32 s1, s30  }
0xc9: {  	s0 =	sor.u32 s4, s0;
	s1 =	sshll.u32 s1, $0x11  }
0xca: {  	s0 =	sor.u32 s1, s0  }
0xcb: {  	s0 =	sadd.s32 $0x8F2B, s0  }
0xcc: {  	[sflag:s0] =	ssyncadd.remote.s32 $0x1  }
0xcd: {  	_ =	sfence.sel $0xFFFF  }
0xce: {  	[dreg:$0x0] =	wrdreg $0xFFFFFFFF;
	(pc) =	sbr.abs _section_cstart, $3  }
0xcf: {  	[dreg:$0x1] =	wrdreg $0xFFFFFFFF  }
0xd0: {  	_ =	task.clear_ibuf [dreg:s22], $0x2FFFF;
	_ =	strace $0x9FFFFFFF  }
0xd1: {  	(tm) =	ssettm $0x7FFFFFFF  }
tec
execute0_lowered:
.L_overlay_start_1:
0x0: {  	(tag) =	ssettag $0x1  }
0x1: {  	s4 =	rddreg [dreg:$0x0];
	s0 =	srdreg.scid  }
0x2: {  	s7 =	stileid.u32;
	s1 =	rddreg [dreg:$0x1];
	s2 =	simm.s32 $0x0  }
0x3: {  	s10 =	simm.s32 $0x1;
	s11 =	simm.s32 $0x1400;
	s12 =	simm.s32 $0x0  }
0x4: {  	s3 =	sand.u32 $0x1, s0;
	s5 =	sshll.u32 s7, $0x1;
	s0 =	rddreg [dreg:$0x2]  }
0x5: {  	[smem:$0x7FF] =	sst s2;
	p0 =	sne.s32 s7, $0x0;
	s5 =	sor.u32 s3, s5  }
0x6: {  	_ =	strace $0x8000004A;
	s8 =	ssub.s32 $0x2, s3;
	s6 =	smul.u32 $0x280, s5  }
0x7: {  	s3 =	sadd.s32 $0x4EE200, s4;
	s5 =	smul.u32 $0x2710, s5;
	s9 =	sshrl.u32 s8, $0x1  }
0x8: {  	s7 =	sshrl.u32 @!p0 s1, $0x3;
	s8 =	ssub.s32 s8, s9;
	s6 =	sadd.s32 s6, s4  }
0x9: {  	s9 =	simm.s32 $0x7D;
	s5 =	sadd.s32 s5, s4;
	s4 =	sadd.s32 $0x4F3200, s6  }
0xa: {  	s5 =	sadd.s32 $0x4F8200, s5;
	s6 =	smax.u32 s8, $0x1;
	s8 =	simm.s32 $0x2  }
.LBB2_1:
0xb: {  	s13 =	simm.s32 @!p0 $0x1C02  }
0xc: {  	[spmem:s7], [sflag:s13] =	dma.local @!p0 [hbm:s3], $0x5000  }
0xd: {  	s13 =	simm.s32 @!p0 $0x2  }
0xe: {  	_ =	swait.ge @!p0 [sflag:s13], $0x5000  }
0xf: {  	[sflag:s13] =	ssyncset.done @!p0 $0x0  }
0x10: {  	[sflag:s13] =	ssyncadd.s32 @!p0 $0xFFFFB000  }
0x11: {  	[tilespmem:s2], [sflag:$0x2] =	stream.linear.gather [hbm4b:s4+s2], $0x1400, $0x38;
	[tilespmem:$0x17480] =	vst v63  }
0x12: {  	_ =	swait.ge [sflag:s8], $0x1400  }
0x13: {  	[sflag:s8] =	ssyncset.done $0x0  }
0x14: {  	s16 =	simm.s32 $0x0;
	s14 =	simm.s32 $0x1BD0;
	[sflag:s8] =	ssyncadd.s32 $0xFFFFEC00  }
0x15: {  	s15 =	simm.s32 $0x1400;
	s13 =	simm.s32 $0x200;
	[bflag:$0x0] =	sbarrier.arrive $0xFFFF  }
.LBB2_2:
0x16: {  	[tilespmem:s15], [sflag:$0x1] =	stream.indirect.gather [spmem:s1], $0x10, s16, s9, $0xb8;
	[tilespmem:$0x17480] =	vst v63  }
0x17: {  	s16 =	smov.u32 s13;
	s15 =	smov.u32 s14;
	p1 =	sne.s32 s13, $0x4E00  }
.Ltmp0:
0x18: {  	s13 =	sadd.s32 $0x200, s13;
	(pc) =	sbr.rel @p1 .LBB2_2-.Ltmp0, $2  }
0x19: {  	_ =	sdelay $0x2  }
0x1a: {  	s14 =	sadd.s32 $0x7D0, s14;
	s16 =	sshra.s32 s16, $0x2  }
0x1b: {  	[tilespmem:s15], [sflag:$0x1] =	stream.indirect.gather [spmem:s1], $0x10, s16, s9, $0xb8;
	[tilespmem:$0x17480] =	vst v63  }
0x1c: {  	s12 =	sadd.s32 $0x1, s12;
	_ =	swait.ge [sflag:s10], $0x13880  }
0x1d: {  	p1 =	sne.s32 s12, s6;
	[sflag:s10] =	ssyncset.done $0x0  }
.Ltmp1:
0x1e: {  	[sflag:s10] =	ssyncadd.s32 $0xFFFEC780;
	(pc) =	sbr.rel @p1 .LBB2_1-.Ltmp1, $4  }
0x1f: {  	[hbm4b:s5+s2] =	stream.linear.scatter [tilespmem:s11], [sflag:$0x2], $0x13880, $0x38;
	[tilespmem:$0x17480] =	vst v63  }
0x20: {  	_ =	swait.ge [sflag:s8], $0x13880  }
0x21: {  	[sflag:s8] =	ssyncset.done $0x0  }
0x22: {  	[sflag:s8] =	ssyncadd.s32 $0xFFFEC780  }
0x23: {  	_ =	sfence.sel $0x180000  }
0x24: {  	[bflag:$0x0] =	sbarrier.arrive $0xFFFF  }
0x25: {  	_ =	strace $0x9000004A  }
0x26: {  	s0 =	sadd.s32 @!p0 $0x100000, s0;
	[bflag:$0x2] =	sbarrier.arrive $0xFFFF  }
0x27: {  	[sflag:s0] =	ssyncadd.tile.s32 @!p0 $0x1;
	_ =	shalt  }
.Lfunc_end2:
_tile_overlayer_lowered:
.L_overlay_start_2:
0x28: {  	(tag) =	ssettag $0x2  }
0x29: {  	s0 =	rddreg [dreg:$0x0];
	s2 =	stileid.u32  }
0x2a: {  	s1 =	rddreg [dreg:$0x1];
	p0 =	sne.s32 s2, $0x0  }
0x2b: {  	s3 =	rddreg [dreg:$0x2];
	[bflag:$0x3] =	sbarrier.arrive $0xFFFF;
	s2 =	simm.s32 @!p0 $0x1C02  }
0x2c: {  	[timem:s3], [sflag:s2] =	dma.local @!p0 [hbm:s0], s1  }
0x2d: {  	s0 =	simm.s32 @!p0 $0x2  }
0x2e: {  	_ =	swait.ge @!p0 [sflag:s0], s1  }
0x2f: {  	s1 =	ssub.s32 @!p0 $0x0, s1;
	[sflag:s0] =	ssyncset.done @!p0 $0x0  }
0x30: {  	[sflag:s0] =	ssyncadd.s32 @!p0 s1  }
0x31: {  	[bflag:$0x3] =	sbarrier.arrive $0xFFFF  }
0x32: {  	_ =	shalt  }

// kernel: kernel.28.cloned.1.call-start
scs
__scs_entry_jumppad:
0x0: {  	(pc) =	sbr.rel $0x88, $3  }
0x1: {  	(tag) =	ssettag $0x0;
	lr =	simm.s32 $0x1  }
0x2: {  	[smem:$0x3F8E] =	sst lr;
	_ =	strace $0xD0000000  }
0x3: {  	_ = 	snop  }
0x4: {  	_ = 	snop  }
0x5: {  	_ = 	snop  }
0x6: {  	_ = 	snop  }
0x7: {  	_ = 	snop  }
__scs_overlays_trampoline_lowered:
0x8: {  	[smem:$0x3F9D] =	sst s0  }
0x9: {  	[smem:$0x3F9E] =	sst s1  }
0xa: {  	[smem:$0x3F9F] =	sst s2  }
0xb: {  	[smem:$0x3FA0] =	sst s3  }
0xc: {  	[smem:$0x3FA1] =	sst s4  }
0xd: {  	[smem:$0x3FA2] =	sst s5  }
0xe: {  	[smem:$0x3FA3] =	sst s6  }
0xf: {  	[smem:$0x3FA4] =	sst s7  }
0x10: {  	[smem:$0x3FA5] =	sst s8  }
0x11: {  	[smem:$0x3FA6] =	sst s9;
	s0 =	simm.s32 @!p0 $0x0  }
0x12: {  	s1 =	sld [smem:$0x3F8C];
	s0 =	simm.s32 @p0 $0x1  }
0x13: {  	[smem:$0x3FA7] =	sst s0;
	s0 =	simm.s32 @!p1 $0x0  }
0x14: {  	s2 =	sld [smem:$0x3F8B];
	s0 =	simm.s32 @p1 $0x1  }
0x15: {  	[smem:$0x3FA8] =	sst s0;
	s0 =	simm.s32 @!p2 $0x0  }
0x16: {  	s3 =	sld [smem:$0x3FDB];
	s0 =	simm.s32 @p2 $0x1  }
0x17: {  	s4 =	simm.s32 $0x1BF5;
	[smem:$0x3FAA] =	sst s0  }
0x18: {  	s0 =	sld [smem:$0x3F8D];
	_ =	swait.ge [sflag:s4], $0x0  }
0x19: {  	s7 =	sld [smem:$0x3F8E]  }
0x1a: {  	s8 =	sadd.s32 $0xFFFFE003, lr  }
0x1b: {  	s9 =	sadd.s32 $0xFFFFFEF7, lr;
	s5 =	simm.s32 $0xFFFFFFFF;
	p2 =	slt.u32 s8, $0xFFFFF086  }
0x1c: {  	p1 =	slt.u32 s9, $0xF7A;
	s5 =	simm.s32 @!p2 $0x0  }
0x1d: {  	s5 =	simm.s32 @p1 $0x1;
	p0 =	seq.s32 s7, s2  }
0x1e: {  	s7 =	smul.u32 @!p0 $0xF7A, s2;
	p2 =	seq.s32 @!p0 s5, $0x0  }
0x1f: {  	s9 =	smul.u32 $0xF7A, s1;
	s8 =	simm.s32 @!p0 $0x1BF5;
	p2 =	por !p2, p0  }
0x20: {  	[sflag:s8] =	ssyncset.s32 @!p0 $0xFFFFF086;
	s6 =	sadd.s32 @!p0 s3, s7;
	s7 =	simm.s32 @!p0 $0x108  }
0x21: {  	s3 =	sadd.s32 s3, s9;
	s6 =	sadd.s32 @!p0 $0x88, s6;
	s7 =	simm.s32 @p2 $0x1082  }
0x22: {  	[simem:s7], [sflag:s8] =	dma.local @!p0 [hbm:s6], $0xF7A  }
0x23: {  	s9 =	sor.u32 $0xD0000000, s2;
	s6 =	simm.s32 $0x108;
	_ =	swait.ge @!p0 [sflag:s8], $0x0  }
0x24: {  	s3 =	sadd.s32 $0x88, s3;
	s6 =	simm.s32 @!p1 $0x1082;
	[sflag:s4] =	ssyncset.s32 $0xFFFFF086  }
0x25: {  	[simem:s6], [sflag:s4] =	dma.local [hbm:s3], $0xF7A  }
0x26: {  	[smem:$0x3F8E] =	sst s1;
	(tag) =	ssettag s2;
	_ =	strace s9  }
0x27: {  	s1 =	sld [smem:$0x3F9E]  }
0x28: {  	s2 =	sld [smem:$0x3F9F]  }
0x29: {  	s4 =	sld [smem:$0x3FA1]  }
0x2a: {  	p0 =	seq.s32 s5, $0x0;
	s5 =	sld [smem:$0x3FA2]  }
0x2b: {  	s6 =	sld [smem:$0x3FA3]  }
0x2c: {  	s7 =	sld [smem:$0x3FA4]  }
0x2d: {  	s3 =	simm.s32 $0x108;
	s8 =	sld [smem:$0x3FA5]  }
0x2e: {  	s3 =	simm.s32 @!p0 $0x1082;
	s9 =	sld [smem:$0x3FA6]  }
0x2f: {  	lr =	sadd.s32 s0, s3;
	s0 =	sld [smem:$0x3F9D]  }
0x30: {  	s3 =	sld [smem:$0x3FA0]  }
0x31: {  	[smem:$0x3FA9] =	sst s10  }
0x32: {  	s10 =	sld [smem:$0x3FA7];
	_ =	sdelay $0x3  }
0x33: {  	p0 =	seq.s32 s10, $0x1;
	s10 =	sld [smem:$0x3FA9];
	_ =	sdelay $0x3  }
0x34: {  	[smem:$0x3FA9] =	sst s10  }
0x35: {  	s10 =	sld [smem:$0x3FA8];
	_ =	sdelay $0x3  }
0x36: {  	p1 =	seq.s32 s10, $0x1;
	s10 =	sld [smem:$0x3FA9];
	_ =	sdelay $0x3  }
0x37: {  	[smem:$0x3FA9] =	sst s10  }
0x38: {  	s10 =	sld [smem:$0x3FAA]  }
0x39: {  	_ = 	snop;
	(pc) =	sbr.ind lr, $3  }
0x3a: {  	_ = 	snop  }
0x3b: {  	_ = 	snop  }
0x3c: {  	p2 =	seq.s32 s10, $0x1;
	s10 =	sld [smem:$0x3FA9]  }
0x3d: {  	_ =	shalt  }
0x3e: {  	_ =	shalt  }
0x3f: {  	_ =	shalt  }
0x40: {  	_ =	shalt  }
0x41: {  	_ =	shalt  }
0x42: {  	_ =	shalt  }
0x43: {  	_ =	shalt  }
0x44: {  	_ =	shalt  }
0x45: {  	_ =	shalt  }
0x46: {  	_ =	shalt  }
0x47: {  	_ =	shalt  }
0x48: {  	_ =	shalt  }
0x49: {  	_ =	shalt  }
0x4a: {  	_ =	shalt  }
0x4b: {  	_ =	shalt  }
0x4c: {  	_ =	shalt  }
0x4d: {  	_ =	shalt  }
0x4e: {  	_ =	shalt  }
0x4f: {  	_ =	shalt  }
0x50: {  	_ =	shalt  }
0x51: {  	_ =	shalt  }
0x52: {  	_ =	shalt  }
0x53: {  	_ =	shalt  }
0x54: {  	_ =	shalt  }
0x55: {  	_ =	shalt  }
0x56: {  	_ =	shalt  }
0x57: {  	_ =	shalt  }
0x58: {  	_ =	shalt  }
0x59: {  	_ =	shalt  }
0x5a: {  	_ =	shalt  }
0x5b: {  	_ =	shalt  }
0x5c: {  	_ =	shalt  }
0x5d: {  	_ =	shalt  }
0x5e: {  	_ =	shalt  }
0x5f: {  	_ =	shalt  }
0x60: {  	_ =	shalt  }
0x61: {  	_ =	shalt  }
0x62: {  	_ =	shalt  }
0x63: {  	_ =	shalt  }
0x64: {  	_ =	shalt  }
0x65: {  	_ =	shalt  }
0x66: {  	_ =	shalt  }
0x67: {  	_ =	shalt  }
0x68: {  	_ =	shalt  }
0x69: {  	_ =	shalt  }
0x6a: {  	_ =	shalt  }
0x6b: {  	_ =	shalt  }
0x6c: {  	_ =	shalt  }
0x6d: {  	_ =	shalt  }
0x6e: {  	_ =	shalt  }
0x6f: {  	_ =	shalt  }
0x70: {  	_ =	shalt  }
0x71: {  	_ =	shalt  }
0x72: {  	_ =	shalt  }
0x73: {  	_ =	shalt  }
0x74: {  	_ =	shalt  }
0x75: {  	_ =	shalt  }
0x76: {  	_ =	shalt  }
0x77: {  	_ =	shalt  }
0x78: {  	_ =	shalt  }
0x79: {  	_ =	shalt  }
0x7a: {  	_ =	shalt  }
0x7b: {  	_ =	shalt  }
0x7c: {  	_ =	shalt  }
0x7d: {  	_ =	shalt  }
0x7e: {  	_ =	shalt  }
0x7f: {  	_ =	shalt  }
0x80: {  	_ =	shalt  }
0x81: {  	_ =	shalt  }
0x82: {  	_ =	shalt  }
0x83: {  	_ =	shalt  }
0x84: {  	_ =	shalt  }
0x85: {  	_ =	shalt  }
0x86: {  	_ =	shalt  }
0x87: {  	_ =	shalt  }
.Lfunc_end0:
.L_simem_size_0:
called_computation.3_lowered:
.L_overlay_start_0:
0x88: {  	s2 =	sld [smem:$0x3FD9]  }
0x89: {  	s3 =	sld [smem:$0x3FFE];
	_ =	sdelay $0x1  }
0x8a: {  	s1 =	srdreg.scid  }
0x8b: {  	s0 =	sand.u32 $0x1, s1  }
0x8c: {  	s17 =	sshll.u32 s0, $0xA;
	s2 =	sadd.s32 s3, s2  }
0x8d: {  	s2 =	sadd.s32 s2, s17  }
0x8e: {  	[smem:$0x3FB5] =	sst s2  }
0x8f: {  	_ = 	snop  }
0x90: {  	(tm) =	ssettm $0x1  }
0x91: {  	s18 =	sld [smem:$0x3FFB];
	_ =	sdelay $0x3  }
0x92: {  	_ =	strace s18  }
0x93: {  	s2 =	sld [smem:$0x3FFC];
	_ =	sdelay $0x3  }
0x94: {  	_ =	strace s2  }
0x95: {  	s2 =	sld [smem:$0x3FFD];
	_ =	sdelay $0x3  }
0x96: {  	_ =	strace s2  }
0x97: {  	_ =	strace $0x8FFFFFFF  }
0x98: {  	s19 =	sld [smem:$0x3FDB];
	_ =	sdelay $0x1  }
0x99: {  	s20 =	simm.s32 $_scs_section_size  }
0x9a: {  	s4 =	simm.s32 $_size__tile_overlayer_lowered;
	s5 =	simm.s32 $_tile_overlayer_lowered  }
0x9b: {  	s6 =	simm.s32 $0x1BFF;
	s21 =	sshll.u32 s5, $0x1;
	s3 =	sadd.s32 s20, s19  }
0x9c: {  	s22 =	simm.s32 $0x0;
	s4 =	sshll.u32 s4, $0x1;
	s5 =	sadd.s32 s21, s3  }
0x9d: {  	[timem:s22], [sflag:s6] =	dma.local [hbm:s5], s4  }
0x9e: {  	_ =	swait.ge [sflag:s6], s4  }
0x9f: {  	s4 =	ssub.s32 $0x0, s4;
	[sflag:s6] =	ssyncset.done $0x0  }
0xa0: {  	[sflag:s6] =	ssyncadd.s32 s4;
	_ =	sdelay $0x1  }
0xa1: {  	s23 =	simm.s32 $0x1B8B  }
0xa2: {  	_ =	swait.ge [sflag:s23], $0x1  }
0xa3: {  	[sflag:s23] =	ssyncset.done $0x0  }
0xa4: {  	[sflag:s23] =	ssyncadd.s32 $0xFFFFFFFF  }
0xa5: {  	s4 =	sld [smem:$0x0]  }
0xa6: {  	s5 =	sand.u32 $0xFFFFFFFE, s1  }
0xa7: {  	p0 =	sne.s32 s1, s5  }
0xa8: {  	s5 =	sshll.u32 @p0 s5, $0xE  }
0xa9: {  	s5 =	sadd.s32 @p0 $0x11B8D, s5;
	s6 =	sshll.u32 @p0 s4, $0x11  }
0xaa: {  	s5 =	sor.u32 @p0 s6, s5  }
0xab: {  	[sflag:s5] =	ssyncadd.remote.s32 @p0 $0x1;
	_ =	sdelay $0x1  }
0xac: {  	s5 =	simm.s32 @p0 $0x1B8D  }
0xad: {  	_ =	swait.eq @p0 [sflag:s5], $0x1  }
0xae: {  	[sflag:s5] =	ssyncadd.s32 @p0 $0xFFFFFFFF  }
0xaf: {  	s6 =	sshll.u32 @!p0 s1, $0xE  }
0xb0: {  	s6 =	sor.u32 @!p0 $0x4000, s6;
	s5 =	simm.s32 @!p0 $0x1B8D  }
0xb1: {  	s4 =	sshll.u32 @!p0 s4, $0x11;
	s6 =	sadd.s32 @!p0 $0x11B8D, s6;
	_ =	swait.eq @!p0 [sflag:s5], $0x1  }
0xb2: {  	s4 =	sor.u32 @!p0 s4, s6;
	[sflag:s5] =	ssyncadd.s32 @!p0 $0xFFFFFFFF  }
0xb3: {  	s25 =	simm.s32 $0x1B8E;
	s24 =	sld [smem:$0x3FFE];
	[sflag:s4] =	ssyncadd.remote.s32 @!p0 $0x1  }
0xb4: {  	s26 =	simm.s32 $execute0_lowered;
	[smem:$0x3FD2] =	sst s25  }
0xb5: {  	s5 =	sshll.u32 s26, $0x1;
	_ =	strace $0x8000004F;
	[dreg:$0x1] =	wrdreg $0xFFFFFFFF  }
0xb6: {  	s28 =	simm.s32 $_size_execute0_lowered;
	s3 =	sadd.s32 s3, s5;
	[dreg:$0x0] =	wrdreg $0x0  }
0xb7: {  	s5 =	sshll.u32 s28, $0x1;
	[dreg:$0x2] =	wrdreg s3  }
0xb8: {  	[dreg:$0x3] =	wrdreg s5  }
0xb9: {  	[dreg:$0x4] =	wrdreg $0xC0  }
0xba: {  	_ =	task [dreg:s22], $0x5FFFF  }
0xbb: {  	[dreg:$0x1] =	wrdreg $0xFFFFFFFF  }
0xbc: {  	[dreg:$0x0] =	wrdreg $0x60  }
0xbd: {  	[dreg:$0x2] =	wrdreg s24  }
0xbe: {  	[dreg:$0x3] =	wrdreg $0x14C800  }
0xbf: {  	[dreg:$0x4] =	wrdreg $0xA  }
0xc0: {  	_ =	task.clear_ibuf [dreg:s22], $0x5FFFF;
	_ =	strace $0x9000004F  }
0xc1: {  	s29 =	simm.s32 $0xA;
	_ =	strace $0x80000051  }
0xc2: {  	_ =	swait.ge [sflag:s29], $0x1  }
0xc3: {  	[sflag:s29] =	ssyncadd.s32 $0xFFFFFFFF  }
0xc4: {  	_ =	strace $0x90000051  }
0xc5: {  	_ =	sfence  }
0xc6: {  	s30 =	sld [smem:$0x0];
	_ =	sdelay $0x2  }
0xc7: {  	s31 =	sshll.u32 s1, $0xD;
	s1 =	sshrl.u32 s1, $0x2  }
0xc8: {  	s4 =	sand.u32 $0x4000, s31;
	s1 =	sadd.s32 s1, s30  }
0xc9: {  	s0 =	sor.u32 s4, s0;
	s1 =	sshll.u32 s1, $0x11  }
0xca: {  	s0 =	sor.u32 s1, s0  }
0xcb: {  	s0 =	sadd.s32 $0x8F2B, s0  }
0xcc: {  	[sflag:s0] =	ssyncadd.remote.s32 $0x1  }
0xcd: {  	_ =	sfence.sel $0xFFFF  }
0xce: {  	[dreg:$0x0] =	wrdreg $0xFFFFFFFF;
	(pc) =	sbr.abs _section_cstart, $3  }
0xcf: {  	[dreg:$0x1] =	wrdreg $0xFFFFFFFF  }
0xd0: {  	_ =	task.clear_ibuf [dreg:s22], $0x2FFFF;
	_ =	strace $0x9FFFFFFF  }
0xd1: {  	(tm) =	ssettm $0x7FFFFFFF  }
tec
execute0_lowered:
.L_overlay_start_1:
0x0: {  	(tag) =	ssettag $0x1  }
0x1: {  	s0 =	srdreg.scid;
	s4 =	rddreg [dreg:$0x0]  }
0x2: {  	s11 =	stileid.u32;
	s1 =	rddreg [dreg:$0x1]  }
0x3: {  	s2 =	simm.s32 $0x0;
	s13 =	simm.s32 $0x0;
	s3 =	sand.u32 $0x1, s0  }
0x4: {  	s31 =	sshll.u32 s11, $0x1;
	[smem:$0x7FF] =	sst s2;
	s8 =	smul.u32 $0x2800, s11  }
0x5: {  	p0 =	sne.s32 s11, $0x0;
	s0 =	sor.u32 s3, s31;
	s7 =	smul.u32 $0x28000, s3  }
0x6: {  	s11 =	sshll.u32 s11, $0x6;
	s9 =	ssub.s32 $0x2, s3;
	s5 =	smul.u32 $0x2710, s0  }
0x7: {  	s3 =	sadd.s32 $0x54B400, s4;
	s11 =	sor.u32 $0x1C01, s11;
	s6 =	smul.u32 $0x280, s0  }
0x8: {  	s0 =	rddreg [dreg:$0x2];
	_ =	strace $0x80000050;
	s10 =	sshrl.u32 s9, $0x1  }
0x9: {  	s12 =	sadd.s32 s8, s1;
	s7 =	sadd.s32 s8, s7;
	s9 =	ssub.s32 s9, s10  }
0xa: {  	s8 =	sshrl.u32 @!p0 s1, $0x3;
	s10 =	simm.s32 $0x7D;
	s12 =	sshrl.u32 s12, $0x3  }
0xb: {  	s5 =	sadd.s32 s5, s4;
	s6 =	sadd.s32 s6, s4;
	s7 =	sshrl.u32 s7, $0x3  }
0xc: {  	s7 =	sadd.s32 s7, s4;
	s4 =	sadd.s32 $0x546400, s6;
	s5 =	sadd.s32 $0x4F8200, s5  }
0xd: {  	s6 =	sadd.s32 $0x13FA00, s7;
	s7 =	smax.u32 s9, $0x1;
	s9 =	simm.s32 $0x1  }
.LBB2_1:
0xe: {  	s14 =	simm.s32 @!p0 $0x1C01  }
0xf: {  	[spmem:s8], [sflag:s14] =	dma.local @!p0 [hbm:s3], $0x5000  }
0x10: {  	s14 =	simm.s32 @!p0 $0x1  }
0x11: {  	_ =	swait.ge @!p0 [sflag:s14], $0x5000  }
0x12: {  	[sflag:s14] =	ssyncset.done @!p0 $0x0  }
0x13: {  	[sflag:s14] =	ssyncadd.s32 @!p0 $0xFFFFB000  }
0x14: {  	[tilespmem:s2], [sflag:$0x1] =	stream.linear.gather [hbm4b:s4+s2], $0x1400, $0x38;
	[tilespmem:$0x17480] =	vst v63  }
0x15: {  	_ =	swait.ge [sflag:s9], $0x1400  }
0x16: {  	[sflag:s9] =	ssyncset.done $0x0  }
0x17: {  	s14 =	simm.s32 $0x1400;
	[sflag:s9] =	ssyncadd.s32 $0xFFFFEC00  }
0x18: {  	[tilespmem:s14], [sflag:$0x1] =	stream.linear.gather [hbm4b:s5+s2], $0x13880, $0x38;
	[tilespmem:$0x17480] =	vst v63  }
0x19: {  	_ =	swait.ge [sflag:s9], $0x13880  }
0x1a: {  	[sflag:s9] =	ssyncset.done $0x0  }
0x1b: {  	[sflag:s9] =	ssyncadd.s32 $0xFFFEC780  }
0x1c: {  	s15 =	simm.s32 $0x0;
	[bflag:$0x0] =	sbarrier.arrive $0xFFFF  }
0x1d: {  	[spmem:s1] =	stream.indirect.scatter.add.f32 [tilespmem:s14], [sflag:$0x1], $0x10, s15, s10, $0xb8;
	[tilespmem:$0x17480] =	vst v63  }
0x1e: {  	_ =	swait.ge [sflag:s9], $0x7D0  }
0x1f: {  	s15 =	simm.s32 $0x200;
	[sflag:s9] =	ssyncset.done $0x0  }
.LBB2_2:
0x20: {  	s16 =	sshra.s32 s15, $0x2  }
0x21: {  	[sflag:s9] =	ssyncadd.s32 $0xFFFFF830;
	s14 =	sadd.s32 $0x7D0, s14;
	p1 =	sne.s32 s15, $0x4E00  }
0x22: {  	[spmem:s1] =	stream.indirect.scatter.add.f32 [tilespmem:s14], [sflag:$0x1], $0x10, s16, s10, $0xb8;
	[tilespmem:$0x17480] =	vst v63  }
.Ltmp0:
0x23: {  	_ = 	snop;
	(pc) =	sbr.rel @p1 .LBB2_2-.Ltmp0, $4  }
0x24: {  	_ = 	snop  }
0x25: {  	s15 =	sadd.s32 $0x200, s15  }
0x26: {  	_ =	swait.ge [sflag:s9], $0x7D0  }
0x27: {  	[sflag:s9] =	ssyncset.done $0x0  }
0x28: {  	s13 =	sadd.s32 $0x1, s13  }
0x29: {  	[sflag:s9] =	ssyncadd.s32 $0xFFFFF830;
	p1 =	sne.s32 s13, s7  }
.Ltmp1:
0x2a: {  	[bflag:$0x0] =	sbarrier.arrive $0xFFFF;
	(pc) =	sbr.rel @p1 .LBB2_1-.Ltmp1, $4  }
0x2b: {  	[hbm:s6], [sflag:s11] =	dma.local [spmem:s12], $0x500  }
0x2c: {  	_ =	swait.ge [sflag:s9], $0x500  }
0x2d: {  	[sflag:s9] =	ssyncset.done $0x0  }
0x2e: {  	[sflag:s9] =	ssyncadd.s32 $0xFFFFFB00  }
0x2f: {  	_ =	sfence.sel $0x180000  }
0x30: {  	[bflag:$0x0] =	sbarrier.arrive $0xFFFF  }
0x31: {  	_ =	strace $0x90000050  }
0x32: {  	s0 =	sadd.s32 @!p0 $0x100000, s0;
	[bflag:$0x2] =	sbarrier.arrive $0xFFFF  }
0x33: {  	[sflag:s0] =	ssyncadd.tile.s32 @!p0 $0x1;
	_ =	shalt  }
.Lfunc_end2:
_tile_overlayer_lowered:
.L_overlay_start_2:
0x34: {  	(tag) =	ssettag $0x2  }
0x35: {  	s0 =	rddreg [dreg:$0x0];
	s2 =	stileid.u32  }
0x36: {  	s1 =	rddreg [dreg:$0x1];
	p0 =	sne.s32 s2, $0x0  }
0x37: {  	s3 =	rddreg [dreg:$0x2];
	[bflag:$0x3] =	sbarrier.arrive $0xFFFF;
	s2 =	simm.s32 @!p0 $0x1C01  }
0x38: {  	[timem:s3], [sflag:s2] =	dma.local @!p0 [hbm:s0], s1  }
0x39: {  	s0 =	simm.s32 @!p0 $0x1  }
0x3a: {  	_ =	swait.ge @!p0 [sflag:s0], s1  }
0x3b: {  	s1 =	ssub.s32 @!p0 $0x0, s1;
	[sflag:s0] =	ssyncset.done @!p0 $0x0  }
0x3c: {  	[sflag:s0] =	ssyncadd.s32 @!p0 s1  }
0x3d: {  	[bflag:$0x3] =	sbarrier.arrive $0xFFFF  }
0x3e: {  	_ =	shalt  }

// kernel: kernel.31.cloned.1.call-start
scs
__scs_entry_jumppad:
0x0: {  	(pc) =	sbr.rel $0x88, $3  }
0x1: {  	(tag) =	ssettag $0x0;
	lr =	simm.s32 $0x1  }
0x2: {  	[smem:$0x3F8E] =	sst lr;
	_ =	strace $0xD0000000  }
0x3: {  	_ = 	snop  }
0x4: {  	_ = 	snop  }
0x5: {  	_ = 	snop  }
0x6: {  	_ = 	snop  }
0x7: {  	_ = 	snop  }
__scs_overlays_trampoline_lowered:
0x8: {  	[smem:$0x3F9D] =	sst s0  }
0x9: {  	[smem:$0x3F9E] =	sst s1  }
0xa: {  	[smem:$0x3F9F] =	sst s2  }
0xb: {  	[smem:$0x3FA0] =	sst s3  }
0xc: {  	[smem:$0x3FA1] =	sst s4  }
0xd: {  	[smem:$0x3FA2] =	sst s5  }
0xe: {  	[smem:$0x3FA3] =	sst s6  }
0xf: {  	[smem:$0x3FA4] =	sst s7  }
0x10: {  	[smem:$0x3FA5] =	sst s8  }
0x11: {  	[smem:$0x3FA6] =	sst s9;
	s0 =	simm.s32 @!p0 $0x0  }
0x12: {  	s1 =	sld [smem:$0x3F8C];
	s0 =	simm.s32 @p0 $0x1  }
0x13: {  	[smem:$0x3FA7] =	sst s0;
	s0 =	simm.s32 @!p1 $0x0  }
0x14: {  	s2 =	sld [smem:$0x3F8B];
	s0 =	simm.s32 @p1 $0x1  }
0x15: {  	[smem:$0x3FA8] =	sst s0;
	s0 =	simm.s32 @!p2 $0x0  }
0x16: {  	s3 =	sld [smem:$0x3FDB];
	s0 =	simm.s32 @p2 $0x1  }
0x17: {  	s4 =	simm.s32 $0x1BF5;
	[smem:$0x3FAA] =	sst s0  }
0x18: {  	s0 =	sld [smem:$0x3F8D];
	_ =	swait.ge [sflag:s4], $0x0  }
0x19: {  	s7 =	sld [smem:$0x3F8E]  }
0x1a: {  	s8 =	sadd.s32 $0xFFFFE003, lr  }
0x1b: {  	s9 =	sadd.s32 $0xFFFFFEF7, lr;
	s5 =	simm.s32 $0xFFFFFFFF;
	p2 =	slt.u32 s8, $0xFFFFF086  }
0x1c: {  	p1 =	slt.u32 s9, $0xF7A;
	s5 =	simm.s32 @!p2 $0x0  }
0x1d: {  	s5 =	simm.s32 @p1 $0x1;
	p0 =	seq.s32 s7, s2  }
0x1e: {  	s7 =	smul.u32 @!p0 $0xF7A, s2;
	p2 =	seq.s32 @!p0 s5, $0x0  }
0x1f: {  	s9 =	smul.u32 $0xF7A, s1;
	s8 =	simm.s32 @!p0 $0x1BF5;
	p2 =	por !p2, p0  }
0x20: {  	[sflag:s8] =	ssyncset.s32 @!p0 $0xFFFFF086;
	s6 =	sadd.s32 @!p0 s3, s7;
	s7 =	simm.s32 @!p0 $0x108  }
0x21: {  	s3 =	sadd.s32 s3, s9;
	s6 =	sadd.s32 @!p0 $0x88, s6;
	s7 =	simm.s32 @p2 $0x1082  }
0x22: {  	[simem:s7], [sflag:s8] =	dma.local @!p0 [hbm:s6], $0xF7A  }
0x23: {  	s9 =	sor.u32 $0xD0000000, s2;
	s6 =	simm.s32 $0x108;
	_ =	swait.ge @!p0 [sflag:s8], $0x0  }
0x24: {  	s3 =	sadd.s32 $0x88, s3;
	s6 =	simm.s32 @!p1 $0x1082;
	[sflag:s4] =	ssyncset.s32 $0xFFFFF086  }
0x25: {  	[simem:s6], [sflag:s4] =	dma.local [hbm:s3], $0xF7A  }
0x26: {  	[smem:$0x3F8E] =	sst s1;
	(tag) =	ssettag s2;
	_ =	strace s9  }
0x27: {  	s1 =	sld [smem:$0x3F9E]  }
0x28: {  	s2 =	sld [smem:$0x3F9F]  }
0x29: {  	s4 =	sld [smem:$0x3FA1]  }
0x2a: {  	p0 =	seq.s32 s5, $0x0;
	s5 =	sld [smem:$0x3FA2]  }
0x2b: {  	s6 =	sld [smem:$0x3FA3]  }
0x2c: {  	s7 =	sld [smem:$0x3FA4]  }
0x2d: {  	s3 =	simm.s32 $0x108;
	s8 =	sld [smem:$0x3FA5]  }
0x2e: {  	s3 =	simm.s32 @!p0 $0x1082;
	s9 =	sld [smem:$0x3FA6]  }
0x2f: {  	lr =	sadd.s32 s0, s3;
	s0 =	sld [smem:$0x3F9D]  }
0x30: {  	s3 =	sld [smem:$0x3FA0]  }
0x31: {  	[smem:$0x3FA9] =	sst s10  }
0x32: {  	s10 =	sld [smem:$0x3FA7];
	_ =	sdelay $0x3  }
0x33: {  	p0 =	seq.s32 s10, $0x1;
	s10 =	sld [smem:$0x3FA9];
	_ =	sdelay $0x3  }
0x34: {  	[smem:$0x3FA9] =	sst s10  }
0x35: {  	s10 =	sld [smem:$0x3FA8];
	_ =	sdelay $0x3  }
0x36: {  	p1 =	seq.s32 s10, $0x1;
	s10 =	sld [smem:$0x3FA9];
	_ =	sdelay $0x3  }
0x37: {  	[smem:$0x3FA9] =	sst s10  }
0x38: {  	s10 =	sld [smem:$0x3FAA]  }
0x39: {  	_ = 	snop;
	(pc) =	sbr.ind lr, $3  }
0x3a: {  	_ = 	snop  }
0x3b: {  	_ = 	snop  }
0x3c: {  	p2 =	seq.s32 s10, $0x1;
	s10 =	sld [smem:$0x3FA9]  }
0x3d: {  	_ =	shalt  }
0x3e: {  	_ =	shalt  }
0x3f: {  	_ =	shalt  }
0x40: {  	_ =	shalt  }
0x41: {  	_ =	shalt  }
0x42: {  	_ =	shalt  }
0x43: {  	_ =	shalt  }
0x44: {  	_ =	shalt  }
0x45: {  	_ =	shalt  }
0x46: {  	_ =	shalt  }
0x47: {  	_ =	shalt  }
0x48: {  	_ =	shalt  }
0x49: {  	_ =	shalt  }
0x4a: {  	_ =	shalt  }
0x4b: {  	_ =	shalt  }
0x4c: {  	_ =	shalt  }
0x4d: {  	_ =	shalt  }
0x4e: {  	_ =	shalt  }
0x4f: {  	_ =	shalt  }
0x50: {  	_ =	shalt  }
0x51: {  	_ =	shalt  }
0x52: {  	_ =	shalt  }
0x53: {  	_ =	shalt  }
0x54: {  	_ =	shalt  }
0x55: {  	_ =	shalt  }
0x56: {  	_ =	shalt  }
0x57: {  	_ =	shalt  }
0x58: {  	_ =	shalt  }
0x59: {  	_ =	shalt  }
0x5a: {  	_ =	shalt  }
0x5b: {  	_ =	shalt  }
0x5c: {  	_ =	shalt  }
0x5d: {  	_ =	shalt  }
0x5e: {  	_ =	shalt  }
0x5f: {  	_ =	shalt  }
0x60: {  	_ =	shalt  }
0x61: {  	_ =	shalt  }
0x62: {  	_ =	shalt  }
0x63: {  	_ =	shalt  }
0x64: {  	_ =	shalt  }
0x65: {  	_ =	shalt  }
0x66: {  	_ =	shalt  }
0x67: {  	_ =	shalt  }
0x68: {  	_ =	shalt  }
0x69: {  	_ =	shalt  }
0x6a: {  	_ =	shalt  }
0x6b: {  	_ =	shalt  }
0x6c: {  	_ =	shalt  }
0x6d: {  	_ =	shalt  }
0x6e: {  	_ =	shalt  }
0x6f: {  	_ =	shalt  }
0x70: {  	_ =	shalt  }
0x71: {  	_ =	shalt  }
0x72: {  	_ =	shalt  }
0x73: {  	_ =	shalt  }
0x74: {  	_ =	shalt  }
0x75: {  	_ =	shalt  }
0x76: {  	_ =	shalt  }
0x77: {  	_ =	shalt  }
0x78: {  	_ =	shalt  }
0x79: {  	_ =	shalt  }
0x7a: {  	_ =	shalt  }
0x7b: {  	_ =	shalt  }
0x7c: {  	_ =	shalt  }
0x7d: {  	_ =	shalt  }
0x7e: {  	_ =	shalt  }
0x7f: {  	_ =	shalt  }
0x80: {  	_ =	shalt  }
0x81: {  	_ =	shalt  }
0x82: {  	_ =	shalt  }
0x83: {  	_ =	shalt  }
0x84: {  	_ =	shalt  }
0x85: {  	_ =	shalt  }
0x86: {  	_ =	shalt  }
0x87: {  	_ =	shalt  }
.Lfunc_end0:
.L_simem_size_0:
called_computation.4_lowered:
.L_overlay_start_0:
0x88: {  	s2 =	sld [smem:$0x3FD9]  }
0x89: {  	s3 =	sld [smem:$0x3FFE];
	_ =	sdelay $0x1  }
0x8a: {  	s1 =	srdreg.scid  }
0x8b: {  	s0 =	sand.u32 $0x1, s1  }
0x8c: {  	s16 =	sshll.u32 s0, $0xA;
	s2 =	sadd.s32 s3, s2  }
0x8d: {  	s2 =	sadd.s32 s2, s16  }
0x8e: {  	[smem:$0x3FB5] =	sst s2  }
0x8f: {  	_ = 	snop  }
0x90: {  	(tm) =	ssettm $0x1  }
0x91: {  	s17 =	sld [smem:$0x3FFB];
	_ =	sdelay $0x3  }
0x92: {  	_ =	strace s17  }
0x93: {  	s2 =	sld [smem:$0x3FFC];
	_ =	sdelay $0x3  }
0x94: {  	_ =	strace s2  }
0x95: {  	s2 =	sld [smem:$0x3FFD];
	_ =	sdelay $0x3  }
0x96: {  	_ =	strace s2  }
0x97: {  	_ =	strace $0x8FFFFFFF  }
0x98: {  	s18 =	sld [smem:$0x3FDB];
	_ =	sdelay $0x1  }
0x99: {  	s19 =	simm.s32 $_scs_section_size  }
0x9a: {  	s4 =	simm.s32 $_size__tile_overlayer_lowered;
	s5 =	simm.s32 $_tile_overlayer_lowered  }
0x9b: {  	s22 =	simm.s32 $0x1BFF;
	s21 =	sshll.u32 s5, $0x1;
	s2 =	sadd.s32 s19, s18  }
0x9c: {  	s6 =	simm.s32 $0x0;
	s20 =	sshll.u32 s4, $0x1;
	s4 =	sadd.s32 s21, s2  }
0x9d: {  	[timem:s6], [sflag:s22] =	dma.local [hbm:s4], s20  }
0x9e: {  	_ =	swait.ge [sflag:s22], s20  }
0x9f: {  	s3 =	ssub.s32 $0x0, s20;
	[sflag:s22] =	ssyncset.done $0x0  }
0xa0: {  	[sflag:s22] =	ssyncadd.s32 s3;
	_ =	sdelay $0x1  }
0xa1: {  	s23 =	simm.s32 $0x1B8B  }
0xa2: {  	_ =	swait.ge [sflag:s23], $0x1  }
0xa3: {  	[sflag:s23] =	ssyncset.done $0x0  }
0xa4: {  	s25 =	simm.s32 $0x1B8E;
	s24 =	sld [smem:$0x3FFE];
	[sflag:s23] =	ssyncadd.s32 $0xFFFFFFFF  }
0xa5: {  	s26 =	simm.s32 $execute0_lowered;
	[smem:$0x3FD2] =	sst s25  }
0xa6: {  	s4 =	sshll.u32 s26, $0x1;
	_ =	strace $0x80000052;
	[dreg:$0x1] =	wrdreg $0xFFFFFFFF  }
0xa7: {  	s28 =	simm.s32 $_size_execute0_lowered;
	s2 =	sadd.s32 s2, s4;
	[dreg:$0x0] =	wrdreg $0x0  }
0xa8: {  	s4 =	sshll.u32 s28, $0x1;
	[dreg:$0x2] =	wrdreg s2  }
0xa9: {  	[dreg:$0x3] =	wrdreg s4  }
0xaa: {  	[dreg:$0x4] =	wrdreg $0xC0  }
0xab: {  	_ =	task [dreg:s6], $0x5FFFF  }
0xac: {  	[dreg:$0x1] =	wrdreg $0xFFFFFFFF  }
0xad: {  	[dreg:$0x0] =	wrdreg $0x60  }
0xae: {  	[dreg:$0x2] =	wrdreg s24  }
0xaf: {  	[dreg:$0x3] =	wrdreg $0x14C800  }
0xb0: {  	[dreg:$0x4] =	wrdreg $0x9  }
0xb1: {  	_ =	task.clear_ibuf [dreg:s6], $0x5FFFF;
	_ =	strace $0x90000052  }
0xb2: {  	s29 =	simm.s32 $0x9;
	_ =	strace $0x80000054  }
0xb3: {  	_ =	swait.ge [sflag:s29], $0x1  }
0xb4: {  	[sflag:s29] =	ssyncadd.s32 $0xFFFFFFFF  }
0xb5: {  	_ =	strace $0x90000054  }
0xb6: {  	_ =	sfence  }
0xb7: {  	s30 =	sld [smem:$0x0];
	_ =	sdelay $0x2  }
0xb8: {  	s31 =	sshll.u32 s1, $0xD;
	s1 =	sshrl.u32 s1, $0x2  }
0xb9: {  	s3 =	sand.u32 $0x4000, s31;
	s1 =	sadd.s32 s1, s30  }
0xba: {  	s0 =	sor.u32 s3, s0;
	s1 =	sshll.u32 s1, $0x11  }
0xbb: {  	s0 =	sor.u32 s1, s0  }
0xbc: {  	s0 =	sadd.s32 $0x8F2B, s0  }
0xbd: {  	[sflag:s0] =	ssyncadd.remote.s32 $0x1  }
0xbe: {  	_ =	sfence.sel $0xFFFF  }
0xbf: {  	[dreg:$0x0] =	wrdreg $0xFFFFFFFF;
	(pc) =	sbr.abs _section_cstart, $3  }
0xc0: {  	[dreg:$0x1] =	wrdreg $0xFFFFFFFF  }
0xc1: {  	_ =	task.clear_ibuf [dreg:s6], $0x2FFFF;
	_ =	strace $0x9FFFFFFF  }
0xc2: {  	(tm) =	ssettm $0x7FFFFFFF  }
0xc3: {  	_ =	shalt  }
tec
execute0_lowered:
.L_overlay_start_1:
0x0: {  	(tag) =	ssettag $0x1  }
0x1: {  	s4 =	rddreg [dreg:$0x0];
	s0 =	srdreg.scid  }
0x2: {  	s7 =	stileid.u32;
	s1 =	rddreg [dreg:$0x1];
	s2 =	simm.s32 $0x0  }
0x3: {  	s10 =	simm.s32 $0x1;
	s11 =	simm.s32 $0x1400;
	s12 =	simm.s32 $0x0  }
0x4: {  	s3 =	sand.u32 $0x1, s0;
	s5 =	sshll.u32 s7, $0x1;
	s0 =	rddreg [dreg:$0x2]  }
0x5: {  	[smem:$0x7FF] =	sst s2;
	p0 =	sne.s32 s7, $0x0;
	s5 =	sor.u32 s3, s5  }
0x6: {  	_ =	strace $0x80000053;
	s8 =	ssub.s32 $0x2, s3;
	s6 =	smul.u32 $0x280, s5  }
0x7: {  	s3 =	sadd.s32 $0x13FA00, s4;
	s5 =	smul.u32 $0x2710, s5;
	s9 =	sshrl.u32 s8, $0x1  }
0x8: {  	s7 =	sshrl.u32 @!p0 s1, $0x3;
	s8 =	ssub.s32 s8, s9;
	s6 =	sadd.s32 s6, s4  }
0x9: {  	s9 =	simm.s32 $0x7D;
	s5 =	sadd.s32 s5, s4;
	s4 =	sadd.s32 $0x4F3200, s6  }
0xa: {  	s5 =	sadd.s32 $0x4F8200, s5;
	s6 =	smax.u32 s8, $0x1;
	s8 =	simm.s32 $0x2  }
.LBB2_1:
0xb: {  	s13 =	simm.s32 @!p0 $0x1C02  }
0xc: {  	[spmem:s7], [sflag:s13] =	dma.local @!p0 [hbm:s3], $0x5000  }
0xd: {  	s13 =	simm.s32 @!p0 $0x2  }
0xe: {  	_ =	swait.ge @!p0 [sflag:s13], $0x5000  }
0xf: {  	[sflag:s13] =	ssyncset.done @!p0 $0x0  }
0x10: {  	[sflag:s13] =	ssyncadd.s32 @!p0 $0xFFFFB000  }
0x11: {  	[tilespmem:s2], [sflag:$0x2] =	stream.linear.gather [hbm4b:s4+s2], $0x1400, $0x38;
	[tilespmem:$0x17480] =	vst v63  }
0x12: {  	_ =	swait.ge [sflag:s8], $0x1400  }
0x13: {  	[sflag:s8] =	ssyncset.done $0x0  }
0x14: {  	s16 =	simm.s32 $0x0;
	s14 =	simm.s32 $0x1BD0;
	[sflag:s8] =	ssyncadd.s32 $0xFFFFEC00  }
0x15: {  	s15 =	simm.s32 $0x1400;
	s13 =	simm.s32 $0x200;
	[bflag:$0x0] =	sbarrier.arrive $0xFFFF  }
.LBB2_2:
0x16: {  	[tilespmem:s15], [sflag:$0x1] =	stream.indirect.gather [spmem:s1], $0x10, s16, s9, $0xb8;
	[tilespmem:$0x17480] =	vst v63  }
0x17: {  	s16 =	smov.u32 s13;
	s15 =	smov.u32 s14;
	p1 =	sne.s32 s13, $0x4E00  }
.Ltmp0:
0x18: {  	s13 =	sadd.s32 $0x200, s13;
	(pc) =	sbr.rel @p1 .LBB2_2-.Ltmp0, $2  }
0x19: {  	_ =	sdelay $0x2  }
0x1a: {  	s14 =	sadd.s32 $0x7D0, s14;
	s16 =	sshra.s32 s16, $0x2  }
0x1b: {  	[tilespmem:s15], [sflag:$0x1] =	stream.indirect.gather [spmem:s1], $0x10, s16, s9, $0xb8;
	[tilespmem:$0x17480] =	vst v63  }
0x1c: {  	s12 =	sadd.s32 $0x1, s12;
	_ =	swait.ge [sflag:s10], $0x13880  }
0x1d: {  	p1 =	sne.s32 s12, s6;
	[sflag:s10] =	ssyncset.done $0x0  }
.Ltmp1:
0x1e: {  	[sflag:s10] =	ssyncadd.s32 $0xFFFEC780;
	(pc) =	sbr.rel @p1 .LBB2_1-.Ltmp1, $4  }
0x1f: {  	[hbm4b:s5+s2] =	stream.linear.scatter [tilespmem:s11], [sflag:$0x2], $0x13880, $0x38;
	[tilespmem:$0x17480] =	vst v63  }
0x20: {  	_ =	swait.ge [sflag:s8], $0x13880  }
0x21: {  	[sflag:s8] =	ssyncset.done $0x0  }
0x22: {  	[sflag:s8] =	ssyncadd.s32 $0xFFFEC780  }
0x23: {  	_ =	sfence.sel $0x180000  }
0x24: {  	[bflag:$0x0] =	sbarrier.arrive $0xFFFF  }
0x25: {  	_ =	strace $0x90000053  }
0x26: {  	s0 =	sadd.s32 @!p0 $0x100000, s0;
	[bflag:$0x2] =	sbarrier.arrive $0xFFFF  }
0x27: {  	[sflag:s0] =	ssyncadd.tile.s32 @!p0 $0x1;
	_ =	shalt  }
.Lfunc_end2:
_tile_overlayer_lowered:
.L_overlay_start_2:
0x28: {  	(tag) =	ssettag $0x2  }
0x29: {  	s0 =	rddreg [dreg:$0x0];
	s2 =	stileid.u32  }
0x2a: {  	s1 =	rddreg [dreg:$0x1];
	p0 =	sne.s32 s2, $0x0  }
0x2b: {  	s3 =	rddreg [dreg:$0x2];
	[bflag:$0x3] =	sbarrier.arrive $0xFFFF;
	s2 =	simm.s32 @!p0 $0x1C02  }
0x2c: {  	[timem:s3], [sflag:s2] =	dma.local @!p0 [hbm:s0], s1  }
0x2d: {  	s0 =	simm.s32 @!p0 $0x2  }
0x2e: {  	_ =	swait.ge @!p0 [sflag:s0], s1  }
0x2f: {  	s1 =	ssub.s32 @!p0 $0x0, s1;
	[sflag:s0] =	ssyncset.done @!p0 $0x0  }
0x30: {  	[sflag:s0] =	ssyncadd.s32 @!p0 s1  }
0x31: {  	[bflag:$0x3] =	sbarrier.arrive $0xFFFF  }
0x32: {  	_ =	shalt  }

// kernel: kernel.34.cloned.1.call-start
scs
__scs_entry_jumppad:
0x0: {  	(pc) =	sbr.rel $0x88, $3  }
0x1: {  	(tag) =	ssettag $0x0;
	lr =	simm.s32 $0x1  }
0x2: {  	[smem:$0x3F8E] =	sst lr;
	_ =	strace $0xD0000000  }
0x3: {  	_ = 	snop  }
0x4: {  	_ = 	snop  }
0x5: {  	_ = 	snop  }
0x6: {  	_ = 	snop  }
0x7: {  	_ = 	snop  }
__scs_overlays_trampoline_lowered:
0x8: {  	[smem:$0x3F9D] =	sst s0  }
0x9: {  	[smem:$0x3F9E] =	sst s1  }
0xa: {  	[smem:$0x3F9F] =	sst s2  }
0xb: {  	[smem:$0x3FA0] =	sst s3  }
0xc: {  	[smem:$0x3FA1] =	sst s4  }
0xd: {  	[smem:$0x3FA2] =	sst s5  }
0xe: {  	[smem:$0x3FA3] =	sst s6  }
0xf: {  	[smem:$0x3FA4] =	sst s7  }
0x10: {  	[smem:$0x3FA5] =	sst s8  }
0x11: {  	[smem:$0x3FA6] =	sst s9;
	s0 =	simm.s32 @!p0 $0x0  }
0x12: {  	s1 =	sld [smem:$0x3F8C];
	s0 =	simm.s32 @p0 $0x1  }
0x13: {  	[smem:$0x3FA7] =	sst s0;
	s0 =	simm.s32 @!p1 $0x0  }
0x14: {  	s2 =	sld [smem:$0x3F8B];
	s0 =	simm.s32 @p1 $0x1  }
0x15: {  	[smem:$0x3FA8] =	sst s0;
	s0 =	simm.s32 @!p2 $0x0  }
0x16: {  	s3 =	sld [smem:$0x3FDB];
	s0 =	simm.s32 @p2 $0x1  }
0x17: {  	s4 =	simm.s32 $0x1BF5;
	[smem:$0x3FAA] =	sst s0  }
0x18: {  	s0 =	sld [smem:$0x3F8D];
	_ =	swait.ge [sflag:s4], $0x0  }
0x19: {  	s7 =	sld [smem:$0x3F8E]  }
0x1a: {  	s8 =	sadd.s32 $0xFFFFE003, lr  }
0x1b: {  	s9 =	sadd.s32 $0xFFFFFEF7, lr;
	s5 =	simm.s32 $0xFFFFFFFF;
	p2 =	slt.u32 s8, $0xFFFFF086  }
0x1c: {  	p1 =	slt.u32 s9, $0xF7A;
	s5 =	simm.s32 @!p2 $0x0  }
0x1d: {  	s5 =	simm.s32 @p1 $0x1;
	p0 =	seq.s32 s7, s2  }
0x1e: {  	s7 =	smul.u32 @!p0 $0xF7A, s2;
	p2 =	seq.s32 @!p0 s5, $0x0  }
0x1f: {  	s9 =	smul.u32 $0xF7A, s1;
	s8 =	simm.s32 @!p0 $0x1BF5;
	p2 =	por !p2, p0  }
0x20: {  	[sflag:s8] =	ssyncset.s32 @!p0 $0xFFFFF086;
	s6 =	sadd.s32 @!p0 s3, s7;
	s7 =	simm.s32 @!p0 $0x108  }
0x21: {  	s3 =	sadd.s32 s3, s9;
	s6 =	sadd.s32 @!p0 $0x88, s6;
	s7 =	simm.s32 @p2 $0x1082  }
0x22: {  	[simem:s7], [sflag:s8] =	dma.local @!p0 [hbm:s6], $0xF7A  }
0x23: {  	s9 =	sor.u32 $0xD0000000, s2;
	s6 =	simm.s32 $0x108;
	_ =	swait.ge @!p0 [sflag:s8], $0x0  }
0x24: {  	s3 =	sadd.s32 $0x88, s3;
	s6 =	simm.s32 @!p1 $0x1082;
	[sflag:s4] =	ssyncset.s32 $0xFFFFF086  }
0x25: {  	[simem:s6], [sflag:s4] =	dma.local [hbm:s3], $0xF7A  }
0x26: {  	[smem:$0x3F8E] =	sst s1;
	(tag) =	ssettag s2;
	_ =	strace s9  }
0x27: {  	s1 =	sld [smem:$0x3F9E]  }
0x28: {  	s2 =	sld [smem:$0x3F9F]  }
0x29: {  	s4 =	sld [smem:$0x3FA1]  }
0x2a: {  	p0 =	seq.s32 s5, $0x0;
	s5 =	sld [smem:$0x3FA2]  }
0x2b: {  	s6 =	sld [smem:$0x3FA3]  }
0x2c: {  	s7 =	sld [smem:$0x3FA4]  }
0x2d: {  	s3 =	simm.s32 $0x108;
	s8 =	sld [smem:$0x3FA5]  }
0x2e: {  	s3 =	simm.s32 @!p0 $0x1082;
	s9 =	sld [smem:$0x3FA6]  }
0x2f: {  	lr =	sadd.s32 s0, s3;
	s0 =	sld [smem:$0x3F9D]  }
0x30: {  	s3 =	sld [smem:$0x3FA0]  }
0x31: {  	[smem:$0x3FA9] =	sst s10  }
0x32: {  	s10 =	sld [smem:$0x3FA7];
	_ =	sdelay $0x3  }
0x33: {  	p0 =	seq.s32 s10, $0x1;
	s10 =	sld [smem:$0x3FA9];
	_ =	sdelay $0x3  }
0x34: {  	[smem:$0x3FA9] =	sst s10  }
0x35: {  	s10 =	sld [smem:$0x3FA8];
	_ =	sdelay $0x3  }
0x36: {  	p1 =	seq.s32 s10, $0x1;
	s10 =	sld [smem:$0x3FA9];
	_ =	sdelay $0x3  }
0x37: {  	[smem:$0x3FA9] =	sst s10  }
0x38: {  	s10 =	sld [smem:$0x3FAA]  }
0x39: {  	_ = 	snop;
	(pc) =	sbr.ind lr, $3  }
0x3a: {  	_ = 	snop  }
0x3b: {  	_ = 	snop  }
0x3c: {  	p2 =	seq.s32 s10, $0x1;
	s10 =	sld [smem:$0x3FA9]  }
0x3d: {  	_ =	shalt  }
0x3e: {  	_ =	shalt  }
0x3f: {  	_ =	shalt  }
0x40: {  	_ =	shalt  }
0x41: {  	_ =	shalt  }
0x42: {  	_ =	shalt  }
0x43: {  	_ =	shalt  }
0x44: {  	_ =	shalt  }
0x45: {  	_ =	shalt  }
0x46: {  	_ =	shalt  }
0x47: {  	_ =	shalt  }
0x48: {  	_ =	shalt  }
0x49: {  	_ =	shalt  }
0x4a: {  	_ =	shalt  }
0x4b: {  	_ =	shalt  }
0x4c: {  	_ =	shalt  }
0x4d: {  	_ =	shalt  }
0x4e: {  	_ =	shalt  }
0x4f: {  	_ =	shalt  }
0x50: {  	_ =	shalt  }
0x51: {  	_ =	shalt  }
0x52: {  	_ =	shalt  }
0x53: {  	_ =	shalt  }
0x54: {  	_ =	shalt  }
0x55: {  	_ =	shalt  }
0x56: {  	_ =	shalt  }
0x57: {  	_ =	shalt  }
0x58: {  	_ =	shalt  }
0x59: {  	_ =	shalt  }
0x5a: {  	_ =	shalt  }
0x5b: {  	_ =	shalt  }
0x5c: {  	_ =	shalt  }
0x5d: {  	_ =	shalt  }
0x5e: {  	_ =	shalt  }
0x5f: {  	_ =	shalt  }
0x60: {  	_ =	shalt  }
0x61: {  	_ =	shalt  }
0x62: {  	_ =	shalt  }
0x63: {  	_ =	shalt  }
0x64: {  	_ =	shalt  }
0x65: {  	_ =	shalt  }
0x66: {  	_ =	shalt  }
0x67: {  	_ =	shalt  }
0x68: {  	_ =	shalt  }
0x69: {  	_ =	shalt  }
0x6a: {  	_ =	shalt  }
0x6b: {  	_ =	shalt  }
0x6c: {  	_ =	shalt  }
0x6d: {  	_ =	shalt  }
0x6e: {  	_ =	shalt  }
0x6f: {  	_ =	shalt  }
0x70: {  	_ =	shalt  }
0x71: {  	_ =	shalt  }
0x72: {  	_ =	shalt  }
0x73: {  	_ =	shalt  }
0x74: {  	_ =	shalt  }
0x75: {  	_ =	shalt  }
0x76: {  	_ =	shalt  }
0x77: {  	_ =	shalt  }
0x78: {  	_ =	shalt  }
0x79: {  	_ =	shalt  }
0x7a: {  	_ =	shalt  }
0x7b: {  	_ =	shalt  }
0x7c: {  	_ =	shalt  }
0x7d: {  	_ =	shalt  }
0x7e: {  	_ =	shalt  }
0x7f: {  	_ =	shalt  }
0x80: {  	_ =	shalt  }
0x81: {  	_ =	shalt  }
0x82: {  	_ =	shalt  }
0x83: {  	_ =	shalt  }
0x84: {  	_ =	shalt  }
0x85: {  	_ =	shalt  }
0x86: {  	_ =	shalt  }
0x87: {  	_ =	shalt  }
.Lfunc_end0:
.L_simem_size_0:
called_computation.5_lowered:
.L_overlay_start_0:
0x88: {  	s2 =	sld [smem:$0x3FD9]  }
0x89: {  	s3 =	sld [smem:$0x3FFE];
	_ =	sdelay $0x1  }
0x8a: {  	s1 =	srdreg.scid  }
0x8b: {  	s0 =	sand.u32 $0x1, s1  }
0x8c: {  	s16 =	sshll.u32 s0, $0xA;
	s2 =	sadd.s32 s3, s2  }
0x8d: {  	s2 =	sadd.s32 s2, s16  }
0x8e: {  	[smem:$0x3FB5] =	sst s2  }
0x8f: {  	_ = 	snop  }
0x90: {  	(tm) =	ssettm $0x1  }
0x91: {  	s17 =	sld [smem:$0x3FFB];
	_ =	sdelay $0x3  }
0x92: {  	_ =	strace s17  }
0x93: {  	s2 =	sld [smem:$0x3FFC];
	_ =	sdelay $0x3  }
0x94: {  	_ =	strace s2  }
0x95: {  	s2 =	sld [smem:$0x3FFD];
	_ =	sdelay $0x3  }
0x96: {  	_ =	strace s2  }
0x97: {  	_ =	strace $0x8FFFFFFF  }
0x98: {  	s18 =	sld [smem:$0x3FDB];
	_ =	sdelay $0x1  }
0x99: {  	s19 =	simm.s32 $_scs_section_size  }
0x9a: {  	s4 =	simm.s32 $_size__tile_overlayer_lowered;
	s5 =	simm.s32 $_tile_overlayer_lowered  }
0x9b: {  	s22 =	simm.s32 $0x1BFF;
	s21 =	sshll.u32 s5, $0x1;
	s2 =	sadd.s32 s19, s18  }
0x9c: {  	s6 =	simm.s32 $0x0;
	s20 =	sshll.u32 s4, $0x1;
	s4 =	sadd.s32 s21, s2  }
0x9d: {  	[timem:s6], [sflag:s22] =	dma.local [hbm:s4], s20  }
0x9e: {  	_ =	swait.ge [sflag:s22], s20  }
0x9f: {  	s3 =	ssub.s32 $0x0, s20;
	[sflag:s22] =	ssyncset.done $0x0  }
0xa0: {  	[sflag:s22] =	ssyncadd.s32 s3;
	_ =	sdelay $0x1  }
0xa1: {  	s23 =	simm.s32 $0x1B8B  }
0xa2: {  	_ =	swait.ge [sflag:s23], $0x1  }
0xa3: {  	[sflag:s23] =	ssyncset.done $0x0  }
0xa4: {  	s25 =	simm.s32 $0x1B8E;
	s24 =	sld [smem:$0x3FFE];
	[sflag:s23] =	ssyncadd.s32 $0xFFFFFFFF  }
0xa5: {  	s26 =	simm.s32 $execute0_lowered;
	[smem:$0x3FD2] =	sst s25  }
0xa6: {  	s4 =	sshll.u32 s26, $0x1;
	_ =	strace $0x80000055;
	[dreg:$0x1] =	wrdreg $0xFFFFFFFF  }
0xa7: {  	s28 =	simm.s32 $_size_execute0_lowered;
	s2 =	sadd.s32 s2, s4;
	[dreg:$0x0] =	wrdreg $0x0  }
0xa8: {  	s4 =	sshll.u32 s28, $0x1;
	[dreg:$0x2] =	wrdreg s2  }
0xa9: {  	[dreg:$0x3] =	wrdreg s4  }
0xaa: {  	[dreg:$0x4] =	wrdreg $0xC0  }
0xab: {  	_ =	task [dreg:s6], $0x5FFFF  }
0xac: {  	[dreg:$0x1] =	wrdreg $0xFFFFFFFF  }
0xad: {  	[dreg:$0x0] =	wrdreg $0x60  }
0xae: {  	[dreg:$0x2] =	wrdreg s24  }
0xaf: {  	[dreg:$0x3] =	wrdreg $0x14C800  }
0xb0: {  	[dreg:$0x4] =	wrdreg $0x9  }
0xb1: {  	_ =	task.clear_ibuf [dreg:s6], $0x5FFFF;
	_ =	strace $0x90000055  }
0xb2: {  	s29 =	simm.s32 $0x9;
	_ =	strace $0x80000057  }
0xb3: {  	_ =	swait.ge [sflag:s29], $0x1  }
0xb4: {  	[sflag:s29] =	ssyncadd.s32 $0xFFFFFFFF  }
0xb5: {  	_ =	strace $0x90000057  }
0xb6: {  	_ =	sfence  }
0xb7: {  	s30 =	sld [smem:$0x0];
	_ =	sdelay $0x2  }
0xb8: {  	s31 =	sshll.u32 s1, $0xD;
	s1 =	sshrl.u32 s1, $0x2  }
0xb9: {  	s3 =	sand.u32 $0x4000, s31;
	s1 =	sadd.s32 s1, s30  }
0xba: {  	s0 =	sor.u32 s3, s0;
	s1 =	sshll.u32 s1, $0x11  }
0xbb: {  	s0 =	sor.u32 s1, s0  }
0xbc: {  	s0 =	sadd.s32 $0x8F2B, s0  }
0xbd: {  	[sflag:s0] =	ssyncadd.remote.s32 $0x1  }
0xbe: {  	_ =	sfence.sel $0xFFFF  }
0xbf: {  	[dreg:$0x0] =	wrdreg $0xFFFFFFFF;
	(pc) =	sbr.abs _section_cstart, $3  }
0xc0: {  	[dreg:$0x1] =	wrdreg $0xFFFFFFFF  }
0xc1: {  	_ =	task.clear_ibuf [dreg:s6], $0x2FFFF;
	_ =	strace $0x9FFFFFFF  }
0xc2: {  	(tm) =	ssettm $0x7FFFFFFF  }
0xc3: {  	_ =	shalt  }
tec
execute0_lowered:
.L_overlay_start_1:
0x0: {  	(tag) =	ssettag $0x1  }
0x1: {  	s0 =	srdreg.scid;
	s4 =	rddreg [dreg:$0x0]  }
0x2: {  	s11 =	stileid.u32;
	s1 =	rddreg [dreg:$0x1]  }
0x3: {  	s2 =	simm.s32 $0x0;
	s13 =	simm.s32 $0x0;
	s3 =	sand.u32 $0x1, s0  }
0x4: {  	s31 =	sshll.u32 s11, $0x1;
	[smem:$0x7FF] =	sst s2;
	s8 =	smul.u32 $0x2800, s11  }
0x5: {  	p0 =	sne.s32 s11, $0x0;
	s0 =	sor.u32 s3, s31;
	s7 =	smul.u32 $0x28000, s3  }
0x6: {  	s11 =	sshll.u32 s11, $0x6;
	s9 =	ssub.s32 $0x2, s3;
	s5 =	smul.u32 $0x2710, s0  }
0x7: {  	s3 =	sadd.s32 $0x54B400, s4;
	s11 =	sor.u32 $0x1C01, s11;
	s6 =	smul.u32 $0x280, s0  }
0x8: {  	s0 =	rddreg [dreg:$0x2];
	_ =	strace $0x80000056;
	s10 =	sshrl.u32 s9, $0x1  }
0x9: {  	s12 =	sadd.s32 s8, s1;
	s7 =	sadd.s32 s8, s7;
	s9 =	ssub.s32 s9, s10  }
0xa: {  	s8 =	sshrl.u32 @!p0 s1, $0x3;
	s10 =	simm.s32 $0x7D;
	s12 =	sshrl.u32 s12, $0x3  }
0xb: {  	s5 =	sadd.s32 s5, s4;
	s6 =	sadd.s32 s6, s4;
	s7 =	sshrl.u32 s7, $0x3  }
0xc: {  	s7 =	sadd.s32 s7, s4;
	s4 =	sadd.s32 $0x546400, s6;
	s5 =	sadd.s32 $0x4F8200, s5  }
0xd: {  	s6 =	sadd.s32 $0x149C00, s7;
	s7 =	smax.u32 s9, $0x1;
	s9 =	simm.s32 $0x1  }
.LBB2_1:
0xe: {  	s14 =	simm.s32 @!p0 $0x1C01  }
0xf: {  	[spmem:s8], [sflag:s14] =	dma.local @!p0 [hbm:s3], $0x5000  }
0x10: {  	s14 =	simm.s32 @!p0 $0x1  }
0x11: {  	_ =	swait.ge @!p0 [sflag:s14], $0x5000  }
0x12: {  	[sflag:s14] =	ssyncset.done @!p0 $0x0  }
0x13: {  	[sflag:s14] =	ssyncadd.s32 @!p0 $0xFFFFB000  }
0x14: {  	[tilespmem:s2], [sflag:$0x1] =	stream.linear.gather [hbm4b:s4+s2], $0x1400, $0x38;
	[tilespmem:$0x17480] =	vst v63  }
0x15: {  	_ =	swait.ge [sflag:s9], $0x1400  }
0x16: {  	[sflag:s9] =	ssyncset.done $0x0  }
0x17: {  	s14 =	simm.s32 $0x1400;
	[sflag:s9] =	ssyncadd.s32 $0xFFFFEC00  }
0x18: {  	[tilespmem:s14], [sflag:$0x1] =	stream.linear.gather [hbm4b:s5+s2], $0x13880, $0x38;
	[tilespmem:$0x17480] =	vst v63  }
0x19: {  	_ =	swait.ge [sflag:s9], $0x13880  }
0x1a: {  	[sflag:s9] =	ssyncset.done $0x0  }
0x1b: {  	[sflag:s9] =	ssyncadd.s32 $0xFFFEC780  }
0x1c: {  	s15 =	simm.s32 $0x0;
	[bflag:$0x0] =	sbarrier.arrive $0xFFFF  }
0x1d: {  	[spmem:s1] =	stream.indirect.scatter.add.f32 [tilespmem:s14], [sflag:$0x1], $0x10, s15, s10, $0xb8;
	[tilespmem:$0x17480] =	vst v63  }
0x1e: {  	_ =	swait.ge [sflag:s9], $0x7D0  }
0x1f: {  	s15 =	simm.s32 $0x200;
	[sflag:s9] =	ssyncset.done $0x0  }
.LBB2_2:
0x20: {  	s16 =	sshra.s32 s15, $0x2  }
0x21: {  	[sflag:s9] =	ssyncadd.s32 $0xFFFFF830;
	s14 =	sadd.s32 $0x7D0, s14;
	p1 =	sne.s32 s15, $0x4E00  }
0x22: {  	[spmem:s1] =	stream.indirect.scatter.add.f32 [tilespmem:s14], [sflag:$0x1], $0x10, s16, s10, $0xb8;
	[tilespmem:$0x17480] =	vst v63  }
.Ltmp0:
0x23: {  	_ = 	snop;
	(pc) =	sbr.rel @p1 .LBB2_2-.Ltmp0, $4  }
0x24: {  	_ = 	snop  }
0x25: {  	s15 =	sadd.s32 $0x200, s15  }
0x26: {  	_ =	swait.ge [sflag:s9], $0x7D0  }
0x27: {  	[sflag:s9] =	ssyncset.done $0x0  }
0x28: {  	s13 =	sadd.s32 $0x1, s13  }
0x29: {  	[sflag:s9] =	ssyncadd.s32 $0xFFFFF830;
	p1 =	sne.s32 s13, s7  }
.Ltmp1:
0x2a: {  	[bflag:$0x0] =	sbarrier.arrive $0xFFFF;
	(pc) =	sbr.rel @p1 .LBB2_1-.Ltmp1, $4  }
0x2b: {  	[hbm:s6], [sflag:s11] =	dma.local [spmem:s12], $0x500  }
0x2c: {  	_ =	swait.ge [sflag:s9], $0x500  }
0x2d: {  	[sflag:s9] =	ssyncset.done $0x0  }
0x2e: {  	[sflag:s9] =	ssyncadd.s32 $0xFFFFFB00  }
0x2f: {  	_ =	sfence.sel $0x180000  }
0x30: {  	[bflag:$0x0] =	sbarrier.arrive $0xFFFF  }
0x31: {  	_ =	strace $0x90000056  }
0x32: {  	s0 =	sadd.s32 @!p0 $0x100000, s0;
	[bflag:$0x2] =	sbarrier.arrive $0xFFFF  }
0x33: {  	[sflag:s0] =	ssyncadd.tile.s32 @!p0 $0x1;
	_ =	shalt  }
.Lfunc_end2:
_tile_overlayer_lowered:
.L_overlay_start_2:
0x34: {  	(tag) =	ssettag $0x2  }
0x35: {  	s0 =	rddreg [dreg:$0x0];
	s2 =	stileid.u32  }
0x36: {  	s1 =	rddreg [dreg:$0x1];
	p0 =	sne.s32 s2, $0x0  }
0x37: {  	s3 =	rddreg [dreg:$0x2];
	[bflag:$0x3] =	sbarrier.arrive $0xFFFF;
	s2 =	simm.s32 @!p0 $0x1C01  }
0x38: {  	[timem:s3], [sflag:s2] =	dma.local @!p0 [hbm:s0], s1  }
0x39: {  	s0 =	simm.s32 @!p0 $0x1  }
0x3a: {  	_ =	swait.ge @!p0 [sflag:s0], s1  }
0x3b: {  	s1 =	ssub.s32 @!p0 $0x0, s1;
	[sflag:s0] =	ssyncset.done @!p0 $0x0  }
0x3c: {  	[sflag:s0] =	ssyncadd.s32 @!p0 s1  }
0x3d: {  	[bflag:$0x3] =	sbarrier.arrive $0xFFFF  }
0x3e: {  	_ =	shalt  }

// kernel: kernel.37.cloned.1.call-start
scs
__scs_entry_jumppad:
0x0: {  	(pc) =	sbr.rel $0x88, $3  }
0x1: {  	(tag) =	ssettag $0x0;
	lr =	simm.s32 $0x1  }
0x2: {  	[smem:$0x3F8E] =	sst lr;
	_ =	strace $0xD0000000  }
0x3: {  	_ = 	snop  }
0x4: {  	_ = 	snop  }
0x5: {  	_ = 	snop  }
0x6: {  	_ = 	snop  }
0x7: {  	_ = 	snop  }
__scs_overlays_trampoline_lowered:
0x8: {  	[smem:$0x3F9D] =	sst s0  }
0x9: {  	[smem:$0x3F9E] =	sst s1  }
0xa: {  	[smem:$0x3F9F] =	sst s2  }
0xb: {  	[smem:$0x3FA0] =	sst s3  }
0xc: {  	[smem:$0x3FA1] =	sst s4  }
0xd: {  	[smem:$0x3FA2] =	sst s5  }
0xe: {  	[smem:$0x3FA3] =	sst s6  }
0xf: {  	[smem:$0x3FA4] =	sst s7  }
0x10: {  	[smem:$0x3FA5] =	sst s8  }
0x11: {  	[smem:$0x3FA6] =	sst s9;
	s0 =	simm.s32 @!p0 $0x0  }
0x12: {  	s1 =	sld [smem:$0x3F8C];
	s0 =	simm.s32 @p0 $0x1  }
0x13: {  	[smem:$0x3FA7] =	sst s0;
	s0 =	simm.s32 @!p1 $0x0  }
0x14: {  	s2 =	sld [smem:$0x3F8B];
	s0 =	simm.s32 @p1 $0x1  }
0x15: {  	[smem:$0x3FA8] =	sst s0;
	s0 =	simm.s32 @!p2 $0x0  }
0x16: {  	s3 =	sld [smem:$0x3FDB];
	s0 =	simm.s32 @p2 $0x1  }
0x17: {  	s4 =	simm.s32 $0x1BF5;
	[smem:$0x3FAA] =	sst s0  }
0x18: {  	s0 =	sld [smem:$0x3F8D];
	_ =	swait.ge [sflag:s4], $0x0  }
0x19: {  	s7 =	sld [smem:$0x3F8E]  }
0x1a: {  	s8 =	sadd.s32 $0xFFFFE003, lr  }
0x1b: {  	s9 =	sadd.s32 $0xFFFFFEF7, lr;
	s5 =	simm.s32 $0xFFFFFFFF;
	p2 =	slt.u32 s8, $0xFFFFF086  }
0x1c: {  	p1 =	slt.u32 s9, $0xF7A;
	s5 =	simm.s32 @!p2 $0x0  }
0x1d: {  	s5 =	simm.s32 @p1 $0x1;
	p0 =	seq.s32 s7, s2  }
0x1e: {  	s7 =	smul.u32 @!p0 $0xF7A, s2;
	p2 =	seq.s32 @!p0 s5, $0x0  }
0x1f: {  	s9 =	smul.u32 $0xF7A, s1;
	s8 =	simm.s32 @!p0 $0x1BF5;
	p2 =	por !p2, p0  }
0x20: {  	[sflag:s8] =	ssyncset.s32 @!p0 $0xFFFFF086;
	s6 =	sadd.s32 @!p0 s3, s7;
	s7 =	simm.s32 @!p0 $0x108  }
0x21: {  	s3 =	sadd.s32 s3, s9;
	s6 =	sadd.s32 @!p0 $0x88, s6;
	s7 =	simm.s32 @p2 $0x1082  }
0x22: {  	[simem:s7], [sflag:s8] =	dma.local @!p0 [hbm:s6], $0xF7A  }
0x23: {  	s9 =	sor.u32 $0xD0000000, s2;
	s6 =	simm.s32 $0x108;
	_ =	swait.ge @!p0 [sflag:s8], $0x0  }
0x24: {  	s3 =	sadd.s32 $0x88, s3;
	s6 =	simm.s32 @!p1 $0x1082;
	[sflag:s4] =	ssyncset.s32 $0xFFFFF086  }
0x25: {  	[simem:s6], [sflag:s4] =	dma.local [hbm:s3], $0xF7A  }
0x26: {  	[smem:$0x3F8E] =	sst s1;
	(tag) =	ssettag s2;
	_ =	strace s9  }
0x27: {  	s1 =	sld [smem:$0x3F9E]  }
0x28: {  	s2 =	sld [smem:$0x3F9F]  }
0x29: {  	s4 =	sld [smem:$0x3FA1]  }
0x2a: {  	p0 =	seq.s32 s5, $0x0;
	s5 =	sld [smem:$0x3FA2]  }
0x2b: {  	s6 =	sld [smem:$0x3FA3]  }
0x2c: {  	s7 =	sld [smem:$0x3FA4]  }
0x2d: {  	s3 =	simm.s32 $0x108;
	s8 =	sld [smem:$0x3FA5]  }
0x2e: {  	s3 =	simm.s32 @!p0 $0x1082;
	s9 =	sld [smem:$0x3FA6]  }
0x2f: {  	lr =	sadd.s32 s0, s3;
	s0 =	sld [smem:$0x3F9D]  }
0x30: {  	s3 =	sld [smem:$0x3FA0]  }
0x31: {  	[smem:$0x3FA9] =	sst s10  }
0x32: {  	s10 =	sld [smem:$0x3FA7];
	_ =	sdelay $0x3  }
0x33: {  	p0 =	seq.s32 s10, $0x1;
	s10 =	sld [smem:$0x3FA9];
	_ =	sdelay $0x3  }
0x34: {  	[smem:$0x3FA9] =	sst s10  }
0x35: {  	s10 =	sld [smem:$0x3FA8];
	_ =	sdelay $0x3  }
0x36: {  	p1 =	seq.s32 s10, $0x1;
	s10 =	sld [smem:$0x3FA9];
	_ =	sdelay $0x3  }
0x37: {  	[smem:$0x3FA9] =	sst s10  }
0x38: {  	s10 =	sld [smem:$0x3FAA]  }
0x39: {  	_ = 	snop;
	(pc) =	sbr.ind lr, $3  }
0x3a: {  	_ = 	snop  }
0x3b: {  	_ = 	snop  }
0x3c: {  	p2 =	seq.s32 s10, $0x1;
	s10 =	sld [smem:$0x3FA9]  }
0x3d: {  	_ =	shalt  }
0x3e: {  	_ =	shalt  }
0x3f: {  	_ =	shalt  }
0x40: {  	_ =	shalt  }
0x41: {  	_ =	shalt  }
0x42: {  	_ =	shalt  }
0x43: {  	_ =	shalt  }
0x44: {  	_ =	shalt  }
0x45: {  	_ =	shalt  }
0x46: {  	_ =	shalt  }
0x47: {  	_ =	shalt  }
0x48: {  	_ =	shalt  }
0x49: {  	_ =	shalt  }
0x4a: {  	_ =	shalt  }
0x4b: {  	_ =	shalt  }
0x4c: {  	_ =	shalt  }
0x4d: {  	_ =	shalt  }
0x4e: {  	_ =	shalt  }
0x4f: {  	_ =	shalt  }
0x50: {  	_ =	shalt  }
0x51: {  	_ =	shalt  }
0x52: {  	_ =	shalt  }
0x53: {  	_ =	shalt  }
0x54: {  	_ =	shalt  }
0x55: {  	_ =	shalt  }
0x56: {  	_ =	shalt  }
0x57: {  	_ =	shalt  }
0x58: {  	_ =	shalt  }
0x59: {  	_ =	shalt  }
0x5a: {  	_ =	shalt  }
0x5b: {  	_ =	shalt  }
0x5c: {  	_ =	shalt  }
0x5d: {  	_ =	shalt  }
0x5e: {  	_ =	shalt  }
0x5f: {  	_ =	shalt  }
0x60: {  	_ =	shalt  }
0x61: {  	_ =	shalt  }
0x62: {  	_ =	shalt  }
0x63: {  	_ =	shalt  }
0x64: {  	_ =	shalt  }
0x65: {  	_ =	shalt  }
0x66: {  	_ =	shalt  }
0x67: {  	_ =	shalt  }
0x68: {  	_ =	shalt  }
0x69: {  	_ =	shalt  }
0x6a: {  	_ =	shalt  }
0x6b: {  	_ =	shalt  }
0x6c: {  	_ =	shalt  }
0x6d: {  	_ =	shalt  }
0x6e: {  	_ =	shalt  }
0x6f: {  	_ =	shalt  }
0x70: {  	_ =	shalt  }
0x71: {  	_ =	shalt  }
0x72: {  	_ =	shalt  }
0x73: {  	_ =	shalt  }
0x74: {  	_ =	shalt  }
0x75: {  	_ =	shalt  }
0x76: {  	_ =	shalt  }
0x77: {  	_ =	shalt  }
0x78: {  	_ =	shalt  }
0x79: {  	_ =	shalt  }
0x7a: {  	_ =	shalt  }
0x7b: {  	_ =	shalt  }
0x7c: {  	_ =	shalt  }
0x7d: {  	_ =	shalt  }
0x7e: {  	_ =	shalt  }
0x7f: {  	_ =	shalt  }
0x80: {  	_ =	shalt  }
0x81: {  	_ =	shalt  }
0x82: {  	_ =	shalt  }
0x83: {  	_ =	shalt  }
0x84: {  	_ =	shalt  }
0x85: {  	_ =	shalt  }
0x86: {  	_ =	shalt  }
0x87: {  	_ =	shalt  }
.Lfunc_end0:
.L_simem_size_0:
called_computation.6_lowered:
.L_overlay_start_0:
0x88: {  	s2 =	sld [smem:$0x3FD9]  }
0x89: {  	s3 =	sld [smem:$0x3FFE];
	_ =	sdelay $0x1  }
0x8a: {  	s1 =	srdreg.scid  }
0x8b: {  	s0 =	sand.u32 $0x1, s1  }
0x8c: {  	s16 =	sshll.u32 s0, $0xA;
	s2 =	sadd.s32 s3, s2  }
0x8d: {  	s2 =	sadd.s32 s2, s16  }
0x8e: {  	[smem:$0x3FB5] =	sst s2  }
0x8f: {  	_ = 	snop  }
0x90: {  	(tm) =	ssettm $0x1  }
0x91: {  	s17 =	sld [smem:$0x3FFB];
	_ =	sdelay $0x3  }
0x92: {  	_ =	strace s17  }
0x93: {  	s2 =	sld [smem:$0x3FFC];
	_ =	sdelay $0x3  }
0x94: {  	_ =	strace s2  }
0x95: {  	s2 =	sld [smem:$0x3FFD];
	_ =	sdelay $0x3  }
0x96: {  	_ =	strace s2  }
0x97: {  	_ =	strace $0x8FFFFFFF  }
0x98: {  	s18 =	sld [smem:$0x3FDB];
	_ =	sdelay $0x1  }
0x99: {  	s19 =	simm.s32 $_scs_section_size  }
0x9a: {  	s4 =	simm.s32 $_size__tile_overlayer_lowered;
	s5 =	simm.s32 $_tile_overlayer_lowered  }
0x9b: {  	s22 =	simm.s32 $0x1BFF;
	s21 =	sshll.u32 s5, $0x1;
	s2 =	sadd.s32 s19, s18  }
0x9c: {  	s6 =	simm.s32 $0x0;
	s20 =	sshll.u32 s4, $0x1;
	s4 =	sadd.s32 s21, s2  }
0x9d: {  	[timem:s6], [sflag:s22] =	dma.local [hbm:s4], s20  }
0x9e: {  	_ =	swait.ge [sflag:s22], s20  }
0x9f: {  	s3 =	ssub.s32 $0x0, s20;
	[sflag:s22] =	ssyncset.done $0x0  }
0xa0: {  	[sflag:s22] =	ssyncadd.s32 s3;
	_ =	sdelay $0x1  }
0xa1: {  	s23 =	simm.s32 $0x1B8B  }
0xa2: {  	_ =	swait.ge [sflag:s23], $0x1  }
0xa3: {  	[sflag:s23] =	ssyncset.done $0x0  }
0xa4: {  	s25 =	simm.s32 $0x1B8E;
	s24 =	sld [smem:$0x3FFE];
	[sflag:s23] =	ssyncadd.s32 $0xFFFFFFFF  }
0xa5: {  	s26 =	simm.s32 $execute0_lowered;
	[smem:$0x3FD2] =	sst s25  }
0xa6: {  	s4 =	sshll.u32 s26, $0x1;
	_ =	strace $0x80000058;
	[dreg:$0x1] =	wrdreg $0xFFFFFFFF  }
0xa7: {  	s28 =	simm.s32 $_size_execute0_lowered;
	s2 =	sadd.s32 s2, s4;
	[dreg:$0x0] =	wrdreg $0x0  }
0xa8: {  	s4 =	sshll.u32 s28, $0x1;
	[dreg:$0x2] =	wrdreg s2  }
0xa9: {  	[dreg:$0x3] =	wrdreg s4  }
0xaa: {  	[dreg:$0x4] =	wrdreg $0xC0  }
0xab: {  	_ =	task [dreg:s6], $0x5FFFF  }
0xac: {  	[dreg:$0x1] =	wrdreg $0xFFFFFFFF  }
0xad: {  	[dreg:$0x0] =	wrdreg $0x60  }
0xae: {  	[dreg:$0x2] =	wrdreg s24  }
0xaf: {  	[dreg:$0x3] =	wrdreg $0x14C800  }
0xb0: {  	[dreg:$0x4] =	wrdreg $0x9  }
0xb1: {  	_ =	task.clear_ibuf [dreg:s6], $0x5FFFF;
	_ =	strace $0x90000058  }
0xb2: {  	s29 =	simm.s32 $0x9;
	_ =	strace $0x8000005A  }
0xb3: {  	_ =	swait.ge [sflag:s29], $0x1  }
0xb4: {  	[sflag:s29] =	ssyncadd.s32 $0xFFFFFFFF  }
0xb5: {  	_ =	strace $0x9000005A  }
0xb6: {  	_ =	sfence  }
0xb7: {  	s30 =	sld [smem:$0x0];
	_ =	sdelay $0x2  }
0xb8: {  	s31 =	sshll.u32 s1, $0xD;
	s1 =	sshrl.u32 s1, $0x2  }
0xb9: {  	s3 =	sand.u32 $0x4000, s31;
	s1 =	sadd.s32 s1, s30  }
0xba: {  	s0 =	sor.u32 s3, s0;
	s1 =	sshll.u32 s1, $0x11  }
0xbb: {  	s0 =	sor.u32 s1, s0  }
0xbc: {  	s0 =	sadd.s32 $0x8F2B, s0  }
0xbd: {  	[sflag:s0] =	ssyncadd.remote.s32 $0x1  }
0xbe: {  	_ =	sfence.sel $0xFFFF  }
0xbf: {  	[dreg:$0x0] =	wrdreg $0xFFFFFFFF;
	(pc) =	sbr.abs _section_cstart, $3  }
0xc0: {  	[dreg:$0x1] =	wrdreg $0xFFFFFFFF  }
0xc1: {  	_ =	task.clear_ibuf [dreg:s6], $0x2FFFF;
	_ =	strace $0x9FFFFFFF  }
0xc2: {  	(tm) =	ssettm $0x7FFFFFFF  }
0xc3: {  	_ =	shalt  }
tec
execute0_lowered:
.L_overlay_start_1:
0x0: {  	(tag) =	ssettag $0x1  }
0x1: {  	s4 =	rddreg [dreg:$0x0];
	s0 =	srdreg.scid  }
0x2: {  	s7 =	stileid.u32;
	s1 =	rddreg [dreg:$0x1];
	s2 =	simm.s32 $0x0  }
0x3: {  	s10 =	simm.s32 $0x1;
	s11 =	simm.s32 $0x1400;
	s12 =	simm.s32 $0x0  }
0x4: {  	s3 =	sand.u32 $0x1, s0;
	s5 =	sshll.u32 s7, $0x1;
	s0 =	rddreg [dreg:$0x2]  }
0x5: {  	[smem:$0x7FF] =	sst s2;
	p0 =	sne.s32 s7, $0x0;
	s5 =	sor.u32 s3, s5  }
0x6: {  	_ =	strace $0x80000059;
	s8 =	ssub.s32 $0x2, s3;
	s6 =	smul.u32 $0x280, s5  }
0x7: {  	s3 =	sadd.s32 $0x13FA00, s4;
	s5 =	smul.u32 $0x2710, s5;
	s9 =	sshrl.u32 s8, $0x1  }
0x8: {  	s7 =	sshrl.u32 @!p0 s1, $0x3;
	s8 =	ssub.s32 s8, s9;
	s6 =	sadd.s32 s6, s4  }
0x9: {  	s9 =	simm.s32 $0x7D;
	s5 =	sadd.s32 s5, s4;
	s4 =	sadd.s32 $0x4F3200, s6  }
0xa: {  	s5 =	sadd.s32 $0x4F8200, s5;
	s6 =	smax.u32 s8, $0x1;
	s8 =	simm.s32 $0x2  }
.LBB2_1:
0xb: {  	s13 =	simm.s32 @!p0 $0x1C02  }
0xc: {  	[spmem:s7], [sflag:s13] =	dma.local @!p0 [hbm:s3], $0x5000  }
0xd: {  	s13 =	simm.s32 @!p0 $0x2  }
0xe: {  	_ =	swait.ge @!p0 [sflag:s13], $0x5000  }
0xf: {  	[sflag:s13] =	ssyncset.done @!p0 $0x0  }
0x10: {  	[sflag:s13] =	ssyncadd.s32 @!p0 $0xFFFFB000  }
0x11: {  	[tilespmem:s2], [sflag:$0x2] =	stream.linear.gather [hbm4b:s4+s2], $0x1400, $0x38;
	[tilespmem:$0x17480] =	vst v63  }
0x12: {  	_ =	swait.ge [sflag:s8], $0x1400  }
0x13: {  	[sflag:s8] =	ssyncset.done $0x0  }
0x14: {  	s16 =	simm.s32 $0x0;
	s14 =	simm.s32 $0x1BD0;
	[sflag:s8] =	ssyncadd.s32 $0xFFFFEC00  }
0x15: {  	s15 =	simm.s32 $0x1400;
	s13 =	simm.s32 $0x200;
	[bflag:$0x0] =	sbarrier.arrive $0xFFFF  }
.LBB2_2:
0x16: {  	[tilespmem:s15], [sflag:$0x1] =	stream.indirect.gather [spmem:s1], $0x10, s16, s9, $0xb8;
	[tilespmem:$0x17480] =	vst v63  }
0x17: {  	s16 =	smov.u32 s13;
	s15 =	smov.u32 s14;
	p1 =	sne.s32 s13, $0x4E00  }
.Ltmp0:
0x18: {  	s13 =	sadd.s32 $0x200, s13;
	(pc) =	sbr.rel @p1 .LBB2_2-.Ltmp0, $2  }
0x19: {  	_ =	sdelay $0x2  }
0x1a: {  	s14 =	sadd.s32 $0x7D0, s14;
	s16 =	sshra.s32 s16, $0x2  }
0x1b: {  	[tilespmem:s15], [sflag:$0x1] =	stream.indirect.gather [spmem:s1], $0x10, s16, s9, $0xb8;
	[tilespmem:$0x17480] =	vst v63  }
0x1c: {  	s12 =	sadd.s32 $0x1, s12;
	_ =	swait.ge [sflag:s10], $0x13880  }
0x1d: {  	p1 =	sne.s32 s12, s6;
	[sflag:s10] =	ssyncset.done $0x0  }
.Ltmp1:
0x1e: {  	[sflag:s10] =	ssyncadd.s32 $0xFFFEC780;
	(pc) =	sbr.rel @p1 .LBB2_1-.Ltmp1, $4  }
0x1f: {  	[hbm4b:s5+s2] =	stream.linear.scatter [tilespmem:s11], [sflag:$0x2], $0x13880, $0x38;
	[tilespmem:$0x17480] =	vst v63  }
0x20: {  	_ =	swait.ge [sflag:s8], $0x13880  }
0x21: {  	[sflag:s8] =	ssyncset.done $0x0  }
0x22: {  	[sflag:s8] =	ssyncadd.s32 $0xFFFEC780  }
0x23: {  	_ =	sfence.sel $0x180000  }
0x24: {  	[bflag:$0x0] =	sbarrier.arrive $0xFFFF  }
0x25: {  	_ =	strace $0x90000059  }
0x26: {  	s0 =	sadd.s32 @!p0 $0x100000, s0;
	[bflag:$0x2] =	sbarrier.arrive $0xFFFF  }
0x27: {  	[sflag:s0] =	ssyncadd.tile.s32 @!p0 $0x1;
	_ =	shalt  }
.Lfunc_end2:
_tile_overlayer_lowered:
.L_overlay_start_2:
0x28: {  	(tag) =	ssettag $0x2  }
0x29: {  	s0 =	rddreg [dreg:$0x0];
	s2 =	stileid.u32  }
0x2a: {  	s1 =	rddreg [dreg:$0x1];
	p0 =	sne.s32 s2, $0x0  }
0x2b: {  	s3 =	rddreg [dreg:$0x2];
	[bflag:$0x3] =	sbarrier.arrive $0xFFFF;
	s2 =	simm.s32 @!p0 $0x1C02  }
0x2c: {  	[timem:s3], [sflag:s2] =	dma.local @!p0 [hbm:s0], s1  }
0x2d: {  	s0 =	simm.s32 @!p0 $0x2  }
0x2e: {  	_ =	swait.ge @!p0 [sflag:s0], s1  }
0x2f: {  	s1 =	ssub.s32 @!p0 $0x0, s1;
	[sflag:s0] =	ssyncset.done @!p0 $0x0  }
0x30: {  	[sflag:s0] =	ssyncadd.s32 @!p0 s1  }
0x31: {  	[bflag:$0x3] =	sbarrier.arrive $0xFFFF  }
0x32: {  	_ =	shalt  }

// kernel: kernel.40.cloned.1.call-start
scs
__scs_entry_jumppad:
0x0: {  	(pc) =	sbr.rel $0x88, $3  }
0x1: {  	(tag) =	ssettag $0x0;
	lr =	simm.s32 $0x1  }
0x2: {  	[smem:$0x3F8E] =	sst lr;
	_ =	strace $0xD0000000  }
0x3: {  	_ = 	snop  }
0x4: {  	_ = 	snop  }
0x5: {  	_ = 	snop  }
0x6: {  	_ = 	snop  }
0x7: {  	_ = 	snop  }
__scs_overlays_trampoline_lowered:
0x8: {  	[smem:$0x3F9D] =	sst s0  }
0x9: {  	[smem:$0x3F9E] =	sst s1  }
0xa: {  	[smem:$0x3F9F] =	sst s2  }
0xb: {  	[smem:$0x3FA0] =	sst s3  }
0xc: {  	[smem:$0x3FA1] =	sst s4  }
0xd: {  	[smem:$0x3FA2] =	sst s5  }
0xe: {  	[smem:$0x3FA3] =	sst s6  }
0xf: {  	[smem:$0x3FA4] =	sst s7  }
0x10: {  	[smem:$0x3FA5] =	sst s8  }
0x11: {  	[smem:$0x3FA6] =	sst s9;
	s0 =	simm.s32 @!p0 $0x0  }
0x12: {  	s1 =	sld [smem:$0x3F8C];
	s0 =	simm.s32 @p0 $0x1  }
0x13: {  	[smem:$0x3FA7] =	sst s0;
	s0 =	simm.s32 @!p1 $0x0  }
0x14: {  	s2 =	sld [smem:$0x3F8B];
	s0 =	simm.s32 @p1 $0x1  }
0x15: {  	[smem:$0x3FA8] =	sst s0;
	s0 =	simm.s32 @!p2 $0x0  }
0x16: {  	s3 =	sld [smem:$0x3FDB];
	s0 =	simm.s32 @p2 $0x1  }
0x17: {  	s4 =	simm.s32 $0x1BF5;
	[smem:$0x3FAA] =	sst s0  }
0x18: {  	s0 =	sld [smem:$0x3F8D];
	_ =	swait.ge [sflag:s4], $0x0  }
0x19: {  	s7 =	sld [smem:$0x3F8E]  }
0x1a: {  	s8 =	sadd.s32 $0xFFFFE003, lr  }
0x1b: {  	s9 =	sadd.s32 $0xFFFFFEF7, lr;
	s5 =	simm.s32 $0xFFFFFFFF;
	p2 =	slt.u32 s8, $0xFFFFF086  }
0x1c: {  	p1 =	slt.u32 s9, $0xF7A;
	s5 =	simm.s32 @!p2 $0x0  }
0x1d: {  	s5 =	simm.s32 @p1 $0x1;
	p0 =	seq.s32 s7, s2  }
0x1e: {  	s7 =	smul.u32 @!p0 $0xF7A, s2;
	p2 =	seq.s32 @!p0 s5, $0x0  }
0x1f: {  	s9 =	smul.u32 $0xF7A, s1;
	s8 =	simm.s32 @!p0 $0x1BF5;
	p2 =	por !p2, p0  }
0x20: {  	[sflag:s8] =	ssyncset.s32 @!p0 $0xFFFFF086;
	s6 =	sadd.s32 @!p0 s3, s7;
	s7 =	simm.s32 @!p0 $0x108  }
0x21: {  	s3 =	sadd.s32 s3, s9;
	s6 =	sadd.s32 @!p0 $0x88, s6;
	s7 =	simm.s32 @p2 $0x1082  }
0x22: {  	[simem:s7], [sflag:s8] =	dma.local @!p0 [hbm:s6], $0xF7A  }
0x23: {  	s9 =	sor.u32 $0xD0000000, s2;
	s6 =	simm.s32 $0x108;
	_ =	swait.ge @!p0 [sflag:s8], $0x0  }
0x24: {  	s3 =	sadd.s32 $0x88, s3;
	s6 =	simm.s32 @!p1 $0x1082;
	[sflag:s4] =	ssyncset.s32 $0xFFFFF086  }
0x25: {  	[simem:s6], [sflag:s4] =	dma.local [hbm:s3], $0xF7A  }
0x26: {  	[smem:$0x3F8E] =	sst s1;
	(tag) =	ssettag s2;
	_ =	strace s9  }
0x27: {  	s1 =	sld [smem:$0x3F9E]  }
0x28: {  	s2 =	sld [smem:$0x3F9F]  }
0x29: {  	s4 =	sld [smem:$0x3FA1]  }
0x2a: {  	p0 =	seq.s32 s5, $0x0;
	s5 =	sld [smem:$0x3FA2]  }
0x2b: {  	s6 =	sld [smem:$0x3FA3]  }
0x2c: {  	s7 =	sld [smem:$0x3FA4]  }
0x2d: {  	s3 =	simm.s32 $0x108;
	s8 =	sld [smem:$0x3FA5]  }
0x2e: {  	s3 =	simm.s32 @!p0 $0x1082;
	s9 =	sld [smem:$0x3FA6]  }
0x2f: {  	lr =	sadd.s32 s0, s3;
	s0 =	sld [smem:$0x3F9D]  }
0x30: {  	s3 =	sld [smem:$0x3FA0]  }
0x31: {  	[smem:$0x3FA9] =	sst s10  }
0x32: {  	s10 =	sld [smem:$0x3FA7];
	_ =	sdelay $0x3  }
0x33: {  	p0 =	seq.s32 s10, $0x1;
	s10 =	sld [smem:$0x3FA9];
	_ =	sdelay $0x3  }
0x34: {  	[smem:$0x3FA9] =	sst s10  }
0x35: {  	s10 =	sld [smem:$0x3FA8];
	_ =	sdelay $0x3  }
0x36: {  	p1 =	seq.s32 s10, $0x1;
	s10 =	sld [smem:$0x3FA9];
	_ =	sdelay $0x3  }
0x37: {  	[smem:$0x3FA9] =	sst s10  }
0x38: {  	s10 =	sld [smem:$0x3FAA]  }
0x39: {  	_ = 	snop;
	(pc) =	sbr.ind lr, $3  }
0x3a: {  	_ = 	snop  }
0x3b: {  	_ = 	snop  }
0x3c: {  	p2 =	seq.s32 s10, $0x1;
	s10 =	sld [smem:$0x3FA9]  }
0x3d: {  	_ =	shalt  }
0x3e: {  	_ =	shalt  }
0x3f: {  	_ =	shalt  }
0x40: {  	_ =	shalt  }
0x41: {  	_ =	shalt  }
0x42: {  	_ =	shalt  }
0x43: {  	_ =	shalt  }
0x44: {  	_ =	shalt  }
0x45: {  	_ =	shalt  }
0x46: {  	_ =	shalt  }
0x47: {  	_ =	shalt  }
0x48: {  	_ =	shalt  }
0x49: {  	_ =	shalt  }
0x4a: {  	_ =	shalt  }
0x4b: {  	_ =	shalt  }
0x4c: {  	_ =	shalt  }
0x4d: {  	_ =	shalt  }
0x4e: {  	_ =	shalt  }
0x4f: {  	_ =	shalt  }
0x50: {  	_ =	shalt  }
0x51: {  	_ =	shalt  }
0x52: {  	_ =	shalt  }
0x53: {  	_ =	shalt  }
0x54: {  	_ =	shalt  }
0x55: {  	_ =	shalt  }
0x56: {  	_ =	shalt  }
0x57: {  	_ =	shalt  }
0x58: {  	_ =	shalt  }
0x59: {  	_ =	shalt  }
0x5a: {  	_ =	shalt  }
0x5b: {  	_ =	shalt  }
0x5c: {  	_ =	shalt  }
0x5d: {  	_ =	shalt  }
0x5e: {  	_ =	shalt  }
0x5f: {  	_ =	shalt  }
0x60: {  	_ =	shalt  }
0x61: {  	_ =	shalt  }
0x62: {  	_ =	shalt  }
0x63: {  	_ =	shalt  }
0x64: {  	_ =	shalt  }
0x65: {  	_ =	shalt  }
0x66: {  	_ =	shalt  }
0x67: {  	_ =	shalt  }
0x68: {  	_ =	shalt  }
0x69: {  	_ =	shalt  }
0x6a: {  	_ =	shalt  }
0x6b: {  	_ =	shalt  }
0x6c: {  	_ =	shalt  }
0x6d: {  	_ =	shalt  }
0x6e: {  	_ =	shalt  }
0x6f: {  	_ =	shalt  }
0x70: {  	_ =	shalt  }
0x71: {  	_ =	shalt  }
0x72: {  	_ =	shalt  }
0x73: {  	_ =	shalt  }
0x74: {  	_ =	shalt  }
0x75: {  	_ =	shalt  }
0x76: {  	_ =	shalt  }
0x77: {  	_ =	shalt  }
0x78: {  	_ =	shalt  }
0x79: {  	_ =	shalt  }
0x7a: {  	_ =	shalt  }
0x7b: {  	_ =	shalt  }
0x7c: {  	_ =	shalt  }
0x7d: {  	_ =	shalt  }
0x7e: {  	_ =	shalt  }
0x7f: {  	_ =	shalt  }
0x80: {  	_ =	shalt  }
0x81: {  	_ =	shalt  }
0x82: {  	_ =	shalt  }
0x83: {  	_ =	shalt  }
0x84: {  	_ =	shalt  }
0x85: {  	_ =	shalt  }
0x86: {  	_ =	shalt  }
0x87: {  	_ =	shalt  }
.Lfunc_end0:
.L_simem_size_0:
called_computation.7_lowered:
.L_overlay_start_0:
0x88: {  	s2 =	sld [smem:$0x3FD9]  }
0x89: {  	s3 =	sld [smem:$0x3FFE];
	_ =	sdelay $0x1  }
0x8a: {  	s1 =	srdreg.scid  }
0x8b: {  	s0 =	sand.u32 $0x1, s1  }
0x8c: {  	s16 =	sshll.u32 s0, $0xA;
	s2 =	sadd.s32 s3, s2  }
0x8d: {  	s2 =	sadd.s32 s2, s16  }
0x8e: {  	[smem:$0x3FB5] =	sst s2  }
0x8f: {  	_ = 	snop  }
0x90: {  	(tm) =	ssettm $0x1  }
0x91: {  	s17 =	sld [smem:$0x3FFB];
	_ =	sdelay $0x3  }
0x92: {  	_ =	strace s17  }
0x93: {  	s2 =	sld [smem:$0x3FFC];
	_ =	sdelay $0x3  }
0x94: {  	_ =	strace s2  }
0x95: {  	s2 =	sld [smem:$0x3FFD];
	_ =	sdelay $0x3  }
0x96: {  	_ =	strace s2  }
0x97: {  	_ =	strace $0x8FFFFFFF  }
0x98: {  	s18 =	sld [smem:$0x3FDB];
	_ =	sdelay $0x1  }
0x99: {  	s19 =	simm.s32 $_scs_section_size  }
0x9a: {  	s4 =	simm.s32 $_size__tile_overlayer_lowered;
	s5 =	simm.s32 $_tile_overlayer_lowered  }
0x9b: {  	s22 =	simm.s32 $0x1BFF;
	s21 =	sshll.u32 s5, $0x1;
	s2 =	sadd.s32 s19, s18  }
0x9c: {  	s6 =	simm.s32 $0x0;
	s20 =	sshll.u32 s4, $0x1;
	s4 =	sadd.s32 s21, s2  }
0x9d: {  	[timem:s6], [sflag:s22] =	dma.local [hbm:s4], s20  }
0x9e: {  	_ =	swait.ge [sflag:s22], s20  }
0x9f: {  	s3 =	ssub.s32 $0x0, s20;
	[sflag:s22] =	ssyncset.done $0x0  }
0xa0: {  	[sflag:s22] =	ssyncadd.s32 s3;
	_ =	sdelay $0x1  }
0xa1: {  	s23 =	simm.s32 $0x1B8B  }
0xa2: {  	_ =	swait.ge [sflag:s23], $0x1  }
0xa3: {  	[sflag:s23] =	ssyncset.done $0x0  }
0xa4: {  	s25 =	simm.s32 $0x1B8E;
	s24 =	sld [smem:$0x3FFE];
	[sflag:s23] =	ssyncadd.s32 $0xFFFFFFFF  }
0xa5: {  	s26 =	simm.s32 $execute0_lowered;
	[smem:$0x3FD2] =	sst s25  }
0xa6: {  	s4 =	sshll.u32 s26, $0x1;
	_ =	strace $0x8000005B;
	[dreg:$0x1] =	wrdreg $0xFFFFFFFF  }
0xa7: {  	s28 =	simm.s32 $_size_execute0_lowered;
	s2 =	sadd.s32 s2, s4;
	[dreg:$0x0] =	wrdreg $0x0  }
0xa8: {  	s4 =	sshll.u32 s28, $0x1;
	[dreg:$0x2] =	wrdreg s2  }
0xa9: {  	[dreg:$0x3] =	wrdreg s4  }
0xaa: {  	[dreg:$0x4] =	wrdreg $0xC0  }
0xab: {  	_ =	task [dreg:s6], $0x5FFFF  }
0xac: {  	[dreg:$0x1] =	wrdreg $0xFFFFFFFF  }
0xad: {  	[dreg:$0x0] =	wrdreg $0x60  }
0xae: {  	[dreg:$0x2] =	wrdreg s24  }
0xaf: {  	[dreg:$0x3] =	wrdreg $0x14C800  }
0xb0: {  	[dreg:$0x4] =	wrdreg $0x9  }
0xb1: {  	_ =	task.clear_ibuf [dreg:s6], $0x5FFFF;
	_ =	strace $0x9000005B  }
0xb2: {  	s29 =	simm.s32 $0x9;
	_ =	strace $0x8000005D  }
0xb3: {  	_ =	swait.ge [sflag:s29], $0x1  }
0xb4: {  	[sflag:s29] =	ssyncadd.s32 $0xFFFFFFFF  }
0xb5: {  	_ =	strace $0x9000005D  }
0xb6: {  	_ =	sfence  }
0xb7: {  	s30 =	sld [smem:$0x0];
	_ =	sdelay $0x2  }
0xb8: {  	s31 =	sshll.u32 s1, $0xD;
	s1 =	sshrl.u32 s1, $0x2  }
0xb9: {  	s3 =	sand.u32 $0x4000, s31;
	s1 =	sadd.s32 s1, s30  }
0xba: {  	s0 =	sor.u32 s3, s0;
	s1 =	sshll.u32 s1, $0x11  }
0xbb: {  	s0 =	sor.u32 s1, s0  }
0xbc: {  	s0 =	sadd.s32 $0x8F2B, s0  }
0xbd: {  	[sflag:s0] =	ssyncadd.remote.s32 $0x1  }
0xbe: {  	_ =	sfence.sel $0xFFFF  }
0xbf: {  	[dreg:$0x0] =	wrdreg $0xFFFFFFFF;
	(pc) =	sbr.abs _section_cstart, $3  }
0xc0: {  	[dreg:$0x1] =	wrdreg $0xFFFFFFFF  }
0xc1: {  	_ =	task.clear_ibuf [dreg:s6], $0x2FFFF;
	_ =	strace $0x9FFFFFFF  }
0xc2: {  	(tm) =	ssettm $0x7FFFFFFF  }
0xc3: {  	_ =	shalt  }
tec
execute0_lowered:
.L_overlay_start_1:
0x0: {  	(tag) =	ssettag $0x1  }
0x1: {  	s0 =	srdreg.scid;
	s4 =	rddreg [dreg:$0x0]  }
0x2: {  	s11 =	stileid.u32;
	s1 =	rddreg [dreg:$0x1]  }
0x3: {  	s2 =	simm.s32 $0x0;
	s13 =	simm.s32 $0x0;
	s3 =	sand.u32 $0x1, s0  }
0x4: {  	s31 =	sshll.u32 s11, $0x1;
	[smem:$0x7FF] =	sst s2;
	s8 =	smul.u32 $0x2800, s11  }
0x5: {  	p0 =	sne.s32 s11, $0x0;
	s0 =	sor.u32 s3, s31;
	s7 =	smul.u32 $0x28000, s3  }
0x6: {  	s11 =	sshll.u32 s11, $0x6;
	s9 =	ssub.s32 $0x2, s3;
	s5 =	smul.u32 $0x2710, s0  }
0x7: {  	s3 =	sadd.s32 $0x54B400, s4;
	s11 =	sor.u32 $0x1C01, s11;
	s6 =	smul.u32 $0x280, s0  }
0x8: {  	s0 =	rddreg [dreg:$0x2];
	_ =	strace $0x8000005C;
	s10 =	sshrl.u32 s9, $0x1  }
0x9: {  	s12 =	sadd.s32 s8, s1;
	s7 =	sadd.s32 s8, s7;
	s9 =	ssub.s32 s9, s10  }
0xa: {  	s8 =	sshrl.u32 @!p0 s1, $0x3;
	s10 =	simm.s32 $0x7D;
	s12 =	sshrl.u32 s12, $0x3  }
0xb: {  	s5 =	sadd.s32 s5, s4;
	s6 =	sadd.s32 s6, s4;
	s7 =	sshrl.u32 s7, $0x3  }
0xc: {  	s7 =	sadd.s32 s7, s4;
	s4 =	sadd.s32 $0x546400, s6;
	s5 =	sadd.s32 $0x4F8200, s5  }
0xd: {  	s6 =	sadd.s32 $0x149C00, s7;
	s7 =	smax.u32 s9, $0x1;
	s9 =	simm.s32 $0x1  }
.LBB2_1:
0xe: {  	s14 =	simm.s32 @!p0 $0x1C01  }
0xf: {  	[spmem:s8], [sflag:s14] =	dma.local @!p0 [hbm:s3], $0x5000  }
0x10: {  	s14 =	simm.s32 @!p0 $0x1  }
0x11: {  	_ =	swait.ge @!p0 [sflag:s14], $0x5000  }
0x12: {  	[sflag:s14] =	ssyncset.done @!p0 $0x0  }
0x13: {  	[sflag:s14] =	ssyncadd.s32 @!p0 $0xFFFFB000  }
0x14: {  	[tilespmem:s2], [sflag:$0x1] =	stream.linear.gather [hbm4b:s4+s2], $0x1400, $0x38;
	[tilespmem:$0x17480] =	vst v63  }
0x15: {  	_ =	swait.ge [sflag:s9], $0x1400  }
0x16: {  	[sflag:s9] =	ssyncset.done $0x0  }
0x17: {  	s14 =	simm.s32 $0x1400;
	[sflag:s9] =	ssyncadd.s32 $0xFFFFEC00  }
0x18: {  	[tilespmem:s14], [sflag:$0x1] =	stream.linear.gather [hbm4b:s5+s2], $0x13880, $0x38;
	[tilespmem:$0x17480] =	vst v63  }
0x19: {  	_ =	swait.ge [sflag:s9], $0x13880  }
0x1a: {  	[sflag:s9] =	ssyncset.done $0x0  }
0x1b: {  	[sflag:s9] =	ssyncadd.s32 $0xFFFEC780  }
0x1c: {  	s15 =	simm.s32 $0x0;
	[bflag:$0x0] =	sbarrier.arrive $0xFFFF  }
0x1d: {  	[spmem:s1] =	stream.indirect.scatter.add.f32 [tilespmem:s14], [sflag:$0x1], $0x10, s15, s10, $0xb8;
	[tilespmem:$0x17480] =	vst v63  }
0x1e: {  	_ =	swait.ge [sflag:s9], $0x7D0  }
0x1f: {  	s15 =	simm.s32 $0x200;
	[sflag:s9] =	ssyncset.done $0x0  }
.LBB2_2:
0x20: {  	s16 =	sshra.s32 s15, $0x2  }
0x21: {  	[sflag:s9] =	ssyncadd.s32 $0xFFFFF830;
	s14 =	sadd.s32 $0x7D0, s14;
	p1 =	sne.s32 s15, $0x4E00  }
0x22: {  	[spmem:s1] =	stream.indirect.scatter.add.f32 [tilespmem:s14], [sflag:$0x1], $0x10, s16, s10, $0xb8;
	[tilespmem:$0x17480] =	vst v63  }
.Ltmp0:
0x23: {  	_ = 	snop;
	(pc) =	sbr.rel @p1 .LBB2_2-.Ltmp0, $4  }
0x24: {  	_ = 	snop  }
0x25: {  	s15 =	sadd.s32 $0x200, s15  }
0x26: {  	_ =	swait.ge [sflag:s9], $0x7D0  }
0x27: {  	[sflag:s9] =	ssyncset.done $0x0  }
0x28: {  	s13 =	sadd.s32 $0x1, s13  }
0x29: {  	[sflag:s9] =	ssyncadd.s32 $0xFFFFF830;
	p1 =	sne.s32 s13, s7  }
.Ltmp1:
0x2a: {  	[bflag:$0x0] =	sbarrier.arrive $0xFFFF;
	(pc) =	sbr.rel @p1 .LBB2_1-.Ltmp1, $4  }
0x2b: {  	[hbm:s6], [sflag:s11] =	dma.local [spmem:s12], $0x500  }
0x2c: {  	_ =	swait.ge [sflag:s9], $0x500  }
0x2d: {  	[sflag:s9] =	ssyncset.done $0x0  }
0x2e: {  	[sflag:s9] =	ssyncadd.s32 $0xFFFFFB00  }
0x2f: {  	_ =	sfence.sel $0x180000  }
0x30: {  	[bflag:$0x0] =	sbarrier.arrive $0xFFFF  }
0x31: {  	_ =	strace $0x9000005C  }
0x32: {  	s0 =	sadd.s32 @!p0 $0x100000, s0;
	[bflag:$0x2] =	sbarrier.arrive $0xFFFF  }
0x33: {  	[sflag:s0] =	ssyncadd.tile.s32 @!p0 $0x1;
	_ =	shalt  }
.Lfunc_end2:
_tile_overlayer_lowered:
.L_overlay_start_2:
0x34: {  	(tag) =	ssettag $0x2  }
0x35: {  	s0 =	rddreg [dreg:$0x0];
	s2 =	stileid.u32  }
0x36: {  	s1 =	rddreg [dreg:$0x1];
	p0 =	sne.s32 s2, $0x0  }
0x37: {  	s3 =	rddreg [dreg:$0x2];
	[bflag:$0x3] =	sbarrier.arrive $0xFFFF;
	s2 =	simm.s32 @!p0 $0x1C01  }
0x38: {  	[timem:s3], [sflag:s2] =	dma.local @!p0 [hbm:s0], s1  }
0x39: {  	s0 =	simm.s32 @!p0 $0x1  }
0x3a: {  	_ =	swait.ge @!p0 [sflag:s0], s1  }
0x3b: {  	s1 =	ssub.s32 @!p0 $0x0, s1;
	[sflag:s0] =	ssyncset.done @!p0 $0x0  }
0x3c: {  	[sflag:s0] =	ssyncadd.s32 @!p0 s1  }
0x3d: {  	[bflag:$0x3] =	sbarrier.arrive $0xFFFF  }
0x3e: {  	_ =	shalt  }

// kernel: kernel.43.cloned.1.call-start
scs
__scs_entry_jumppad:
0x0: {  	(pc) =	sbr.rel $0x88, $3  }
0x1: {  	(tag) =	ssettag $0x0;
	lr =	simm.s32 $0x1  }
0x2: {  	[smem:$0x3F8E] =	sst lr;
	_ =	strace $0xD0000000  }
0x3: {  	_ = 	snop  }
0x4: {  	_ = 	snop  }
0x5: {  	_ = 	snop  }
0x6: {  	_ = 	snop  }
0x7: {  	_ = 	snop  }
__scs_overlays_trampoline_lowered:
0x8: {  	[smem:$0x3F9D] =	sst s0  }
0x9: {  	[smem:$0x3F9E] =	sst s1  }
0xa: {  	[smem:$0x3F9F] =	sst s2  }
0xb: {  	[smem:$0x3FA0] =	sst s3  }
0xc: {  	[smem:$0x3FA1] =	sst s4  }
0xd: {  	[smem:$0x3FA2] =	sst s5  }
0xe: {  	[smem:$0x3FA3] =	sst s6  }
0xf: {  	[smem:$0x3FA4] =	sst s7  }
0x10: {  	[smem:$0x3FA5] =	sst s8  }
0x11: {  	[smem:$0x3FA6] =	sst s9;
	s0 =	simm.s32 @!p0 $0x0  }
0x12: {  	s1 =	sld [smem:$0x3F8C];
	s0 =	simm.s32 @p0 $0x1  }
0x13: {  	[smem:$0x3FA7] =	sst s0;
	s0 =	simm.s32 @!p1 $0x0  }
0x14: {  	s2 =	sld [smem:$0x3F8B];
	s0 =	simm.s32 @p1 $0x1  }
0x15: {  	[smem:$0x3FA8] =	sst s0;
	s0 =	simm.s32 @!p2 $0x0  }
0x16: {  	s3 =	sld [smem:$0x3FDB];
	s0 =	simm.s32 @p2 $0x1  }
0x17: {  	s4 =	simm.s32 $0x1BF5;
	[smem:$0x3FAA] =	sst s0  }
0x18: {  	s0 =	sld [smem:$0x3F8D];
	_ =	swait.ge [sflag:s4], $0x0  }
0x19: {  	s7 =	sld [smem:$0x3F8E]  }
0x1a: {  	s8 =	sadd.s32 $0xFFFFE003, lr  }
0x1b: {  	s9 =	sadd.s32 $0xFFFFFEF7, lr;
	s5 =	simm.s32 $0xFFFFFFFF;
	p2 =	slt.u32 s8, $0xFFFFF086  }
0x1c: {  	p1 =	slt.u32 s9, $0xF7A;
	s5 =	simm.s32 @!p2 $0x0  }
0x1d: {  	s5 =	simm.s32 @p1 $0x1;
	p0 =	seq.s32 s7, s2  }
0x1e: {  	s7 =	smul.u32 @!p0 $0xF7A, s2;
	p2 =	seq.s32 @!p0 s5, $0x0  }
0x1f: {  	s9 =	smul.u32 $0xF7A, s1;
	s8 =	simm.s32 @!p0 $0x1BF5;
	p2 =	por !p2, p0  }
0x20: {  	[sflag:s8] =	ssyncset.s32 @!p0 $0xFFFFF086;
	s6 =	sadd.s32 @!p0 s3, s7;
	s7 =	simm.s32 @!p0 $0x108  }
0x21: {  	s3 =	sadd.s32 s3, s9;
	s6 =	sadd.s32 @!p0 $0x88, s6;
	s7 =	simm.s32 @p2 $0x1082  }
0x22: {  	[simem:s7], [sflag:s8] =	dma.local @!p0 [hbm:s6], $0xF7A  }
0x23: {  	s9 =	sor.u32 $0xD0000000, s2;
	s6 =	simm.s32 $0x108;
	_ =	swait.ge @!p0 [sflag:s8], $0x0  }
0x24: {  	s3 =	sadd.s32 $0x88, s3;
	s6 =	simm.s32 @!p1 $0x1082;
	[sflag:s4] =	ssyncset.s32 $0xFFFFF086  }
0x25: {  	[simem:s6], [sflag:s4] =	dma.local [hbm:s3], $0xF7A  }
0x26: {  	[smem:$0x3F8E] =	sst s1;
	(tag) =	ssettag s2;
	_ =	strace s9  }
0x27: {  	s1 =	sld [smem:$0x3F9E]  }
0x28: {  	s2 =	sld [smem:$0x3F9F]  }
0x29: {  	s4 =	sld [smem:$0x3FA1]  }
0x2a: {  	p0 =	seq.s32 s5, $0x0;
	s5 =	sld [smem:$0x3FA2]  }
0x2b: {  	s6 =	sld [smem:$0x3FA3]  }
0x2c: {  	s7 =	sld [smem:$0x3FA4]  }
0x2d: {  	s3 =	simm.s32 $0x108;
	s8 =	sld [smem:$0x3FA5]  }
0x2e: {  	s3 =	simm.s32 @!p0 $0x1082;
	s9 =	sld [smem:$0x3FA6]  }
0x2f: {  	lr =	sadd.s32 s0, s3;
	s0 =	sld [smem:$0x3F9D]  }
0x30: {  	s3 =	sld [smem:$0x3FA0]  }
0x31: {  	[smem:$0x3FA9] =	sst s10  }
0x32: {  	s10 =	sld [smem:$0x3FA7];
	_ =	sdelay $0x3  }
0x33: {  	p0 =	seq.s32 s10, $0x1;
	s10 =	sld [smem:$0x3FA9];
	_ =	sdelay $0x3  }
0x34: {  	[smem:$0x3FA9] =	sst s10  }
0x35: {  	s10 =	sld [smem:$0x3FA8];
	_ =	sdelay $0x3  }
0x36: {  	p1 =	seq.s32 s10, $0x1;
	s10 =	sld [smem:$0x3FA9];
	_ =	sdelay $0x3  }
0x37: {  	[smem:$0x3FA9] =	sst s10  }
0x38: {  	s10 =	sld [smem:$0x3FAA]  }
0x39: {  	_ = 	snop;
	(pc) =	sbr.ind lr, $3  }
0x3a: {  	_ = 	snop  }
0x3b: {  	_ = 	snop  }
0x3c: {  	p2 =	seq.s32 s10, $0x1;
	s10 =	sld [smem:$0x3FA9]  }
0x3d: {  	_ =	shalt  }
0x3e: {  	_ =	shalt  }
0x3f: {  	_ =	shalt  }
0x40: {  	_ =	shalt  }
0x41: {  	_ =	shalt  }
0x42: {  	_ =	shalt  }
0x43: {  	_ =	shalt  }
0x44: {  	_ =	shalt  }
0x45: {  	_ =	shalt  }
0x46: {  	_ =	shalt  }
0x47: {  	_ =	shalt  }
0x48: {  	_ =	shalt  }
0x49: {  	_ =	shalt  }
0x4a: {  	_ =	shalt  }
0x4b: {  	_ =	shalt  }
0x4c: {  	_ =	shalt  }
0x4d: {  	_ =	shalt  }
0x4e: {  	_ =	shalt  }
0x4f: {  	_ =	shalt  }
0x50: {  	_ =	shalt  }
0x51: {  	_ =	shalt  }
0x52: {  	_ =	shalt  }
0x53: {  	_ =	shalt  }
0x54: {  	_ =	shalt  }
0x55: {  	_ =	shalt  }
0x56: {  	_ =	shalt  }
0x57: {  	_ =	shalt  }
0x58: {  	_ =	shalt  }
0x59: {  	_ =	shalt  }
0x5a: {  	_ =	shalt  }
0x5b: {  	_ =	shalt  }
0x5c: {  	_ =	shalt  }
0x5d: {  	_ =	shalt  }
0x5e: {  	_ =	shalt  }
0x5f: {  	_ =	shalt  }
0x60: {  	_ =	shalt  }
0x61: {  	_ =	shalt  }
0x62: {  	_ =	shalt  }
0x63: {  	_ =	shalt  }
0x64: {  	_ =	shalt  }
0x65: {  	_ =	shalt  }
0x66: {  	_ =	shalt  }
0x67: {  	_ =	shalt  }
0x68: {  	_ =	shalt  }
0x69: {  	_ =	shalt  }
0x6a: {  	_ =	shalt  }
0x6b: {  	_ =	shalt  }
0x6c: {  	_ =	shalt  }
0x6d: {  	_ =	shalt  }
0x6e: {  	_ =	shalt  }
0x6f: {  	_ =	shalt  }
0x70: {  	_ =	shalt  }
0x71: {  	_ =	shalt  }
0x72: {  	_ =	shalt  }
0x73: {  	_ =	shalt  }
0x74: {  	_ =	shalt  }
0x75: {  	_ =	shalt  }
0x76: {  	_ =	shalt  }
0x77: {  	_ =	shalt  }
0x78: {  	_ =	shalt  }
0x79: {  	_ =	shalt  }
0x7a: {  	_ =	shalt  }
0x7b: {  	_ =	shalt  }
0x7c: {  	_ =	shalt  }
0x7d: {  	_ =	shalt  }
0x7e: {  	_ =	shalt  }
0x7f: {  	_ =	shalt  }
0x80: {  	_ =	shalt  }
0x81: {  	_ =	shalt  }
0x82: {  	_ =	shalt  }
0x83: {  	_ =	shalt  }
0x84: {  	_ =	shalt  }
0x85: {  	_ =	shalt  }
0x86: {  	_ =	shalt  }
0x87: {  	_ =	shalt  }
.Lfunc_end0:
.L_simem_size_0:
called_computation.8_lowered:
.L_overlay_start_0:
0x88: {  	s2 =	sld [smem:$0x3FD9]  }
0x89: {  	s3 =	sld [smem:$0x3FFE];
	_ =	sdelay $0x1  }
0x8a: {  	s1 =	srdreg.scid  }
0x8b: {  	s0 =	sand.u32 $0x1, s1  }
0x8c: {  	s16 =	sshll.u32 s0, $0xA;
	s2 =	sadd.s32 s3, s2  }
0x8d: {  	s2 =	sadd.s32 s2, s16  }
0x8e: {  	[smem:$0x3FB5] =	sst s2  }
0x8f: {  	_ = 	snop  }
0x90: {  	(tm) =	ssettm $0x1  }
0x91: {  	s17 =	sld [smem:$0x3FFB];
	_ =	sdelay $0x3  }
0x92: {  	_ =	strace s17  }
0x93: {  	s2 =	sld [smem:$0x3FFC];
	_ =	sdelay $0x3  }
0x94: {  	_ =	strace s2  }
0x95: {  	s2 =	sld [smem:$0x3FFD];
	_ =	sdelay $0x3  }
0x96: {  	_ =	strace s2  }
0x97: {  	_ =	strace $0x8FFFFFFF  }
0x98: {  	s18 =	sld [smem:$0x3FDB];
	_ =	sdelay $0x1  }
0x99: {  	s19 =	simm.s32 $_scs_section_size  }
0x9a: {  	s4 =	simm.s32 $_size__tile_overlayer_lowered;
	s5 =	simm.s32 $_tile_overlayer_lowered  }
0x9b: {  	s22 =	simm.s32 $0x1BFF;
	s21 =	sshll.u32 s5, $0x1;
	s2 =	sadd.s32 s19, s18  }
0x9c: {  	s6 =	simm.s32 $0x0;
	s20 =	sshll.u32 s4, $0x1;
	s4 =	sadd.s32 s21, s2  }
0x9d: {  	[timem:s6], [sflag:s22] =	dma.local [hbm:s4], s20  }
0x9e: {  	_ =	swait.ge [sflag:s22], s20  }
0x9f: {  	s3 =	ssub.s32 $0x0, s20;
	[sflag:s22] =	ssyncset.done $0x0  }
0xa0: {  	[sflag:s22] =	ssyncadd.s32 s3;
	_ =	sdelay $0x1  }
0xa1: {  	s23 =	simm.s32 $0x1B8B  }
0xa2: {  	_ =	swait.ge [sflag:s23], $0x1  }
0xa3: {  	[sflag:s23] =	ssyncset.done $0x0  }
0xa4: {  	s25 =	simm.s32 $0x1B8E;
	s24 =	sld [smem:$0x3FFE];
	[sflag:s23] =	ssyncadd.s32 $0xFFFFFFFF  }
0xa5: {  	s26 =	simm.s32 $execute0_lowered;
	[smem:$0x3FD2] =	sst s25  }
0xa6: {  	s4 =	sshll.u32 s26, $0x1;
	_ =	strace $0x8000005E;
	[dreg:$0x1] =	wrdreg $0xFFFFFFFF  }
0xa7: {  	s28 =	simm.s32 $_size_execute0_lowered;
	s2 =	sadd.s32 s2, s4;
	[dreg:$0x0] =	wrdreg $0x0  }
0xa8: {  	s4 =	sshll.u32 s28, $0x1;
	[dreg:$0x2] =	wrdreg s2  }
0xa9: {  	[dreg:$0x3] =	wrdreg s4  }
0xaa: {  	[dreg:$0x4] =	wrdreg $0xC0  }
0xab: {  	_ =	task [dreg:s6], $0x5FFFF  }
0xac: {  	[dreg:$0x1] =	wrdreg $0xFFFFFFFF  }
0xad: {  	[dreg:$0x0] =	wrdreg $0x60  }
0xae: {  	[dreg:$0x2] =	wrdreg s24  }
0xaf: {  	[dreg:$0x3] =	wrdreg $0x14C800  }
0xb0: {  	[dreg:$0x4] =	wrdreg $0x9  }
0xb1: {  	_ =	task.clear_ibuf [dreg:s6], $0x5FFFF;
	_ =	strace $0x9000005E  }
0xb2: {  	s29 =	simm.s32 $0x9;
	_ =	strace $0x80000060  }
0xb3: {  	_ =	swait.ge [sflag:s29], $0x1  }
0xb4: {  	[sflag:s29] =	ssyncadd.s32 $0xFFFFFFFF  }
0xb5: {  	_ =	strace $0x90000060  }
0xb6: {  	_ =	sfence  }
0xb7: {  	s30 =	sld [smem:$0x0];
	_ =	sdelay $0x2  }
0xb8: {  	s31 =	sshll.u32 s1, $0xD;
	s1 =	sshrl.u32 s1, $0x2  }
0xb9: {  	s3 =	sand.u32 $0x4000, s31;
	s1 =	sadd.s32 s1, s30  }
0xba: {  	s0 =	sor.u32 s3, s0;
	s1 =	sshll.u32 s1, $0x11  }
0xbb: {  	s0 =	sor.u32 s1, s0  }
0xbc: {  	s0 =	sadd.s32 $0x8F2B, s0  }
0xbd: {  	[sflag:s0] =	ssyncadd.remote.s32 $0x1  }
0xbe: {  	_ =	sfence.sel $0xFFFF  }
0xbf: {  	[dreg:$0x0] =	wrdreg $0xFFFFFFFF;
	(pc) =	sbr.abs _section_cstart, $3  }
0xc0: {  	[dreg:$0x1] =	wrdreg $0xFFFFFFFF  }
0xc1: {  	_ =	task.clear_ibuf [dreg:s6], $0x2FFFF;
	_ =	strace $0x9FFFFFFF  }
0xc2: {  	(tm) =	ssettm $0x7FFFFFFF  }
0xc3: {  	_ =	shalt  }
tec
execute0_lowered:
.L_overlay_start_1:
0x0: {  	(tag) =	ssettag $0x1  }
0x1: {  	s4 =	rddreg [dreg:$0x0];
	s0 =	srdreg.scid  }
0x2: {  	s7 =	stileid.u32;
	s1 =	rddreg [dreg:$0x1];
	s2 =	simm.s32 $0x0  }
0x3: {  	s10 =	simm.s32 $0x1;
	s11 =	simm.s32 $0x1400;
	s12 =	simm.s32 $0x0  }
0x4: {  	s3 =	sand.u32 $0x1, s0;
	s5 =	sshll.u32 s7, $0x1;
	s0 =	rddreg [dreg:$0x2]  }
0x5: {  	[smem:$0x7FF] =	sst s2;
	p0 =	sne.s32 s7, $0x0;
	s5 =	sor.u32 s3, s5  }
0x6: {  	_ =	strace $0x8000005F;
	s8 =	ssub.s32 $0x2, s3;
	s6 =	smul.u32 $0x280, s5  }
0x7: {  	s3 =	sadd.s32 $0x13FA00, s4;
	s5 =	smul.u32 $0x2710, s5;
	s9 =	sshrl.u32 s8, $0x1  }
0x8: {  	s7 =	sshrl.u32 @!p0 s1, $0x3;
	s8 =	ssub.s32 s8, s9;
	s6 =	sadd.s32 s6, s4  }
0x9: {  	s9 =	simm.s32 $0x7D;
	s5 =	sadd.s32 s5, s4;
	s4 =	sadd.s32 $0x4F3200, s6  }
0xa: {  	s5 =	sadd.s32 $0x4F8200, s5;
	s6 =	smax.u32 s8, $0x1;
	s8 =	simm.s32 $0x2  }
.LBB2_1:
0xb: {  	s13 =	simm.s32 @!p0 $0x1C02  }
0xc: {  	[spmem:s7], [sflag:s13] =	dma.local @!p0 [hbm:s3], $0x5000  }
0xd: {  	s13 =	simm.s32 @!p0 $0x2  }
0xe: {  	_ =	swait.ge @!p0 [sflag:s13], $0x5000  }
0xf: {  	[sflag:s13] =	ssyncset.done @!p0 $0x0  }
0x10: {  	[sflag:s13] =	ssyncadd.s32 @!p0 $0xFFFFB000  }
0x11: {  	[tilespmem:s2], [sflag:$0x2] =	stream.linear.gather [hbm4b:s4+s2], $0x1400, $0x38;
	[tilespmem:$0x17480] =	vst v63  }
0x12: {  	_ =	swait.ge [sflag:s8], $0x1400  }
0x13: {  	[sflag:s8] =	ssyncset.done $0x0  }
0x14: {  	s16 =	simm.s32 $0x0;
	s14 =	simm.s32 $0x1BD0;
	[sflag:s8] =	ssyncadd.s32 $0xFFFFEC00  }
0x15: {  	s15 =	simm.s32 $0x1400;
	s13 =	simm.s32 $0x200;
	[bflag:$0x0] =	sbarrier.arrive $0xFFFF  }
.LBB2_2:
0x16: {  	[tilespmem:s15], [sflag:$0x1] =	stream.indirect.gather [spmem:s1], $0x10, s16, s9, $0xb8;
	[tilespmem:$0x17480] =	vst v63  }
0x17: {  	s16 =	smov.u32 s13;
	s15 =	smov.u32 s14;
	p1 =	sne.s32 s13, $0x4E00  }
.Ltmp0:
0x18: {  	s13 =	sadd.s32 $0x200, s13;
	(pc) =	sbr.rel @p1 .LBB2_2-.Ltmp0, $2  }
0x19: {  	_ =	sdelay $0x2  }
0x1a: {  	s14 =	sadd.s32 $0x7D0, s14;
	s16 =	sshra.s32 s16, $0x2  }
0x1b: {  	[tilespmem:s15], [sflag:$0x1] =	stream.indirect.gather [spmem:s1], $0x10, s16, s9, $0xb8;
	[tilespmem:$0x17480] =	vst v63  }
0x1c: {  	s12 =	sadd.s32 $0x1, s12;
	_ =	swait.ge [sflag:s10], $0x13880  }
0x1d: {  	p1 =	sne.s32 s12, s6;
	[sflag:s10] =	ssyncset.done $0x0  }
.Ltmp1:
0x1e: {  	[sflag:s10] =	ssyncadd.s32 $0xFFFEC780;
	(pc) =	sbr.rel @p1 .LBB2_1-.Ltmp1, $4  }
0x1f: {  	[hbm4b:s5+s2] =	stream.linear.scatter [tilespmem:s11], [sflag:$0x2], $0x13880, $0x38;
	[tilespmem:$0x17480] =	vst v63  }
0x20: {  	_ =	swait.ge [sflag:s8], $0x13880  }
0x21: {  	[sflag:s8] =	ssyncset.done $0x0  }
0x22: {  	[sflag:s8] =	ssyncadd.s32 $0xFFFEC780  }
0x23: {  	_ =	sfence.sel $0x180000  }
0x24: {  	[bflag:$0x0] =	sbarrier.arrive $0xFFFF  }
0x25: {  	_ =	strace $0x9000005F  }
0x26: {  	s0 =	sadd.s32 @!p0 $0x100000, s0;
	[bflag:$0x2] =	sbarrier.arrive $0xFFFF  }
0x27: {  	[sflag:s0] =	ssyncadd.tile.s32 @!p0 $0x1;
	_ =	shalt  }
.Lfunc_end2:
_tile_overlayer_lowered:
.L_overlay_start_2:
0x28: {  	(tag) =	ssettag $0x2  }
0x29: {  	s0 =	rddreg [dreg:$0x0];
	s2 =	stileid.u32  }
0x2a: {  	s1 =	rddreg [dreg:$0x1];
	p0 =	sne.s32 s2, $0x0  }
0x2b: {  	s3 =	rddreg [dreg:$0x2];
	[bflag:$0x3] =	sbarrier.arrive $0xFFFF;
	s2 =	simm.s32 @!p0 $0x1C02  }
0x2c: {  	[timem:s3], [sflag:s2] =	dma.local @!p0 [hbm:s0], s1  }
0x2d: {  	s0 =	simm.s32 @!p0 $0x2  }
0x2e: {  	_ =	swait.ge @!p0 [sflag:s0], s1  }
0x2f: {  	s1 =	ssub.s32 @!p0 $0x0, s1;
	[sflag:s0] =	ssyncset.done @!p0 $0x0  }
0x30: {  	[sflag:s0] =	ssyncadd.s32 @!p0 s1  }
0x31: {  	[bflag:$0x3] =	sbarrier.arrive $0xFFFF  }
0x32: {  	_ =	shalt  }

// kernel: kernel.46.cloned.1.call-start
scs
__scs_entry_jumppad:
0x0: {  	(pc) =	sbr.rel $0x88, $3  }
0x1: {  	(tag) =	ssettag $0x0;
	lr =	simm.s32 $0x1  }
0x2: {  	[smem:$0x3F8E] =	sst lr;
	_ =	strace $0xD0000000  }
0x3: {  	_ = 	snop  }
0x4: {  	_ = 	snop  }
0x5: {  	_ = 	snop  }
0x6: {  	_ = 	snop  }
0x7: {  	_ = 	snop  }
__scs_overlays_trampoline_lowered:
0x8: {  	[smem:$0x3F9D] =	sst s0  }
0x9: {  	[smem:$0x3F9E] =	sst s1  }
0xa: {  	[smem:$0x3F9F] =	sst s2  }
0xb: {  	[smem:$0x3FA0] =	sst s3  }
0xc: {  	[smem:$0x3FA1] =	sst s4  }
0xd: {  	[smem:$0x3FA2] =	sst s5  }
0xe: {  	[smem:$0x3FA3] =	sst s6  }
0xf: {  	[smem:$0x3FA4] =	sst s7  }
0x10: {  	[smem:$0x3FA5] =	sst s8  }
0x11: {  	[smem:$0x3FA6] =	sst s9;
	s0 =	simm.s32 @!p0 $0x0  }
0x12: {  	s1 =	sld [smem:$0x3F8C];
	s0 =	simm.s32 @p0 $0x1  }
0x13: {  	[smem:$0x3FA7] =	sst s0;
	s0 =	simm.s32 @!p1 $0x0  }
0x14: {  	s2 =	sld [smem:$0x3F8B];
	s0 =	simm.s32 @p1 $0x1  }
0x15: {  	[smem:$0x3FA8] =	sst s0;
	s0 =	simm.s32 @!p2 $0x0  }
0x16: {  	s3 =	sld [smem:$0x3FDB];
	s0 =	simm.s32 @p2 $0x1  }
0x17: {  	s4 =	simm.s32 $0x1BF5;
	[smem:$0x3FAA] =	sst s0  }
0x18: {  	s0 =	sld [smem:$0x3F8D];
	_ =	swait.ge [sflag:s4], $0x0  }
0x19: {  	s7 =	sld [smem:$0x3F8E]  }
0x1a: {  	s8 =	sadd.s32 $0xFFFFE003, lr  }
0x1b: {  	s9 =	sadd.s32 $0xFFFFFEF7, lr;
	s5 =	simm.s32 $0xFFFFFFFF;
	p2 =	slt.u32 s8, $0xFFFFF086  }
0x1c: {  	p1 =	slt.u32 s9, $0xF7A;
	s5 =	simm.s32 @!p2 $0x0  }
0x1d: {  	s5 =	simm.s32 @p1 $0x1;
	p0 =	seq.s32 s7, s2  }
0x1e: {  	s7 =	smul.u32 @!p0 $0xF7A, s2;
	p2 =	seq.s32 @!p0 s5, $0x0  }
0x1f: {  	s9 =	smul.u32 $0xF7A, s1;
	s8 =	simm.s32 @!p0 $0x1BF5;
	p2 =	por !p2, p0  }
0x20: {  	[sflag:s8] =	ssyncset.s32 @!p0 $0xFFFFF086;
	s6 =	sadd.s32 @!p0 s3, s7;
	s7 =	simm.s32 @!p0 $0x108  }
0x21: {  	s3 =	sadd.s32 s3, s9;
	s6 =	sadd.s32 @!p0 $0x88, s6;
	s7 =	simm.s32 @p2 $0x1082  }
0x22: {  	[simem:s7], [sflag:s8] =	dma.local @!p0 [hbm:s6], $0xF7A  }
0x23: {  	s9 =	sor.u32 $0xD0000000, s2;
	s6 =	simm.s32 $0x108;
	_ =	swait.ge @!p0 [sflag:s8], $0x0  }
0x24: {  	s3 =	sadd.s32 $0x88, s3;
	s6 =	simm.s32 @!p1 $0x1082;
	[sflag:s4] =	ssyncset.s32 $0xFFFFF086  }
0x25: {  	[simem:s6], [sflag:s4] =	dma.local [hbm:s3], $0xF7A  }
0x26: {  	[smem:$0x3F8E] =	sst s1;
	(tag) =	ssettag s2;
	_ =	strace s9  }
0x27: {  	s1 =	sld [smem:$0x3F9E]  }
0x28: {  	s2 =	sld [smem:$0x3F9F]  }
0x29: {  	s4 =	sld [smem:$0x3FA1]  }
0x2a: {  	p0 =	seq.s32 s5, $0x0;
	s5 =	sld [smem:$0x3FA2]  }
0x2b: {  	s6 =	sld [smem:$0x3FA3]  }
0x2c: {  	s7 =	sld [smem:$0x3FA4]  }
0x2d: {  	s3 =	simm.s32 $0x108;
	s8 =	sld [smem:$0x3FA5]  }
0x2e: {  	s3 =	simm.s32 @!p0 $0x1082;
	s9 =	sld [smem:$0x3FA6]  }
0x2f: {  	lr =	sadd.s32 s0, s3;
	s0 =	sld [smem:$0x3F9D]  }
0x30: {  	s3 =	sld [smem:$0x3FA0]  }
0x31: {  	[smem:$0x3FA9] =	sst s10  }
0x32: {  	s10 =	sld [smem:$0x3FA7];
	_ =	sdelay $0x3  }
0x33: {  	p0 =	seq.s32 s10, $0x1;
	s10 =	sld [smem:$0x3FA9];
	_ =	sdelay $0x3  }
0x34: {  	[smem:$0x3FA9] =	sst s10  }
0x35: {  	s10 =	sld [smem:$0x3FA8];
	_ =	sdelay $0x3  }
0x36: {  	p1 =	seq.s32 s10, $0x1;
	s10 =	sld [smem:$0x3FA9];
	_ =	sdelay $0x3  }
0x37: {  	[smem:$0x3FA9] =	sst s10  }
0x38: {  	s10 =	sld [smem:$0x3FAA]  }
0x39: {  	_ = 	snop;
	(pc) =	sbr.ind lr, $3  }
0x3a: {  	_ = 	snop  }
0x3b: {  	_ = 	snop  }
0x3c: {  	p2 =	seq.s32 s10, $0x1;
	s10 =	sld [smem:$0x3FA9]  }
0x3d: {  	_ =	shalt  }
0x3e: {  	_ =	shalt  }
0x3f: {  	_ =	shalt  }
0x40: {  	_ =	shalt  }
0x41: {  	_ =	shalt  }
0x42: {  	_ =	shalt  }
0x43: {  	_ =	shalt  }
0x44: {  	_ =	shalt  }
0x45: {  	_ =	shalt  }
0x46: {  	_ =	shalt  }
0x47: {  	_ =	shalt  }
0x48: {  	_ =	shalt  }
0x49: {  	_ =	shalt  }
0x4a: {  	_ =	shalt  }
0x4b: {  	_ =	shalt  }
0x4c: {  	_ =	shalt  }
0x4d: {  	_ =	shalt  }
0x4e: {  	_ =	shalt  }
0x4f: {  	_ =	shalt  }
0x50: {  	_ =	shalt  }
0x51: {  	_ =	shalt  }
0x52: {  	_ =	shalt  }
0x53: {  	_ =	shalt  }
0x54: {  	_ =	shalt  }
0x55: {  	_ =	shalt  }
0x56: {  	_ =	shalt  }
0x57: {  	_ =	shalt  }
0x58: {  	_ =	shalt  }
0x59: {  	_ =	shalt  }
0x5a: {  	_ =	shalt  }
0x5b: {  	_ =	shalt  }
0x5c: {  	_ =	shalt  }
0x5d: {  	_ =	shalt  }
0x5e: {  	_ =	shalt  }
0x5f: {  	_ =	shalt  }
0x60: {  	_ =	shalt  }
0x61: {  	_ =	shalt  }
0x62: {  	_ =	shalt  }
0x63: {  	_ =	shalt  }
0x64: {  	_ =	shalt  }
0x65: {  	_ =	shalt  }
0x66: {  	_ =	shalt  }
0x67: {  	_ =	shalt  }
0x68: {  	_ =	shalt  }
0x69: {  	_ =	shalt  }
0x6a: {  	_ =	shalt  }
0x6b: {  	_ =	shalt  }
0x6c: {  	_ =	shalt  }
0x6d: {  	_ =	shalt  }
0x6e: {  	_ =	shalt  }
0x6f: {  	_ =	shalt  }
0x70: {  	_ =	shalt  }
0x71: {  	_ =	shalt  }
0x72: {  	_ =	shalt  }
0x73: {  	_ =	shalt  }
0x74: {  	_ =	shalt  }
0x75: {  	_ =	shalt  }
0x76: {  	_ =	shalt  }
0x77: {  	_ =	shalt  }
0x78: {  	_ =	shalt  }
0x79: {  	_ =	shalt  }
0x7a: {  	_ =	shalt  }
0x7b: {  	_ =	shalt  }
0x7c: {  	_ =	shalt  }
0x7d: {  	_ =	shalt  }
0x7e: {  	_ =	shalt  }
0x7f: {  	_ =	shalt  }
0x80: {  	_ =	shalt  }
0x81: {  	_ =	shalt  }
0x82: {  	_ =	shalt  }
0x83: {  	_ =	shalt  }
0x84: {  	_ =	shalt  }
0x85: {  	_ =	shalt  }
0x86: {  	_ =	shalt  }
0x87: {  	_ =	shalt  }
.Lfunc_end0:
.L_simem_size_0:
called_computation.9_lowered:
.L_overlay_start_0:
0x88: {  	s2 =	sld [smem:$0x3FD9]  }
0x89: {  	s3 =	sld [smem:$0x3FFE];
	_ =	sdelay $0x1  }
0x8a: {  	s1 =	srdreg.scid  }
0x8b: {  	s0 =	sand.u32 $0x1, s1  }
0x8c: {  	s16 =	sshll.u32 s0, $0xA;
	s2 =	sadd.s32 s3, s2  }
0x8d: {  	s2 =	sadd.s32 s2, s16  }
0x8e: {  	[smem:$0x3FB5] =	sst s2  }
0x8f: {  	_ = 	snop  }
0x90: {  	(tm) =	ssettm $0x1  }
0x91: {  	s17 =	sld [smem:$0x3FFB];
	_ =	sdelay $0x3  }
0x92: {  	_ =	strace s17  }
0x93: {  	s2 =	sld [smem:$0x3FFC];
	_ =	sdelay $0x3  }
0x94: {  	_ =	strace s2  }
0x95: {  	s2 =	sld [smem:$0x3FFD];
	_ =	sdelay $0x3  }
0x96: {  	_ =	strace s2  }
0x97: {  	_ =	strace $0x8FFFFFFF  }
0x98: {  	s18 =	sld [smem:$0x3FDB];
	_ =	sdelay $0x1  }
0x99: {  	s19 =	simm.s32 $_scs_section_size  }
0x9a: {  	s4 =	simm.s32 $_size__tile_overlayer_lowered;
	s5 =	simm.s32 $_tile_overlayer_lowered  }
0x9b: {  	s22 =	simm.s32 $0x1BFF;
	s21 =	sshll.u32 s5, $0x1;
	s2 =	sadd.s32 s19, s18  }
0x9c: {  	s6 =	simm.s32 $0x0;
	s20 =	sshll.u32 s4, $0x1;
	s4 =	sadd.s32 s21, s2  }
0x9d: {  	[timem:s6], [sflag:s22] =	dma.local [hbm:s4], s20  }
0x9e: {  	_ =	swait.ge [sflag:s22], s20  }
0x9f: {  	s3 =	ssub.s32 $0x0, s20;
	[sflag:s22] =	ssyncset.done $0x0  }
0xa0: {  	[sflag:s22] =	ssyncadd.s32 s3;
	_ =	sdelay $0x1  }
0xa1: {  	s23 =	simm.s32 $0x1B8B  }
0xa2: {  	_ =	swait.ge [sflag:s23], $0x1  }
0xa3: {  	[sflag:s23] =	ssyncset.done $0x0  }
0xa4: {  	s25 =	simm.s32 $0x1B8E;
	s24 =	sld [smem:$0x3FFE];
	[sflag:s23] =	ssyncadd.s32 $0xFFFFFFFF  }
0xa5: {  	s26 =	simm.s32 $execute0_lowered;
	[smem:$0x3FD2] =	sst s25  }
0xa6: {  	s4 =	sshll.u32 s26, $0x1;
	_ =	strace $0x80000061;
	[dreg:$0x1] =	wrdreg $0xFFFFFFFF  }
0xa7: {  	s28 =	simm.s32 $_size_execute0_lowered;
	s2 =	sadd.s32 s2, s4;
	[dreg:$0x0] =	wrdreg $0x0  }
0xa8: {  	s4 =	sshll.u32 s28, $0x1;
	[dreg:$0x2] =	wrdreg s2  }
0xa9: {  	[dreg:$0x3] =	wrdreg s4  }
0xaa: {  	[dreg:$0x4] =	wrdreg $0xC0  }
0xab: {  	_ =	task [dreg:s6], $0x5FFFF  }
0xac: {  	[dreg:$0x1] =	wrdreg $0xFFFFFFFF  }
0xad: {  	[dreg:$0x0] =	wrdreg $0x60  }
0xae: {  	[dreg:$0x2] =	wrdreg s24  }
0xaf: {  	[dreg:$0x3] =	wrdreg $0x14C800  }
0xb0: {  	[dreg:$0x4] =	wrdreg $0x9  }
0xb1: {  	_ =	task.clear_ibuf [dreg:s6], $0x5FFFF;
	_ =	strace $0x90000061  }
0xb2: {  	s29 =	simm.s32 $0x9;
	_ =	strace $0x80000063  }
0xb3: {  	_ =	swait.ge [sflag:s29], $0x1  }
0xb4: {  	[sflag:s29] =	ssyncadd.s32 $0xFFFFFFFF  }
0xb5: {  	_ =	strace $0x90000063  }
0xb6: {  	_ =	sfence  }
0xb7: {  	s30 =	sld [smem:$0x0];
	_ =	sdelay $0x2  }
0xb8: {  	s31 =	sshll.u32 s1, $0xD;
	s1 =	sshrl.u32 s1, $0x2  }
0xb9: {  	s3 =	sand.u32 $0x4000, s31;
	s1 =	sadd.s32 s1, s30  }
0xba: {  	s0 =	sor.u32 s3, s0;
	s1 =	sshll.u32 s1, $0x11  }
0xbb: {  	s0 =	sor.u32 s1, s0  }
0xbc: {  	s0 =	sadd.s32 $0x8F2B, s0  }
0xbd: {  	[sflag:s0] =	ssyncadd.remote.s32 $0x1  }
0xbe: {  	_ =	sfence.sel $0xFFFF  }
0xbf: {  	[dreg:$0x0] =	wrdreg $0xFFFFFFFF;
	(pc) =	sbr.abs _section_cstart, $3  }
0xc0: {  	[dreg:$0x1] =	wrdreg $0xFFFFFFFF  }
0xc1: {  	_ =	task.clear_ibuf [dreg:s6], $0x2FFFF;
	_ =	strace $0x9FFFFFFF  }
0xc2: {  	(tm) =	ssettm $0x7FFFFFFF  }
0xc3: {  	_ =	shalt  }
tec
execute0_lowered:
.L_overlay_start_1:
0x0: {  	(tag) =	ssettag $0x1  }
0x1: {  	s0 =	srdreg.scid;
	s4 =	rddreg [dreg:$0x0]  }
0x2: {  	s11 =	stileid.u32;
	s1 =	rddreg [dreg:$0x1]  }
0x3: {  	s2 =	simm.s32 $0x0;
	s13 =	simm.s32 $0x0;
	s3 =	sand.u32 $0x1, s0  }
0x4: {  	s31 =	sshll.u32 s11, $0x1;
	[smem:$0x7FF] =	sst s2;
	s8 =	smul.u32 $0x2800, s11  }
0x5: {  	p0 =	sne.s32 s11, $0x0;
	s0 =	sor.u32 s3, s31;
	s7 =	smul.u32 $0x28000, s3  }
0x6: {  	s11 =	sshll.u32 s11, $0x6;
	s9 =	ssub.s32 $0x2, s3;
	s5 =	smul.u32 $0x2710, s0  }
0x7: {  	s3 =	sadd.s32 $0x54B400, s4;
	s11 =	sor.u32 $0x1C01, s11;
	s6 =	smul.u32 $0x280, s0  }
0x8: {  	s0 =	rddreg [dreg:$0x2];
	_ =	strace $0x80000062;
	s10 =	sshrl.u32 s9, $0x1  }
0x9: {  	s12 =	sadd.s32 s8, s1;
	s7 =	sadd.s32 s8, s7;
	s9 =	ssub.s32 s9, s10  }
0xa: {  	s8 =	sshrl.u32 @!p0 s1, $0x3;
	s10 =	simm.s32 $0x7D;
	s12 =	sshrl.u32 s12, $0x3  }
0xb: {  	s5 =	sadd.s32 s5, s4;
	s6 =	sadd.s32 s6, s4;
	s7 =	sshrl.u32 s7, $0x3  }
0xc: {  	s7 =	sadd.s32 s7, s4;
	s4 =	sadd.s32 $0x546400, s6;
	s5 =	sadd.s32 $0x7200, s5  }
0xd: {  	s6 =	sadd.s32 $0x55400, s7;
	s7 =	smax.u32 s9, $0x1;
	s9 =	simm.s32 $0x1  }
.LBB2_1:
0xe: {  	s14 =	simm.s32 @!p0 $0x1C01  }
0xf: {  	[spmem:s8], [sflag:s14] =	dma.local @!p0 [hbm:s3], $0x5000  }
0x10: {  	s14 =	simm.s32 @!p0 $0x1  }
0x11: {  	_ =	swait.ge @!p0 [sflag:s14], $0x5000  }
0x12: {  	[sflag:s14] =	ssyncset.done @!p0 $0x0  }
0x13: {  	[sflag:s14] =	ssyncadd.s32 @!p0 $0xFFFFB000  }
0x14: {  	[tilespmem:s2], [sflag:$0x1] =	stream.linear.gather [hbm4b:s4+s2], $0x1400, $0x38;
	[tilespmem:$0x17480] =	vst v63  }
0x15: {  	_ =	swait.ge [sflag:s9], $0x1400  }
0x16: {  	[sflag:s9] =	ssyncset.done $0x0  }
0x17: {  	s14 =	simm.s32 $0x1400;
	[sflag:s9] =	ssyncadd.s32 $0xFFFFEC00  }
0x18: {  	[tilespmem:s14], [sflag:$0x1] =	stream.linear.gather [hbm4b:s5+s2], $0x13880, $0x38;
	[tilespmem:$0x17480] =	vst v63  }
0x19: {  	_ =	swait.ge [sflag:s9], $0x13880  }
0x1a: {  	[sflag:s9] =	ssyncset.done $0x0  }
0x1b: {  	[sflag:s9] =	ssyncadd.s32 $0xFFFEC780  }
0x1c: {  	s15 =	simm.s32 $0x0;
	[bflag:$0x0] =	sbarrier.arrive $0xFFFF  }
0x1d: {  	[spmem:s1] =	stream.indirect.scatter.add.f32 [tilespmem:s14], [sflag:$0x1], $0x10, s15, s10, $0xb8;
	[tilespmem:$0x17480] =	vst v63  }
0x1e: {  	_ =	swait.ge [sflag:s9], $0x7D0  }
0x1f: {  	s15 =	simm.s32 $0x200;
	[sflag:s9] =	ssyncset.done $0x0  }
.LBB2_2:
0x20: {  	s16 =	sshra.s32 s15, $0x2  }
0x21: {  	[sflag:s9] =	ssyncadd.s32 $0xFFFFF830;
	s14 =	sadd.s32 $0x7D0, s14;
	p1 =	sne.s32 s15, $0x4E00  }
0x22: {  	[spmem:s1] =	stream.indirect.scatter.add.f32 [tilespmem:s14], [sflag:$0x1], $0x10, s16, s10, $0xb8;
	[tilespmem:$0x17480] =	vst v63  }
.Ltmp0:
0x23: {  	_ = 	snop;
	(pc) =	sbr.rel @p1 .LBB2_2-.Ltmp0, $4  }
0x24: {  	_ = 	snop  }
0x25: {  	s15 =	sadd.s32 $0x200, s15  }
0x26: {  	_ =	swait.ge [sflag:s9], $0x7D0  }
0x27: {  	[sflag:s9] =	ssyncset.done $0x0  }
0x28: {  	s13 =	sadd.s32 $0x1, s13  }
0x29: {  	[sflag:s9] =	ssyncadd.s32 $0xFFFFF830;
	p1 =	sne.s32 s13, s7  }
.Ltmp1:
0x2a: {  	[bflag:$0x0] =	sbarrier.arrive $0xFFFF;
	(pc) =	sbr.rel @p1 .LBB2_1-.Ltmp1, $4  }
0x2b: {  	[hbm:s6], [sflag:s11] =	dma.local [spmem:s12], $0x500  }
0x2c: {  	_ =	swait.ge [sflag:s9], $0x500  }
0x2d: {  	[sflag:s9] =	ssyncset.done $0x0  }
0x2e: {  	[sflag:s9] =	ssyncadd.s32 $0xFFFFFB00  }
0x2f: {  	_ =	sfence.sel $0x180000  }
0x30: {  	[bflag:$0x0] =	sbarrier.arrive $0xFFFF  }
0x31: {  	_ =	strace $0x90000062  }
0x32: {  	s0 =	sadd.s32 @!p0 $0x100000, s0;
	[bflag:$0x2] =	sbarrier.arrive $0xFFFF  }
0x33: {  	[sflag:s0] =	ssyncadd.tile.s32 @!p0 $0x1;
	_ =	shalt  }
.Lfunc_end2:
_tile_overlayer_lowered:
.L_overlay_start_2:
0x34: {  	(tag) =	ssettag $0x2  }
0x35: {  	s0 =	rddreg [dreg:$0x0];
	s2 =	stileid.u32  }
0x36: {  	s1 =	rddreg [dreg:$0x1];
	p0 =	sne.s32 s2, $0x0  }
0x37: {  	s3 =	rddreg [dreg:$0x2];
	[bflag:$0x3] =	sbarrier.arrive $0xFFFF;
	s2 =	simm.s32 @!p0 $0x1C01  }
0x38: {  	[timem:s3], [sflag:s2] =	dma.local @!p0 [hbm:s0], s1  }
0x39: {  	s0 =	simm.s32 @!p0 $0x1  }
0x3a: {  	_ =	swait.ge @!p0 [sflag:s0], s1  }
0x3b: {  	s1 =	ssub.s32 @!p0 $0x0, s1;
	[sflag:s0] =	ssyncset.done @!p0 $0x0  }
0x3c: {  	[sflag:s0] =	ssyncadd.s32 @!p0 s1  }
0x3d: {  	[bflag:$0x3] =	sbarrier.arrive $0xFFFF  }
0x3e: {  	_ =	shalt  }

</sc_bundles>
